<compile_context>
chip_gen: v7x
topology: tpu7x:2x2x1
jax: 0.10.2.dev20260603
libtpu: 0.0.44.dev20260713+nightly
codegen_flags: <defaults>
</compile_context>

<pallas_src>
import functools

import jax
import jax.numpy as jnp
from jax import lax
from jax.experimental import pallas as pl
from jax.experimental.pallas import tpu as pltpu
from jax.experimental.pallas import tpu_sc as plsc

N = 10000
E = 320000
H = 128
G = 64

NC = 2
NS = 16
NW = NC * NS

C = 128
CH = 80
TOTCH = NW * CH
NEP = TOTCH * C

ZPT = 640
ZR = NS * ZPT


def _sc_body(h_hbm, eidx_hbm, out_hbm,
             agg_sp, idx0, idx1, rows0, rows1, si0, si1, sg0, sg1):
    cid = lax.axis_index("c")
    sid = lax.axis_index("s")
    cbase = (cid * NS + sid) * CH
    zero = jnp.zeros((16,), jnp.float32)

    @pl.loop(0, C)
    def _zb(r):
        for c0 in range(H // 16):
            rows0[r, pl.ds(c0 * 16, 16)] = zero

    @pl.loop(0, ZPT // C)
    def _zero(j):
        pltpu.sync_copy(rows0, agg_sp.at[pl.ds(sid * ZPT + j * C, C)])

    plsc.subcore_barrier()

    def istart(jj, ibuf, sem):
        pltpu.async_copy(eidx_hbm.at[cbase + jj], ibuf, sem)

    def iwait(ibuf, sem):
        pltpu.make_async_copy(eidx_hbm.at[0], ibuf, sem).wait()

    def gstart(ibuf, buf, sem):
        h2 = C // 2
        pltpu.async_copy(h_hbm.at[ibuf.at[0, pl.ds(0, h2)]],
                         buf.at[pl.ds(0, h2)], sem)
        pltpu.async_copy(h_hbm.at[ibuf.at[0, pl.ds(h2, h2)]],
                         buf.at[pl.ds(h2, h2)], sem)

    def gwait(buf, sem):
        pltpu.make_async_copy(h_hbm.at[pl.ds(0, C)], buf, sem).wait()

    def scat(ibuf, buf):
        pltpu.sync_copy(buf, agg_sp.at[ibuf.at[1]], add=True)

    istart(0, idx0, si0)
    istart(1, idx1, si1)
    iwait(idx0, si0)
    gstart(idx0, rows0, sg0)

    @pl.loop(0, CH - 2, step=2)
    def _edges(j):
        iwait(idx1, si1)
        gstart(idx1, rows1, sg1)
        gwait(rows0, sg0)
        scat(idx0, rows0)
        istart(j + 2, idx0, si0)

        iwait(idx0, si0)
        gstart(idx0, rows0, sg0)
        gwait(rows1, sg1)
        scat(idx1, rows1)
        istart(j + 3, idx1, si1)

    iwait(idx1, si1)
    gstart(idx1, rows1, sg1)
    gwait(rows0, sg0)
    scat(idx0, rows0)
    gwait(rows1, sg1)
    scat(idx1, rows1)

    plsc.subcore_barrier()

    pltpu.sync_copy(agg_sp.at[pl.ds(sid * ZPT, ZPT)],
                    out_hbm.at[cid, pl.ds(sid * ZPT, ZPT)])


@functools.cache
def _get_sc_aggregate():
    mesh = plsc.VectorSubcoreMesh(core_axis_name="c", subcore_axis_name="s",
                                  num_cores=NC, num_subcores=NS)
    return pl.kernel(
        _sc_body,
        out_type=jax.ShapeDtypeStruct((NC, ZR, H), jnp.float32),
        mesh=mesh,
        scratch_types=[
            pltpu.VMEM_SHARED((ZR, H), jnp.float32),
            pltpu.VMEM((2, C), jnp.int32),
            pltpu.VMEM((2, C), jnp.int32),
            pltpu.VMEM((C, H), jnp.float32),
            pltpu.VMEM((C, H), jnp.float32),
            pltpu.SemaphoreType.DMA,
            pltpu.SemaphoreType.DMA,
            pltpu.SemaphoreType.DMA,
            pltpu.SemaphoreType.DMA,
        ],
    )


BR = 2000
NB = N // BR


def _layer_pool_body(agg_ref, h_ref, wrel_ref, brel_ref, wroot_ref,
                     batch_ref, pin_ref, hout_ref, pout_ref):
    pid = pl.program_id(0)
    aggsum = agg_ref[0] + agg_ref[1]
    acc = jnp.dot(aggsum, wrel_ref[...], preferred_element_type=jnp.float32)
    acc += jnp.dot(h_ref[...], wroot_ref[...], preferred_element_type=jnp.float32)
    acc += brel_ref[...]
    hn = jnp.maximum(acc, 0.0)
    hout_ref[...] = hn

    @pl.when(pid == 0)
    def _():
        pout_ref[...] = pin_ref[...]

    b = batch_ref[0, 0, :]
    onehot = (b[:, None] == lax.broadcasted_iota(jnp.int32, (1, G), 1)
              ).astype(jnp.float32)
    pout_ref[...] += lax.dot_general(onehot, hn, (((0,), (0,)), ((), ())),
                                     precision=lax.Precision.HIGHEST,
                                     preferred_element_type=jnp.float32)


_layer_pool_call = pl.pallas_call(
    _layer_pool_body,
    grid=(NB,),
    in_specs=[
        pl.BlockSpec((NC, BR, H), lambda i: (0, i, 0)),
        pl.BlockSpec((BR, H), lambda i: (i, 0)),
        pl.BlockSpec((H, H), lambda i: (0, 0)),
        pl.BlockSpec((1, H), lambda i: (0, 0)),
        pl.BlockSpec((H, H), lambda i: (0, 0)),
        pl.BlockSpec((1, 1, BR), lambda i: (i, 0, 0)),
        pl.BlockSpec((G, H), lambda i: (0, 0)),
    ],
    out_specs=[
        pl.BlockSpec((BR, H), lambda i: (i, 0)),
        pl.BlockSpec((G, H), lambda i: (0, 0)),
    ],
    out_shape=[
        jax.ShapeDtypeStruct((N, H), jnp.float32),
        jax.ShapeDtypeStruct((G, H), jnp.float32),
    ],
)


def _layer3_body(agg_ref, h_ref, wrel_ref, brel_ref, wroot_ref,
                 batch_ref, pin_ref,
                 w1_ref, b1_ref, w2_ref, b2_ref, w3_ref, b3_ref,
                 out_ref, pacc):
    pid = pl.program_id(0)
    aggsum = agg_ref[0] + agg_ref[1]
    acc = jnp.dot(aggsum, wrel_ref[...], preferred_element_type=jnp.float32)
    acc += jnp.dot(h_ref[...], wroot_ref[...], preferred_element_type=jnp.float32)
    acc += brel_ref[...]
    hn = jnp.maximum(acc, 0.0)

    @pl.when(pid == 0)
    def _():
        pacc[...] = pin_ref[...]

    b = batch_ref[0, 0, :]
    onehot = (b[:, None] == lax.broadcasted_iota(jnp.int32, (1, G), 1)
              ).astype(jnp.float32)
    pacc[...] += lax.dot_general(onehot, hn, (((0,), (0,)), ((), ())),
                                 precision=lax.Precision.HIGHEST,
                                 preferred_element_type=jnp.float32)

    o = jnp.maximum(
        jnp.dot(pacc[...], w1_ref[...], preferred_element_type=jnp.float32)
        + b1_ref[...], 0.0)
    o = jnp.maximum(
        jnp.dot(o, w2_ref[...], preferred_element_type=jnp.float32)
        + b2_ref[...], 0.0)
    out_ref[...] = (jnp.dot(o, w3_ref[...], preferred_element_type=jnp.float32)
                    + b3_ref[...])


_layer3_call = pl.pallas_call(
    _layer3_body,
    grid=(NB,),
    in_specs=[
        pl.BlockSpec((NC, BR, H), lambda i: (0, i, 0)),
        pl.BlockSpec((BR, H), lambda i: (i, 0)),
        pl.BlockSpec((H, H), lambda i: (0, 0)),
        pl.BlockSpec((1, H), lambda i: (0, 0)),
        pl.BlockSpec((H, H), lambda i: (0, 0)),
        pl.BlockSpec((1, 1, BR), lambda i: (i, 0, 0)),
        pl.BlockSpec((G, H), lambda i: (0, 0)),
        pl.BlockSpec((H, 64), lambda i: (0, 0)),
        pl.BlockSpec((1, 64), lambda i: (0, 0)),
        pl.BlockSpec((64, 32), lambda i: (0, 0)),
        pl.BlockSpec((1, 32), lambda i: (0, 0)),
        pl.BlockSpec((32, 1), lambda i: (0, 0)),
        pl.BlockSpec((1, 1), lambda i: (0, 0)),
    ],
    out_specs=pl.BlockSpec((G, 1), lambda i: (0, 0)),
    out_shape=jax.ShapeDtypeStruct((G, 1), jnp.float32),
    scratch_shapes=[pltpu.VMEM((G, H), jnp.float32)],
)


def kernel(x, edge_index, batch, W_rel, b_rel, W_root, W1, b1, W2, b2, W3, b3):
    src = edge_index[0].astype(jnp.int32)
    dst = edge_index[1].astype(jnp.int32)
    pad = NEP - E
    pad_src = jnp.arange(pad, dtype=jnp.int32) % N
    pad_dst = N + (jnp.arange(pad, dtype=jnp.int32) % (ZR - N))
    src_p = jnp.concatenate([src, pad_src]).reshape(TOTCH, C)
    dst_p = jnp.concatenate([dst, pad_dst]).reshape(TOTCH, C)
    eidx = jnp.stack([src_p, dst_p], axis=1)
    batch3 = batch.astype(jnp.int32).reshape(NB, 1, BR)

    h = x
    p = jnp.zeros((G, H), jnp.float32)
    for i in range(2):
        agg2 = _get_sc_aggregate()(h, eidx)
        h, p = _layer_pool_call(agg2, h, W_rel[i], b_rel[i].reshape(1, H),
                                W_root[i], batch3, p)
    agg2 = _get_sc_aggregate()(h, eidx)
    return _layer3_call(agg2, h, W_rel[2], b_rel[2].reshape(1, H), W_root[2],
                        batch3, p,
                        W1, b1.reshape(1, 64), W2, b2.reshape(1, 32),
                        W3, b3.reshape(1, 1))

# --- scband reference (transcript-rebuilt; emitter-appended) ---
"""Pipeline reference for scband-gnn-10969346474112 (READ-ONLY COPY).

The authoritative reference and input builder live on the scoring server;
editing this copy changes nothing except your own understanding.
"""

import jax, jax.numpy as jnp
import numpy as np

N = 10000   # nodes
E = 320000  # edges
D = 128     # in_channel
H = 128     # hidden_channel
G = 64      # number of graphs in batch
L = 3       # num_gnn_layers
OUT = 1     # out_channel


def setup_inputs(seed: int = 0) -> dict:
    key = jax.random.key(seed)
    ks = jax.random.split(key, 16)
    x = jax.random.normal(ks[0], (N, D), dtype=jnp.float32)
    edge_index = jax.random.randint(ks[1], (2, E), 0, N)
    batch = jnp.sort(jax.random.randint(ks[2], (N,), 0, G))
    s = 1.0 / np.sqrt(H)
    # GraphConv params per layer: lin_rel (with bias) applied to aggregated
    # neighbor sum, lin_root (no bias) applied to self features.
    W_rel = jax.random.normal(ks[3], (L, H, H), dtype=jnp.float32) * s
    b_rel = jnp.zeros((L, H), dtype=jnp.float32)
    W_root = jax.random.normal(ks[4], (L, H, H), dtype=jnp.float32) * s
    # MLP head
    W1 = jax.random.normal(ks[5], (H, 64), dtype=jnp.float32) * s
    b1 = jnp.zeros((64,), dtype=jnp.float32)
    W2 = jax.random.normal(ks[6], (64, 32), dtype=jnp.float32) * (1.0 / np.sqrt(64))
    b2 = jnp.zeros((32,), dtype=jnp.float32)
    W3 = jax.random.normal(ks[7], (32, OUT), dtype=jnp.float32) * (1.0 / np.sqrt(32))
    b3 = jnp.zeros((OUT,), dtype=jnp.float32)
    return {"x": x, "edge_index": edge_index, "batch": batch,
            "W_rel": W_rel, "b_rel": b_rel, "W_root": W_root,
            "W1": W1, "b1": b1, "W2": W2, "b2": b2, "W3": W3, "b3": b3}


def reference(x, edge_index, batch, W_rel, b_rel, W_root, W1, b1, W2, b2, W3, b3):
    src = edge_index[0]
    dst = edge_index[1]
    h = x
    x_add = None
    for i in range(L):
        # GraphConv with aggr='add': out_i = lin_rel(sum_{j->i} h_j) + lin_root(h_i)
        agg = jnp.zeros_like(h).at[dst].add(h[src])
        h = agg @ W_rel[i] + b_rel[i] + h @ W_root[i]
        h = jax.nn.relu(h)
        # dropout p=0.0 -> identity
        p = jax.ops.segment_sum(h, batch, num_segments=G)  # global_add_pool
        x_add = p if x_add is None else x_add + p
    out = jax.nn.relu(x_add @ W1 + b1)
    out = jax.nn.relu(out @ W2 + b2)
    out = out @ W3 + b3
    return out

if __name__ == "__main__":
    import jax
    _d = setup_inputs()
    print(jax.jit(kernel)(*tuple(_d.values())))

</pallas_src>

<mosaic_0001>
#map = affine_map<(d0, d1) -> (0, 0)>
#map1 = affine_map<(d0, d1) -> (0, 0, 0)>
module attributes {stable_mosaic.version = 14 : i64} {
  func.func @_sc_body(%arg0: i32, %arg1: i32, %arg2: memref<10000x128xf32, #tpu.memory_space<hbm>>, %arg3: memref<2560x2x128xi32, #tpu.memory_space<hbm>>, %arg4: memref<2x10240x128xf32, #tpu.memory_space<hbm>>, %arg5: memref<10240x128xf32, #tpu.memory_space<vmem_shared>>, %arg6: memref<2x128xi32, #tpu.memory_space<vmem>>, %arg7: memref<2x128xi32, #tpu.memory_space<vmem>>, %arg8: memref<128x128xf32, #tpu.memory_space<vmem>>, %arg9: memref<128x128xf32, #tpu.memory_space<vmem>>, %arg10: memref<!tpu.dma_semaphore, #tpu.memory_space<semaphore_mem>>, %arg11: memref<!tpu.dma_semaphore, #tpu.memory_space<semaphore_mem>>, %arg12: memref<!tpu.dma_semaphore, #tpu.memory_space<semaphore_mem>>, %arg13: memref<!tpu.dma_semaphore, #tpu.memory_space<semaphore_mem>>) attributes {dimension_semantics = [#tpu.dimension_semantics<core_parallel>, #tpu.dimension_semantics<subcore_parallel>], iteration_bounds = array<i64: 2, 16>, scalar_prefetch = 0 : i64, scratch_operands = 9 : i64, tpu.core_type = #tpu.core_type<sc_vector_subcore>, window_params = [{transform_indices = #map}, {transform_indices = #map1}, {transform_indices = #map1}]} {
    %mul3A = arith.constant 16 : i32
    %mul3A_0 = arith.muli %arg0, %mul3A : i32
    %add3A = arith.addi %mul3A_0, %arg1 : i32
    %mul3A_1 = arith.constant 80 : i32
    %mul3A_2 = arith.muli %add3A, %mul3A_1 : i32
    %broadcast_in_dim3A = arith.constant 0.000000e+00 : f32
    %broadcast_in_dim3A_3 = vector.broadcast %broadcast_in_dim3A : f32 to vector<16xf32>
    %scan3A = arith.constant 0 : i32
    %scan3A_4 = arith.constant 128 : i32
    %scan3A_5 = arith.addi %scan3A, %scan3A_4 : i32
    %scan3A_6 = arith.constant 1 : i32
    scf.for %scan3A_112 = %scan3A to %scan3A_5 step %scan3A_6  : i32 {
      %mul3A_113 = arith.constant 1 : i32
      %mul3A_114 = arith.muli %scan3A_112, %mul3A_113 : i32
      %add3A_115 = arith.constant 0 : i32
      %add3A_116 = arith.addi %add3A_115, %mul3A_114 : i32
      %swap3A = arith.index_cast %add3A_116 : i32 to index
      %swap3A_117 = arith.constant 0 : index
      %swap3A_118 = tpu.vector_load %arg8[%swap3A, %swap3A_117] {strides = array<i32>} : memref<128x128xf32, #tpu.memory_space<vmem>>, vector<1x16xf32>,
      %swap3A_119 = vector.shape_cast %swap3A_118 : vector<1x16xf32> to vector<16xf32>
      %swap3A_120 = vector.shape_cast %broadcast_in_dim3A_3 : vector<16xf32> to vector<1x16xf32>
      tpu.vector_store %arg8[%swap3A, %swap3A_117], %swap3A_120 {strides = array<i32>} : memref<128x128xf32, #tpu.memory_space<vmem>>, vector<1x16xf32>,
      %swap3A_121 = arith.index_cast %add3A_116 : i32 to index
      %swap3A_122 = arith.constant 16 : index
      %swap3A_123 = tpu.vector_load %arg8[%swap3A_121, %swap3A_122] {strides = array<i32>} : memref<128x128xf32, #tpu.memory_space<vmem>>, vector<1x16xf32>,
      %swap3A_124 = vector.shape_cast %swap3A_123 : vector<1x16xf32> to vector<16xf32>
      %swap3A_125 = vector.shape_cast %broadcast_in_dim3A_3 : vector<16xf32> to vector<1x16xf32>
      tpu.vector_store %arg8[%swap3A_121, %swap3A_122], %swap3A_125 {strides = array<i32>} : memref<128x128xf32, #tpu.memory_space<vmem>>, vector<1x16xf32>,
      %swap3A_126 = arith.index_cast %add3A_116 : i32 to index
      %swap3A_127 = arith.constant 32 : index
      %swap3A_128 = tpu.vector_load %arg8[%swap3A_126, %swap3A_127] {strides = array<i32>} : memref<128x128xf32, #tpu.memory_space<vmem>>, vector<1x16xf32>,
      %swap3A_129 = vector.shape_cast %swap3A_128 : vector<1x16xf32> to vector<16xf32>
      %swap3A_130 = vector.shape_cast %broadcast_in_dim3A_3 : vector<16xf32> to vector<1x16xf32>
      tpu.vector_store %arg8[%swap3A_126, %swap3A_127], %swap3A_130 {strides = array<i32>} : memref<128x128xf32, #tpu.memory_space<vmem>>, vector<1x16xf32>,
      %swap3A_131 = arith.index_cast %add3A_116 : i32 to index
      %swap3A_132 = arith.constant 48 : index
      %swap3A_133 = tpu.vector_load %arg8[%swap3A_131, %swap3A_132] {strides = array<i32>} : memref<128x128xf32, #tpu.memory_space<vmem>>, vector<1x16xf32>,
      %swap3A_134 = vector.shape_cast %swap3A_133 : vector<1x16xf32> to vector<16xf32>
      %swap3A_135 = vector.shape_cast %broadcast_in_dim3A_3 : vector<16xf32> to vector<1x16xf32>
      tpu.vector_store %arg8[%swap3A_131, %swap3A_132], %swap3A_135 {strides = array<i32>} : memref<128x128xf32, #tpu.memory_space<vmem>>, vector<1x16xf32>,
      %swap3A_136 = arith.index_cast %add3A_116 : i32 to index
      %swap3A_137 = arith.constant 64 : index
      %swap3A_138 = tpu.vector_load %arg8[%swap3A_136, %swap3A_137] {strides = array<i32>} : memref<128x128xf32, #tpu.memory_space<vmem>>, vector<1x16xf32>,
      %swap3A_139 = vector.shape_cast %swap3A_138 : vector<1x16xf32> to vector<16xf32>
      %swap3A_140 = vector.shape_cast %broadcast_in_dim3A_3 : vector<16xf32> to vector<1x16xf32>
      tpu.vector_store %arg8[%swap3A_136, %swap3A_137], %swap3A_140 {strides = array<i32>} : memref<128x128xf32, #tpu.memory_space<vmem>>, vector<1x16xf32>,
      %swap3A_141 = arith.index_cast %add3A_116 : i32 to index
      %swap3A_142 = arith.constant 80 : index
      %swap3A_143 = tpu.vector_load %arg8[%swap3A_141, %swap3A_142] {strides = array<i32>} : memref<128x128xf32, #tpu.memory_space<vmem>>, vector<1x16xf32>,
      %swap3A_144 = vector.shape_cast %swap3A_143 : vector<1x16xf32> to vector<16xf32>
      %swap3A_145 = vector.shape_cast %broadcast_in_dim3A_3 : vector<16xf32> to vector<1x16xf32>
      tpu.vector_store %arg8[%swap3A_141, %swap3A_142], %swap3A_145 {strides = array<i32>} : memref<128x128xf32, #tpu.memory_space<vmem>>, vector<1x16xf32>,
      %swap3A_146 = arith.index_cast %add3A_116 : i32 to index
      %swap3A_147 = arith.constant 96 : index
      %swap3A_148 = tpu.vector_load %arg8[%swap3A_146, %swap3A_147] {strides = array<i32>} : memref<128x128xf32, #tpu.memory_space<vmem>>, vector<1x16xf32>,
      %swap3A_149 = vector.shape_cast %swap3A_148 : vector<1x16xf32> to vector<16xf32>
      %swap3A_150 = vector.shape_cast %broadcast_in_dim3A_3 : vector<16xf32> to vector<1x16xf32>
      tpu.vector_store %arg8[%swap3A_146, %swap3A_147], %swap3A_150 {strides = array<i32>} : memref<128x128xf32, #tpu.memory_space<vmem>>, vector<1x16xf32>,
      %swap3A_151 = arith.index_cast %add3A_116 : i32 to index
      %swap3A_152 = arith.constant 112 : index
      %swap3A_153 = tpu.vector_load %arg8[%swap3A_151, %swap3A_152] {strides = array<i32>} : memref<128x128xf32, #tpu.memory_space<vmem>>, vector<1x16xf32>,
      %swap3A_154 = vector.shape_cast %swap3A_153 : vector<1x16xf32> to vector<16xf32>
      %swap3A_155 = vector.shape_cast %broadcast_in_dim3A_3 : vector<16xf32> to vector<1x16xf32>
      tpu.vector_store %arg8[%swap3A_151, %swap3A_152], %swap3A_155 {strides = array<i32>} : memref<128x128xf32, #tpu.memory_space<vmem>>, vector<1x16xf32>,
    }
    %scan3A_7 = arith.constant 128 : i32
    %scan3A_8 = arith.constant 0 : i32
    %scan3A_9 = arith.constant 5 : i32
    %scan3A_10 = arith.addi %scan3A_8, %scan3A_9 : i32
    %scan3A_11 = arith.constant 1 : i32
    scf.for %scan3A_112 = %scan3A_8 to %scan3A_10 step %scan3A_11  : i32 {
      %mul3A_113 = arith.constant 1 : i32
      %mul3A_114 = arith.muli %scan3A_112, %mul3A_113 : i32
      %add3A_115 = arith.constant 0 : i32
      %add3A_116 = arith.addi %add3A_115, %mul3A_114 : i32
      %mul3A_117 = arith.constant 640 : i32
      %mul3A_118 = arith.muli %arg1, %mul3A_117 : i32
      %mul3A_119 = arith.constant 128 : i32
      %mul3A_120 = arith.muli %add3A_116, %mul3A_119 : i32
      %add3A_121 = arith.addi %mul3A_118, %mul3A_120 : i32
      "tpu.region"() ({
        %run_scoped3A_122 = tpu.sem_alloc : memref<!tpu.dma_semaphore, #tpu.memory_space<semaphore_mem>>
        %dma_start3A_123 = arith.constant 0 : i32
        %dma_start3A_124 = tpu.memref_slice %arg5[%add3A_121, %dma_start3A_123] : memref<10240x128xf32, #tpu.memory_space<vmem_shared>> -> memref<128x128xf32, #tpu.memory_space<vmem_shared>>
        %dma_start3A_125 = arith.constant 0 : i32
        %dma_start3A_126 = tpu.memref_slice %arg5[%add3A_121, %dma_start3A_125] : memref<10240x128xf32, #tpu.memory_space<vmem_shared>> -> memref<128x128xf32, #tpu.memory_space<vmem_shared>>
        tpu.enqueue_dma source(%arg8 : memref<128x128xf32, #tpu.memory_space<vmem>>) target(%dma_start3A_126 : memref<128x128xf32, #tpu.memory_space<vmem_shared>>) target_semaphore(%run_scoped3A_122 : memref<!tpu.dma_semaphore, #tpu.memory_space<semaphore_mem>>)
        %dma_wait3A_127 = arith.constant 0 : i32
        %dma_wait3A_128 = tpu.memref_slice %arg5[%add3A_121, %dma_wait3A_127] : memref<10240x128xf32, #tpu.memory_space<vmem_shared>> -> memref<128x128xf32, #tpu.memory_space<vmem_shared>>
        %dma_wait3A_129 = arith.constant 0 : i32
        %dma_wait3A_130 = tpu.memref_slice %arg5[%add3A_121, %dma_wait3A_129] : memref<10240x128xf32, #tpu.memory_space<vmem_shared>> -> memref<128x128xf32, #tpu.memory_space<vmem_shared>>
        tpu.wait_dma2 semaphore(%run_scoped3A_122 : memref<!tpu.dma_semaphore, #tpu.memory_space<semaphore_mem>>) src(%arg8 : memref<128x128xf32, #tpu.memory_space<vmem>>) dst(%dma_wait3A_130 : memref<128x128xf32, #tpu.memory_space<vmem_shared>>)
        tpu.yield
      }) : () -> ()
    }
    %scan3A_12 = arith.constant 5 : i32
    %barrier3A = arith.constant 0 : index
    tpu.barrier barrier_id(%barrier3A)
    %add3A_13 = arith.constant 0 : i32
    %add3A_14 = arith.addi %mul3A_2, %add3A_13 : i32
    %dma_start3A = arith.constant 0 : i32
    %dma_start3A_15 = arith.constant 0 : i32
    %dma_start3A_16 = tpu.memref_slice %arg3[%add3A_14, %dma_start3A, %dma_start3A_15] : memref<2560x2x128xi32, #tpu.memory_space<hbm>> -> memref<1x2x128xi32, #tpu.memory_space<hbm>>
    %dma_start3A_17 = tpu.memref_squeeze %dma_start3A_16 : memref<1x2x128xi32, #tpu.memory_space<hbm>> -> memref<2x128xi32, #tpu.memory_space<hbm>>
    %dma_start3A_18 = arith.constant 0 : i32
    %dma_start3A_19 = arith.constant 0 : i32
    %dma_start3A_20 = tpu.memref_slice %arg3[%add3A_14, %dma_start3A_18, %dma_start3A_19] : memref<2560x2x128xi32, #tpu.memory_space<hbm>> -> memref<1x2x128xi32, #tpu.memory_space<hbm>>
    %dma_start3A_21 = tpu.memref_squeeze %dma_start3A_20 : memref<1x2x128xi32, #tpu.memory_space<hbm>> -> memref<2x128xi32, #tpu.memory_space<hbm>>
    tpu.enqueue_dma source(%dma_start3A_21 : memref<2x128xi32, #tpu.memory_space<hbm>>) target(%arg6 : memref<2x128xi32, #tpu.memory_space<vmem>>) target_semaphore(%arg10 : memref<!tpu.dma_semaphore, #tpu.memory_space<semaphore_mem>>)
    %add3A_22 = arith.constant 1 : i32
    %add3A_23 = arith.addi %mul3A_2, %add3A_22 : i32
    %dma_start3A_24 = arith.constant 0 : i32
    %dma_start3A_25 = arith.constant 0 : i32
    %dma_start3A_26 = tpu.memref_slice %arg3[%add3A_23, %dma_start3A_24, %dma_start3A_25] : memref<2560x2x128xi32, #tpu.memory_space<hbm>> -> memref<1x2x128xi32, #tpu.memory_space<hbm>>
    %dma_start3A_27 = tpu.memref_squeeze %dma_start3A_26 : memref<1x2x128xi32, #tpu.memory_space<hbm>> -> memref<2x128xi32, #tpu.memory_space<hbm>>
    %dma_start3A_28 = arith.constant 0 : i32
    %dma_start3A_29 = arith.constant 0 : i32
    %dma_start3A_30 = tpu.memref_slice %arg3[%add3A_23, %dma_start3A_28, %dma_start3A_29] : memref<2560x2x128xi32, #tpu.memory_space<hbm>> -> memref<1x2x128xi32, #tpu.memory_space<hbm>>
    %dma_start3A_31 = tpu.memref_squeeze %dma_start3A_30 : memref<1x2x128xi32, #tpu.memory_space<hbm>> -> memref<2x128xi32, #tpu.memory_space<hbm>>
    tpu.enqueue_dma source(%dma_start3A_31 : memref<2x128xi32, #tpu.memory_space<hbm>>) target(%arg7 : memref<2x128xi32, #tpu.memory_space<vmem>>) target_semaphore(%arg11 : memref<!tpu.dma_semaphore, #tpu.memory_space<semaphore_mem>>)
    %dma_wait3A = arith.constant 0 : i32
    %dma_wait3A_32 = arith.constant 0 : i32
    %dma_wait3A_33 = arith.constant 0 : i32
    %dma_wait3A_34 = tpu.memref_slice %arg3[%dma_wait3A, %dma_wait3A_32, %dma_wait3A_33] : memref<2560x2x128xi32, #tpu.memory_space<hbm>> -> memref<1x2x128xi32, #tpu.memory_space<hbm>>
    %dma_wait3A_35 = tpu.memref_squeeze %dma_wait3A_34 : memref<1x2x128xi32, #tpu.memory_space<hbm>> -> memref<2x128xi32, #tpu.memory_space<hbm>>
    %dma_wait3A_36 = arith.constant 0 : i32
    %dma_wait3A_37 = arith.constant 0 : i32
    %dma_wait3A_38 = tpu.memref_slice %arg3[%dma_wait3A, %dma_wait3A_36, %dma_wait3A_37] : memref<2560x2x128xi32, #tpu.memory_space<hbm>> -> memref<1x2x128xi32, #tpu.memory_space<hbm>>
    %dma_wait3A_39 = tpu.memref_squeeze %dma_wait3A_38 : memref<1x2x128xi32, #tpu.memory_space<hbm>> -> memref<2x128xi32, #tpu.memory_space<hbm>>
    tpu.wait_dma2 semaphore(%arg10 : memref<!tpu.dma_semaphore, #tpu.memory_space<semaphore_mem>>) src(%dma_wait3A_39 : memref<2x128xi32, #tpu.memory_space<hbm>>) dst(%arg6 : memref<2x128xi32, #tpu.memory_space<vmem>>)
    %dma_start3A_40 = arith.constant 0 : i32
    %dma_start3A_41 = arith.constant 0 : i32
    %dma_start3A_42 = arith.constant 0 : i32
    %dma_start3A_43 = tpu.memref_slice %arg8[%dma_start3A_41, %dma_start3A_42] : memref<128x128xf32, #tpu.memory_space<vmem>> -> memref<64x128xf32, #tpu.memory_space<vmem>>
    %dma_start3A_44 = arith.constant 0 : i32
    %dma_start3A_45 = tpu.memref_slice %arg6[%dma_start3A_40, %dma_start3A_44] : memref<2x128xi32, #tpu.memory_space<vmem>> -> memref<1x64xi32, #tpu.memory_space<vmem>>
    %dma_start3A_46 = tpu.memref_squeeze %dma_start3A_45 : memref<1x64xi32, #tpu.memory_space<vmem>> -> memref<64xi32, #tpu.memory_space<vmem>>
    %dma_start3A_47 = arith.constant 0 : i32
    %dma_start3A_48 = arith.constant 0 : i32
    %dma_start3A_49 = tpu.memref_slice %arg2[%dma_start3A_47, %dma_start3A_48] : memref<10000x128xf32, #tpu.memory_space<hbm>> -> memref<10000x128xf32, #tpu.memory_space<hbm>>
    tpu.enqueue_indirect_dma source(%dma_start3A_49 : memref<10000x128xf32, #tpu.memory_space<hbm>>) target(%dma_start3A_43 : memref<64x128xf32, #tpu.memory_space<vmem>>) offsets(%dma_start3A_46 : memref<64xi32, #tpu.memory_space<vmem>>) semaphore(%arg12 : memref<!tpu.dma_semaphore, #tpu.memory_space<semaphore_mem>>)
    %dma_start3A_50 = arith.constant 0 : i32
    %dma_start3A_51 = arith.constant 64 : i32
    %dma_start3A_52 = arith.constant 0 : i32
    %dma_start3A_53 = tpu.memref_slice %arg8[%dma_start3A_51, %dma_start3A_52] : memref<128x128xf32, #tpu.memory_space<vmem>> -> memref<64x128xf32, #tpu.memory_space<vmem>>
    %dma_start3A_54 = arith.constant 64 : i32
    %dma_start3A_55 = tpu.memref_slice %arg6[%dma_start3A_50, %dma_start3A_54] : memref<2x128xi32, #tpu.memory_space<vmem>> -> memref<1x64xi32, #tpu.memory_space<vmem>>
    %dma_start3A_56 = tpu.memref_squeeze %dma_start3A_55 : memref<1x64xi32, #tpu.memory_space<vmem>> -> memref<64xi32, #tpu.memory_space<vmem>>
    %dma_start3A_57 = arith.constant 0 : i32
    %dma_start3A_58 = arith.constant 0 : i32
    %dma_start3A_59 = tpu.memref_slice %arg2[%dma_start3A_57, %dma_start3A_58] : memref<10000x128xf32, #tpu.memory_space<hbm>> -> memref<10000x128xf32, #tpu.memory_space<hbm>>
    tpu.enqueue_indirect_dma source(%dma_start3A_59 : memref<10000x128xf32, #tpu.memory_space<hbm>>) target(%dma_start3A_53 : memref<64x128xf32, #tpu.memory_space<vmem>>) offsets(%dma_start3A_56 : memref<64xi32, #tpu.memory_space<vmem>>) semaphore(%arg12 : memref<!tpu.dma_semaphore, #tpu.memory_space<semaphore_mem>>)
    %scan3A_60 = arith.constant 0 : i32
    %scan3A_61 = arith.constant 39 : i32
    %scan3A_62 = arith.addi %scan3A_60, %scan3A_61 : i32
    %scan3A_63 = arith.constant 1 : i32
    scf.for %scan3A_112 = %scan3A_60 to %scan3A_62 step %scan3A_63  : i32 {
      %mul3A_113 = arith.constant 2 : i32
      %mul3A_114 = arith.muli %scan3A_112, %mul3A_113 : i32
      %add3A_115 = arith.constant 0 : i32
      %add3A_116 = arith.addi %add3A_115, %mul3A_114 : i32
      %dma_wait3A_117 = arith.constant 0 : i32
      %dma_wait3A_118 = arith.constant 0 : i32
      %dma_wait3A_119 = arith.constant 0 : i32
      %dma_wait3A_120 = tpu.memref_slice %arg3[%dma_wait3A_117, %dma_wait3A_118, %dma_wait3A_119] : memref<2560x2x128xi32, #tpu.memory_space<hbm>> -> memref<1x2x128xi32, #tpu.memory_space<hbm>>
      %dma_wait3A_121 = tpu.memref_squeeze %dma_wait3A_120 : memref<1x2x128xi32, #tpu.memory_space<hbm>> -> memref<2x128xi32, #tpu.memory_space<hbm>>
      %dma_wait3A_122 = arith.constant 0 : i32
      %dma_wait3A_123 = arith.constant 0 : i32
      %dma_wait3A_124 = tpu.memref_slice %arg3[%dma_wait3A_117, %dma_wait3A_122, %dma_wait3A_123] : memref<2560x2x128xi32, #tpu.memory_space<hbm>> -> memref<1x2x128xi32, #tpu.memory_space<hbm>>
      %dma_wait3A_125 = tpu.memref_squeeze %dma_wait3A_124 : memref<1x2x128xi32, #tpu.memory_space<hbm>> -> memref<2x128xi32, #tpu.memory_space<hbm>>
      tpu.wait_dma2 semaphore(%arg11 : memref<!tpu.dma_semaphore, #tpu.memory_space<semaphore_mem>>) src(%dma_wait3A_125 : memref<2x128xi32, #tpu.memory_space<hbm>>) dst(%arg7 : memref<2x128xi32, #tpu.memory_space<vmem>>)
      %dma_start3A_126 = arith.constant 0 : i32
      %dma_start3A_127 = arith.constant 0 : i32
      %dma_start3A_128 = arith.constant 0 : i32
      %dma_start3A_129 = tpu.memref_slice %arg9[%dma_start3A_127, %dma_start3A_128] : memref<128x128xf32, #tpu.memory_space<vmem>> -> memref<64x128xf32, #tpu.memory_space<vmem>>
      %dma_start3A_130 = arith.constant 0 : i32
      %dma_start3A_131 = tpu.memref_slice %arg7[%dma_start3A_126, %dma_start3A_130] : memref<2x128xi32, #tpu.memory_space<vmem>> -> memref<1x64xi32, #tpu.memory_space<vmem>>
      %dma_start3A_132 = tpu.memref_squeeze %dma_start3A_131 : memref<1x64xi32, #tpu.memory_space<vmem>> -> memref<64xi32, #tpu.memory_space<vmem>>
      %dma_start3A_133 = arith.constant 0 : i32
      %dma_start3A_134 = arith.constant 0 : i32
      %dma_start3A_135 = tpu.memref_slice %arg2[%dma_start3A_133, %dma_start3A_134] : memref<10000x128xf32, #tpu.memory_space<hbm>> -> memref<10000x128xf32, #tpu.memory_space<hbm>>
      tpu.enqueue_indirect_dma source(%dma_start3A_135 : memref<10000x128xf32, #tpu.memory_space<hbm>>) target(%dma_start3A_129 : memref<64x128xf32, #tpu.memory_space<vmem>>) offsets(%dma_start3A_132 : memref<64xi32, #tpu.memory_space<vmem>>) semaphore(%arg13 : memref<!tpu.dma_semaphore, #tpu.memory_space<semaphore_mem>>)
      %dma_start3A_136 = arith.constant 0 : i32
      %dma_start3A_137 = arith.constant 64 : i32
      %dma_start3A_138 = arith.constant 0 : i32
      %dma_start3A_139 = tpu.memref_slice %arg9[%dma_start3A_137, %dma_start3A_138] : memref<128x128xf32, #tpu.memory_space<vmem>> -> memref<64x128xf32, #tpu.memory_space<vmem>>
      %dma_start3A_140 = arith.constant 64 : i32
      %dma_start3A_141 = tpu.memref_slice %arg7[%dma_start3A_136, %dma_start3A_140] : memref<2x128xi32, #tpu.memory_space<vmem>> -> memref<1x64xi32, #tpu.memory_space<vmem>>
      %dma_start3A_142 = tpu.memref_squeeze %dma_start3A_141 : memref<1x64xi32, #tpu.memory_space<vmem>> -> memref<64xi32, #tpu.memory_space<vmem>>
      %dma_start3A_143 = arith.constant 0 : i32
      %dma_start3A_144 = arith.constant 0 : i32
      %dma_start3A_145 = tpu.memref_slice %arg2[%dma_start3A_143, %dma_start3A_144] : memref<10000x128xf32, #tpu.memory_space<hbm>> -> memref<10000x128xf32, #tpu.memory_space<hbm>>
      tpu.enqueue_indirect_dma source(%dma_start3A_145 : memref<10000x128xf32, #tpu.memory_space<hbm>>) target(%dma_start3A_139 : memref<64x128xf32, #tpu.memory_space<vmem>>) offsets(%dma_start3A_142 : memref<64xi32, #tpu.memory_space<vmem>>) semaphore(%arg13 : memref<!tpu.dma_semaphore, #tpu.memory_space<semaphore_mem>>)
      %dma_wait3A_146 = arith.constant 0 : i32
      %dma_wait3A_147 = arith.constant 0 : i32
      %dma_wait3A_148 = tpu.memref_slice %arg2[%dma_wait3A_146, %dma_wait3A_147] : memref<10000x128xf32, #tpu.memory_space<hbm>> -> memref<128x128xf32, #tpu.memory_space<hbm>>
      %dma_wait3A_149 = arith.constant 0 : i32
      %dma_wait3A_150 = arith.constant 0 : i32
      %dma_wait3A_151 = tpu.memref_slice %arg2[%dma_wait3A_149, %dma_wait3A_150] : memref<10000x128xf32, #tpu.memory_space<hbm>> -> memref<128x128xf32, #tpu.memory_space<hbm>>
      tpu.wait_dma2 semaphore(%arg12 : memref<!tpu.dma_semaphore, #tpu.memory_space<semaphore_mem>>) src(%dma_wait3A_151 : memref<128x128xf32, #tpu.memory_space<hbm>>) dst(%arg8 : memref<128x128xf32, #tpu.memory_space<vmem>>)
      %run_scoped3A_152 = arith.constant 1 : i32
      "tpu.region"() ({
        %run_scoped3A_211 = tpu.sem_alloc : memref<!tpu.dma_semaphore, #tpu.memory_space<semaphore_mem>>
        %dma_start3A_212 = arith.constant 0 : i32
        %dma_start3A_213 = tpu.memref_slice %arg6[%run_scoped3A_152, %dma_start3A_212] : memref<2x128xi32, #tpu.memory_space<vmem>> -> memref<1x128xi32, #tpu.memory_space<vmem>>
        %dma_start3A_214 = tpu.memref_squeeze %dma_start3A_213 : memref<1x128xi32, #tpu.memory_space<vmem>> -> memref<128xi32, #tpu.memory_space<vmem>>
        %dma_start3A_215 = arith.constant 0 : i32
        %dma_start3A_216 = arith.constant 0 : i32
        %dma_start3A_217 = tpu.memref_slice %arg5[%dma_start3A_215, %dma_start3A_216] : memref<10240x128xf32, #tpu.memory_space<vmem_shared>> -> memref<10240x128xf32, #tpu.memory_space<vmem_shared>>
        tpu.enqueue_indirect_dma source(%arg8 : memref<128x128xf32, #tpu.memory_space<vmem>>) target(%dma_start3A_217 : memref<10240x128xf32, #tpu.memory_space<vmem_shared>>) offsets(%dma_start3A_214 : memref<128xi32, #tpu.memory_space<vmem>>) semaphore(%run_scoped3A_211 : memref<!tpu.dma_semaphore, #tpu.memory_space<semaphore_mem>>) {add = true}
        %dma_wait3A_218 = arith.constant 0 : i32
        %dma_wait3A_219 = tpu.memref_slice %arg6[%run_scoped3A_152, %dma_wait3A_218] : memref<2x128xi32, #tpu.memory_space<vmem>> -> memref<1x128xi32, #tpu.memory_space<vmem>>
        %dma_wait3A_220 = tpu.memref_squeeze %dma_wait3A_219 : memref<1x128xi32, #tpu.memory_space<vmem>> -> memref<128xi32, #tpu.memory_space<vmem>>
        %dma_wait3A_221 = arith.constant 0 : i32
        %dma_wait3A_222 = arith.constant 0 : i32
        %dma_wait3A_223 = tpu.memref_slice %arg5[%dma_wait3A_221, %dma_wait3A_222] : memref<10240x128xf32, #tpu.memory_space<vmem_shared>> -> memref<10240x128xf32, #tpu.memory_space<vmem_shared>>
        tpu.wait_indirect_dma semaphore(%run_scoped3A_211 : memref<!tpu.dma_semaphore, #tpu.memory_space<semaphore_mem>>) src(%arg8 : memref<128x128xf32, #tpu.memory_space<vmem>>) dst(%dma_wait3A_223 : memref<10240x128xf32, #tpu.memory_space<vmem_shared>>)
        tpu.yield
      }) : () -> ()
      %add3A_153 = arith.constant 2 : i32
      %add3A_154 = arith.addi %add3A_116, %add3A_153 : i32
      %add3A_155 = arith.addi %mul3A_2, %add3A_154 : i32
      %dma_start3A_156 = arith.constant 0 : i32
      %dma_start3A_157 = arith.constant 0 : i32
      %dma_start3A_158 = tpu.memref_slice %arg3[%add3A_155, %dma_start3A_156, %dma_start3A_157] : memref<2560x2x128xi32, #tpu.memory_space<hbm>> -> memref<1x2x128xi32, #tpu.memory_space<hbm>>
      %dma_start3A_159 = tpu.memref_squeeze %dma_start3A_158 : memref<1x2x128xi32, #tpu.memory_space<hbm>> -> memref<2x128xi32, #tpu.memory_space<hbm>>
      %dma_start3A_160 = arith.constant 0 : i32
      %dma_start3A_161 = arith.constant 0 : i32
      %dma_start3A_162 = tpu.memref_slice %arg3[%add3A_155, %dma_start3A_160, %dma_start3A_161] : memref<2560x2x128xi32, #tpu.memory_space<hbm>> -> memref<1x2x128xi32, #tpu.memory_space<hbm>>
      %dma_start3A_163 = tpu.memref_squeeze %dma_start3A_162 : memref<1x2x128xi32, #tpu.memory_space<hbm>> -> memref<2x128xi32, #tpu.memory_space<hbm>>
      tpu.enqueue_dma source(%dma_start3A_163 : memref<2x128xi32, #tpu.memory_space<hbm>>) target(%arg6 : memref<2x128xi32, #tpu.memory_space<vmem>>) target_semaphore(%arg10 : memref<!tpu.dma_semaphore, #tpu.memory_space<semaphore_mem>>)
      %dma_wait3A_164 = arith.constant 0 : i32
      %dma_wait3A_165 = arith.constant 0 : i32
      %dma_wait3A_166 = arith.constant 0 : i32
      %dma_wait3A_167 = tpu.memref_slice %arg3[%dma_wait3A_164, %dma_wait3A_165, %dma_wait3A_166] : memref<2560x2x128xi32, #tpu.memory_space<hbm>> -> memref<1x2x128xi32, #tpu.memory_space<hbm>>
      %dma_wait3A_168 = tpu.memref_squeeze %dma_wait3A_167 : memref<1x2x128xi32, #tpu.memory_space<hbm>> -> memref<2x128xi32, #tpu.memory_space<hbm>>
      %dma_wait3A_169 = arith.constant 0 : i32
      %dma_wait3A_170 = arith.constant 0 : i32
      %dma_wait3A_171 = tpu.memref_slice %arg3[%dma_wait3A_164, %dma_wait3A_169, %dma_wait3A_170] : memref<2560x2x128xi32, #tpu.memory_space<hbm>> -> memref<1x2x128xi32, #tpu.memory_space<hbm>>
      %dma_wait3A_172 = tpu.memref_squeeze %dma_wait3A_171 : memref<1x2x128xi32, #tpu.memory_space<hbm>> -> memref<2x128xi32, #tpu.memory_space<hbm>>
      tpu.wait_dma2 semaphore(%arg10 : memref<!tpu.dma_semaphore, #tpu.memory_space<semaphore_mem>>) src(%dma_wait3A_172 : memref<2x128xi32, #tpu.memory_space<hbm>>) dst(%arg6 : memref<2x128xi32, #tpu.memory_space<vmem>>)
      %dma_start3A_173 = arith.constant 0 : i32
      %dma_start3A_174 = arith.constant 0 : i32
      %dma_start3A_175 = arith.constant 0 : i32
      %dma_start3A_176 = tpu.memref_slice %arg8[%dma_start3A_174, %dma_start3A_175] : memref<128x128xf32, #tpu.memory_space<vmem>> -> memref<64x128xf32, #tpu.memory_space<vmem>>
      %dma_start3A_177 = arith.constant 0 : i32
      %dma_start3A_178 = tpu.memref_slice %arg6[%dma_start3A_173, %dma_start3A_177] : memref<2x128xi32, #tpu.memory_space<vmem>> -> memref<1x64xi32, #tpu.memory_space<vmem>>
      %dma_start3A_179 = tpu.memref_squeeze %dma_start3A_178 : memref<1x64xi32, #tpu.memory_space<vmem>> -> memref<64xi32, #tpu.memory_space<vmem>>
      %dma_start3A_180 = arith.constant 0 : i32
      %dma_start3A_181 = arith.constant 0 : i32
      %dma_start3A_182 = tpu.memref_slice %arg2[%dma_start3A_180, %dma_start3A_181] : memref<10000x128xf32, #tpu.memory_space<hbm>> -> memref<10000x128xf32, #tpu.memory_space<hbm>>
      tpu.enqueue_indirect_dma source(%dma_start3A_182 : memref<10000x128xf32, #tpu.memory_space<hbm>>) target(%dma_start3A_176 : memref<64x128xf32, #tpu.memory_space<vmem>>) offsets(%dma_start3A_179 : memref<64xi32, #tpu.memory_space<vmem>>) semaphore(%arg12 : memref<!tpu.dma_semaphore, #tpu.memory_space<semaphore_mem>>)
      %dma_start3A_183 = arith.constant 0 : i32
      %dma_start3A_184 = arith.constant 64 : i32
      %dma_start3A_185 = arith.constant 0 : i32
      %dma_start3A_186 = tpu.memref_slice %arg8[%dma_start3A_184, %dma_start3A_185] : memref<128x128xf32, #tpu.memory_space<vmem>> -> memref<64x128xf32, #tpu.memory_space<vmem>>
      %dma_start3A_187 = arith.constant 64 : i32
      %dma_start3A_188 = tpu.memref_slice %arg6[%dma_start3A_183, %dma_start3A_187] : memref<2x128xi32, #tpu.memory_space<vmem>> -> memref<1x64xi32, #tpu.memory_space<vmem>>
      %dma_start3A_189 = tpu.memref_squeeze %dma_start3A_188 : memref<1x64xi32, #tpu.memory_space<vmem>> -> memref<64xi32, #tpu.memory_space<vmem>>
      %dma_start3A_190 = arith.constant 0 : i32
      %dma_start3A_191 = arith.constant 0 : i32
      %dma_start3A_192 = tpu.memref_slice %arg2[%dma_start3A_190, %dma_start3A_191] : memref<10000x128xf32, #tpu.memory_space<hbm>> -> memref<10000x128xf32, #tpu.memory_space<hbm>>
      tpu.enqueue_indirect_dma source(%dma_start3A_192 : memref<10000x128xf32, #tpu.memory_space<hbm>>) target(%dma_start3A_186 : memref<64x128xf32, #tpu.memory_space<vmem>>) offsets(%dma_start3A_189 : memref<64xi32, #tpu.memory_space<vmem>>) semaphore(%arg12 : memref<!tpu.dma_semaphore, #tpu.memory_space<semaphore_mem>>)
      %dma_wait3A_193 = arith.constant 0 : i32
      %dma_wait3A_194 = arith.constant 0 : i32
      %dma_wait3A_195 = tpu.memref_slice %arg2[%dma_wait3A_193, %dma_wait3A_194] : memref<10000x128xf32, #tpu.memory_space<hbm>> -> memref<128x128xf32, #tpu.memory_space<hbm>>
      %dma_wait3A_196 = arith.constant 0 : i32
      %dma_wait3A_197 = arith.constant 0 : i32
      %dma_wait3A_198 = tpu.memref_slice %arg2[%dma_wait3A_196, %dma_wait3A_197] : memref<10000x128xf32, #tpu.memory_space<hbm>> -> memref<128x128xf32, #tpu.memory_space<hbm>>
      tpu.wait_dma2 semaphore(%arg13 : memref<!tpu.dma_semaphore, #tpu.memory_space<semaphore_mem>>) src(%dma_wait3A_198 : memref<128x128xf32, #tpu.memory_space<hbm>>) dst(%arg9 : memref<128x128xf32, #tpu.memory_space<vmem>>)
      %run_scoped3A_199 = arith.constant 1 : i32
      "tpu.region"() ({
        %run_scoped3A_211 = tpu.sem_alloc : memref<!tpu.dma_semaphore, #tpu.memory_space<semaphore_mem>>
        %dma_start3A_212 = arith.constant 0 : i32
        %dma_start3A_213 = tpu.memref_slice %arg7[%run_scoped3A_199, %dma_start3A_212] : memref<2x128xi32, #tpu.memory_space<vmem>> -> memref<1x128xi32, #tpu.memory_space<vmem>>
        %dma_start3A_214 = tpu.memref_squeeze %dma_start3A_213 : memref<1x128xi32, #tpu.memory_space<vmem>> -> memref<128xi32, #tpu.memory_space<vmem>>
        %dma_start3A_215 = arith.constant 0 : i32
        %dma_start3A_216 = arith.constant 0 : i32
        %dma_start3A_217 = tpu.memref_slice %arg5[%dma_start3A_215, %dma_start3A_216] : memref<10240x128xf32, #tpu.memory_space<vmem_shared>> -> memref<10240x128xf32, #tpu.memory_space<vmem_shared>>
        tpu.enqueue_indirect_dma source(%arg9 : memref<128x128xf32, #tpu.memory_space<vmem>>) target(%dma_start3A_217 : memref<10240x128xf32, #tpu.memory_space<vmem_shared>>) offsets(%dma_start3A_214 : memref<128xi32, #tpu.memory_space<vmem>>) semaphore(%run_scoped3A_211 : memref<!tpu.dma_semaphore, #tpu.memory_space<semaphore_mem>>) {add = true}
        %dma_wait3A_218 = arith.constant 0 : i32
        %dma_wait3A_219 = tpu.memref_slice %arg7[%run_scoped3A_199, %dma_wait3A_218] : memref<2x128xi32, #tpu.memory_space<vmem>> -> memref<1x128xi32, #tpu.memory_space<vmem>>
        %dma_wait3A_220 = tpu.memref_squeeze %dma_wait3A_219 : memref<1x128xi32, #tpu.memory_space<vmem>> -> memref<128xi32, #tpu.memory_space<vmem>>
        %dma_wait3A_221 = arith.constant 0 : i32
        %dma_wait3A_222 = arith.constant 0 : i32
        %dma_wait3A_223 = tpu.memref_slice %arg5[%dma_wait3A_221, %dma_wait3A_222] : memref<10240x128xf32, #tpu.memory_space<vmem_shared>> -> memref<10240x128xf32, #tpu.memory_space<vmem_shared>>
        tpu.wait_indirect_dma semaphore(%run_scoped3A_211 : memref<!tpu.dma_semaphore, #tpu.memory_space<semaphore_mem>>) src(%arg9 : memref<128x128xf32, #tpu.memory_space<vmem>>) dst(%dma_wait3A_223 : memref<10240x128xf32, #tpu.memory_space<vmem_shared>>)
        tpu.yield
      }) : () -> ()
      %add3A_200 = arith.constant 3 : i32
      %add3A_201 = arith.addi %add3A_116, %add3A_200 : i32
      %add3A_202 = arith.addi %mul3A_2, %add3A_201 : i32
      %dma_start3A_203 = arith.constant 0 : i32
      %dma_start3A_204 = arith.constant 0 : i32
      %dma_start3A_205 = tpu.memref_slice %arg3[%add3A_202, %dma_start3A_203, %dma_start3A_204] : memref<2560x2x128xi32, #tpu.memory_space<hbm>> -> memref<1x2x128xi32, #tpu.memory_space<hbm>>
      %dma_start3A_206 = tpu.memref_squeeze %dma_start3A_205 : memref<1x2x128xi32, #tpu.memory_space<hbm>> -> memref<2x128xi32, #tpu.memory_space<hbm>>
      %dma_start3A_207 = arith.constant 0 : i32
      %dma_start3A_208 = arith.constant 0 : i32
      %dma_start3A_209 = tpu.memref_slice %arg3[%add3A_202, %dma_start3A_207, %dma_start3A_208] : memref<2560x2x128xi32, #tpu.memory_space<hbm>> -> memref<1x2x128xi32, #tpu.memory_space<hbm>>
      %dma_start3A_210 = tpu.memref_squeeze %dma_start3A_209 : memref<1x2x128xi32, #tpu.memory_space<hbm>> -> memref<2x128xi32, #tpu.memory_space<hbm>>
      tpu.enqueue_dma source(%dma_start3A_210 : memref<2x128xi32, #tpu.memory_space<hbm>>) target(%arg7 : memref<2x128xi32, #tpu.memory_space<vmem>>) target_semaphore(%arg11 : memref<!tpu.dma_semaphore, #tpu.memory_space<semaphore_mem>>)
    }
    %scan3A_64 = arith.constant 39 : i32
    %dma_wait3A_65 = arith.constant 0 : i32
    %dma_wait3A_66 = arith.constant 0 : i32
    %dma_wait3A_67 = arith.constant 0 : i32
    %dma_wait3A_68 = tpu.memref_slice %arg3[%dma_wait3A_65, %dma_wait3A_66, %dma_wait3A_67] : memref<2560x2x128xi32, #tpu.memory_space<hbm>> -> memref<1x2x128xi32, #tpu.memory_space<hbm>>
    %dma_wait3A_69 = tpu.memref_squeeze %dma_wait3A_68 : memref<1x2x128xi32, #tpu.memory_space<hbm>> -> memref<2x128xi32, #tpu.memory_space<hbm>>
    %dma_wait3A_70 = arith.constant 0 : i32
    %dma_wait3A_71 = arith.constant 0 : i32
    %dma_wait3A_72 = tpu.memref_slice %arg3[%dma_wait3A_65, %dma_wait3A_70, %dma_wait3A_71] : memref<2560x2x128xi32, #tpu.memory_space<hbm>> -> memref<1x2x128xi32, #tpu.memory_space<hbm>>
    %dma_wait3A_73 = tpu.memref_squeeze %dma_wait3A_72 : memref<1x2x128xi32, #tpu.memory_space<hbm>> -> memref<2x128xi32, #tpu.memory_space<hbm>>
    tpu.wait_dma2 semaphore(%arg11 : memref<!tpu.dma_semaphore, #tpu.memory_space<semaphore_mem>>) src(%dma_wait3A_73 : memref<2x128xi32, #tpu.memory_space<hbm>>) dst(%arg7 : memref<2x128xi32, #tpu.memory_space<vmem>>)
    %dma_start3A_74 = arith.constant 0 : i32
    %dma_start3A_75 = arith.constant 0 : i32
    %dma_start3A_76 = arith.constant 0 : i32
    %dma_start3A_77 = tpu.memref_slice %arg9[%dma_start3A_75, %dma_start3A_76] : memref<128x128xf32, #tpu.memory_space<vmem>> -> memref<64x128xf32, #tpu.memory_space<vmem>>
    %dma_start3A_78 = arith.constant 0 : i32
    %dma_start3A_79 = tpu.memref_slice %arg7[%dma_start3A_74, %dma_start3A_78] : memref<2x128xi32, #tpu.memory_space<vmem>> -> memref<1x64xi32, #tpu.memory_space<vmem>>
    %dma_start3A_80 = tpu.memref_squeeze %dma_start3A_79 : memref<1x64xi32, #tpu.memory_space<vmem>> -> memref<64xi32, #tpu.memory_space<vmem>>
    %dma_start3A_81 = arith.constant 0 : i32
    %dma_start3A_82 = arith.constant 0 : i32
    %dma_start3A_83 = tpu.memref_slice %arg2[%dma_start3A_81, %dma_start3A_82] : memref<10000x128xf32, #tpu.memory_space<hbm>> -> memref<10000x128xf32, #tpu.memory_space<hbm>>
    tpu.enqueue_indirect_dma source(%dma_start3A_83 : memref<10000x128xf32, #tpu.memory_space<hbm>>) target(%dma_start3A_77 : memref<64x128xf32, #tpu.memory_space<vmem>>) offsets(%dma_start3A_80 : memref<64xi32, #tpu.memory_space<vmem>>) semaphore(%arg13 : memref<!tpu.dma_semaphore, #tpu.memory_space<semaphore_mem>>)
    %dma_start3A_84 = arith.constant 0 : i32
    %dma_start3A_85 = arith.constant 64 : i32
    %dma_start3A_86 = arith.constant 0 : i32
    %dma_start3A_87 = tpu.memref_slice %arg9[%dma_start3A_85, %dma_start3A_86] : memref<128x128xf32, #tpu.memory_space<vmem>> -> memref<64x128xf32, #tpu.memory_space<vmem>>
    %dma_start3A_88 = arith.constant 64 : i32
    %dma_start3A_89 = tpu.memref_slice %arg7[%dma_start3A_84, %dma_start3A_88] : memref<2x128xi32, #tpu.memory_space<vmem>> -> memref<1x64xi32, #tpu.memory_space<vmem>>
    %dma_start3A_90 = tpu.memref_squeeze %dma_start3A_89 : memref<1x64xi32, #tpu.memory_space<vmem>> -> memref<64xi32, #tpu.memory_space<vmem>>
    %dma_start3A_91 = arith.constant 0 : i32
    %dma_start3A_92 = arith.constant 0 : i32
    %dma_start3A_93 = tpu.memref_slice %arg2[%dma_start3A_91, %dma_start3A_92] : memref<10000x128xf32, #tpu.memory_space<hbm>> -> memref<10000x128xf32, #tpu.memory_space<hbm>>
    tpu.enqueue_indirect_dma source(%dma_start3A_93 : memref<10000x128xf32, #tpu.memory_space<hbm>>) target(%dma_start3A_87 : memref<64x128xf32, #tpu.memory_space<vmem>>) offsets(%dma_start3A_90 : memref<64xi32, #tpu.memory_space<vmem>>) semaphore(%arg13 : memref<!tpu.dma_semaphore, #tpu.memory_space<semaphore_mem>>)
    %dma_wait3A_94 = arith.constant 0 : i32
    %dma_wait3A_95 = arith.constant 0 : i32
    %dma_wait3A_96 = tpu.memref_slice %arg2[%dma_wait3A_94, %dma_wait3A_95] : memref<10000x128xf32, #tpu.memory_space<hbm>> -> memref<128x128xf32, #tpu.memory_space<hbm>>
    %dma_wait3A_97 = arith.constant 0 : i32
    %dma_wait3A_98 = arith.constant 0 : i32
    %dma_wait3A_99 = tpu.memref_slice %arg2[%dma_wait3A_97, %dma_wait3A_98] : memref<10000x128xf32, #tpu.memory_space<hbm>> -> memref<128x128xf32, #tpu.memory_space<hbm>>
    tpu.wait_dma2 semaphore(%arg12 : memref<!tpu.dma_semaphore, #tpu.memory_space<semaphore_mem>>) src(%dma_wait3A_99 : memref<128x128xf32, #tpu.memory_space<hbm>>) dst(%arg8 : memref<128x128xf32, #tpu.memory_space<vmem>>)
    %run_scoped3A = arith.constant 1 : i32
    "tpu.region"() ({
      %run_scoped3A_112 = tpu.sem_alloc : memref<!tpu.dma_semaphore, #tpu.memory_space<semaphore_mem>>
      %dma_start3A_113 = arith.constant 0 : i32
      %dma_start3A_114 = tpu.memref_slice %arg6[%run_scoped3A, %dma_start3A_113] : memref<2x128xi32, #tpu.memory_space<vmem>> -> memref<1x128xi32, #tpu.memory_space<vmem>>
      %dma_start3A_115 = tpu.memref_squeeze %dma_start3A_114 : memref<1x128xi32, #tpu.memory_space<vmem>> -> memref<128xi32, #tpu.memory_space<vmem>>
      %dma_start3A_116 = arith.constant 0 : i32
      %dma_start3A_117 = arith.constant 0 : i32
      %dma_start3A_118 = tpu.memref_slice %arg5[%dma_start3A_116, %dma_start3A_117] : memref<10240x128xf32, #tpu.memory_space<vmem_shared>> -> memref<10240x128xf32, #tpu.memory_space<vmem_shared>>
      tpu.enqueue_indirect_dma source(%arg8 : memref<128x128xf32, #tpu.memory_space<vmem>>) target(%dma_start3A_118 : memref<10240x128xf32, #tpu.memory_space<vmem_shared>>) offsets(%dma_start3A_115 : memref<128xi32, #tpu.memory_space<vmem>>) semaphore(%run_scoped3A_112 : memref<!tpu.dma_semaphore, #tpu.memory_space<semaphore_mem>>) {add = true}
      %dma_wait3A_119 = arith.constant 0 : i32
      %dma_wait3A_120 = tpu.memref_slice %arg6[%run_scoped3A, %dma_wait3A_119] : memref<2x128xi32, #tpu.memory_space<vmem>> -> memref<1x128xi32, #tpu.memory_space<vmem>>
      %dma_wait3A_121 = tpu.memref_squeeze %dma_wait3A_120 : memref<1x128xi32, #tpu.memory_space<vmem>> -> memref<128xi32, #tpu.memory_space<vmem>>
      %dma_wait3A_122 = arith.constant 0 : i32
      %dma_wait3A_123 = arith.constant 0 : i32
      %dma_wait3A_124 = tpu.memref_slice %arg5[%dma_wait3A_122, %dma_wait3A_123] : memref<10240x128xf32, #tpu.memory_space<vmem_shared>> -> memref<10240x128xf32, #tpu.memory_space<vmem_shared>>
      tpu.wait_indirect_dma semaphore(%run_scoped3A_112 : memref<!tpu.dma_semaphore, #tpu.memory_space<semaphore_mem>>) src(%arg8 : memref<128x128xf32, #tpu.memory_space<vmem>>) dst(%dma_wait3A_124 : memref<10240x128xf32, #tpu.memory_space<vmem_shared>>)
      tpu.yield
    }) : () -> ()
    %dma_wait3A_100 = arith.constant 0 : i32
    %dma_wait3A_101 = arith.constant 0 : i32
    %dma_wait3A_102 = tpu.memref_slice %arg2[%dma_wait3A_100, %dma_wait3A_101] : memref<10000x128xf32, #tpu.memory_space<hbm>> -> memref<128x128xf32, #tpu.memory_space<hbm>>
    %dma_wait3A_103 = arith.constant 0 : i32
    %dma_wait3A_104 = arith.constant 0 : i32
    %dma_wait3A_105 = tpu.memref_slice %arg2[%dma_wait3A_103, %dma_wait3A_104] : memref<10000x128xf32, #tpu.memory_space<hbm>> -> memref<128x128xf32, #tpu.memory_space<hbm>>
    tpu.wait_dma2 semaphore(%arg13 : memref<!tpu.dma_semaphore, #tpu.memory_space<semaphore_mem>>) src(%dma_wait3A_105 : memref<128x128xf32, #tpu.memory_space<hbm>>) dst(%arg9 : memref<128x128xf32, #tpu.memory_space<vmem>>)
    %run_scoped3A_106 = arith.constant 1 : i32
    "tpu.region"() ({
      %run_scoped3A_112 = tpu.sem_alloc : memref<!tpu.dma_semaphore, #tpu.memory_space<semaphore_mem>>
      %dma_start3A_113 = arith.constant 0 : i32
      %dma_start3A_114 = tpu.memref_slice %arg7[%run_scoped3A_106, %dma_start3A_113] : memref<2x128xi32, #tpu.memory_space<vmem>> -> memref<1x128xi32, #tpu.memory_space<vmem>>
      %dma_start3A_115 = tpu.memref_squeeze %dma_start3A_114 : memref<1x128xi32, #tpu.memory_space<vmem>> -> memref<128xi32, #tpu.memory_space<vmem>>
      %dma_start3A_116 = arith.constant 0 : i32
      %dma_start3A_117 = arith.constant 0 : i32
      %dma_start3A_118 = tpu.memref_slice %arg5[%dma_start3A_116, %dma_start3A_117] : memref<10240x128xf32, #tpu.memory_space<vmem_shared>> -> memref<10240x128xf32, #tpu.memory_space<vmem_shared>>
      tpu.enqueue_indirect_dma source(%arg9 : memref<128x128xf32, #tpu.memory_space<vmem>>) target(%dma_start3A_118 : memref<10240x128xf32, #tpu.memory_space<vmem_shared>>) offsets(%dma_start3A_115 : memref<128xi32, #tpu.memory_space<vmem>>) semaphore(%run_scoped3A_112 : memref<!tpu.dma_semaphore, #tpu.memory_space<semaphore_mem>>) {add = true}
      %dma_wait3A_119 = arith.constant 0 : i32
      %dma_wait3A_120 = tpu.memref_slice %arg7[%run_scoped3A_106, %dma_wait3A_119] : memref<2x128xi32, #tpu.memory_space<vmem>> -> memref<1x128xi32, #tpu.memory_space<vmem>>
      %dma_wait3A_121 = tpu.memref_squeeze %dma_wait3A_120 : memref<1x128xi32, #tpu.memory_space<vmem>> -> memref<128xi32, #tpu.memory_space<vmem>>
      %dma_wait3A_122 = arith.constant 0 : i32
      %dma_wait3A_123 = arith.constant 0 : i32
      %dma_wait3A_124 = tpu.memref_slice %arg5[%dma_wait3A_122, %dma_wait3A_123] : memref<10240x128xf32, #tpu.memory_space<vmem_shared>> -> memref<10240x128xf32, #tpu.memory_space<vmem_shared>>
      tpu.wait_indirect_dma semaphore(%run_scoped3A_112 : memref<!tpu.dma_semaphore, #tpu.memory_space<semaphore_mem>>) src(%arg9 : memref<128x128xf32, #tpu.memory_space<vmem>>) dst(%dma_wait3A_124 : memref<10240x128xf32, #tpu.memory_space<vmem_shared>>)
      tpu.yield
    }) : () -> ()
    %barrier3A_107 = arith.constant 0 : index
    tpu.barrier barrier_id(%barrier3A_107)
    %mul3A_108 = arith.constant 640 : i32
    %mul3A_109 = arith.muli %arg1, %mul3A_108 : i32
    %mul3A_110 = arith.constant 640 : i32
    %mul3A_111 = arith.muli %arg1, %mul3A_110 : i32
    "tpu.region"() ({
      %run_scoped3A_112 = tpu.sem_alloc : memref<!tpu.dma_semaphore, #tpu.memory_space<semaphore_mem>>
      %dma_start3A_113 = arith.constant 0 : i32
      %dma_start3A_114 = tpu.memref_slice %arg4[%arg0, %mul3A_111, %dma_start3A_113] : memref<2x10240x128xf32, #tpu.memory_space<hbm>> -> memref<1x640x128xf32, #tpu.memory_space<hbm>>
      %dma_start3A_115 = tpu.memref_squeeze %dma_start3A_114 : memref<1x640x128xf32, #tpu.memory_space<hbm>> -> memref<640x128xf32, #tpu.memory_space<hbm>>
      %dma_start3A_116 = arith.constant 0 : i32
      %dma_start3A_117 = tpu.memref_slice %arg5[%mul3A_109, %dma_start3A_116] : memref<10240x128xf32, #tpu.memory_space<vmem_shared>> -> memref<640x128xf32, #tpu.memory_space<vmem_shared>>
      tpu.enqueue_dma source(%dma_start3A_117 : memref<640x128xf32, #tpu.memory_space<vmem_shared>>) target(%dma_start3A_115 : memref<640x128xf32, #tpu.memory_space<hbm>>) target_semaphore(%run_scoped3A_112 : memref<!tpu.dma_semaphore, #tpu.memory_space<semaphore_mem>>)
      %dma_wait3A_118 = arith.constant 0 : i32
      %dma_wait3A_119 = tpu.memref_slice %arg4[%arg0, %mul3A_111, %dma_wait3A_118] : memref<2x10240x128xf32, #tpu.memory_space<hbm>> -> memref<1x640x128xf32, #tpu.memory_space<hbm>>
      %dma_wait3A_120 = tpu.memref_squeeze %dma_wait3A_119 : memref<1x640x128xf32, #tpu.memory_space<hbm>> -> memref<640x128xf32, #tpu.memory_space<hbm>>
      %dma_wait3A_121 = arith.constant 0 : i32
      %dma_wait3A_122 = tpu.memref_slice %arg5[%mul3A_109, %dma_wait3A_121] : memref<10240x128xf32, #tpu.memory_space<vmem_shared>> -> memref<640x128xf32, #tpu.memory_space<vmem_shared>>
      tpu.wait_dma2 semaphore(%run_scoped3A_112 : memref<!tpu.dma_semaphore, #tpu.memory_space<semaphore_mem>>) src(%dma_wait3A_122 : memref<640x128xf32, #tpu.memory_space<vmem_shared>>) dst(%dma_wait3A_120 : memref<640x128xf32, #tpu.memory_space<hbm>>)
      tpu.yield
    }) : () -> ()
    return
  }
}

#map = affine_map<(d0, d1) -> (0, 0)>
#map1 = affine_map<(d0, d1) -> (0, 0, 0)>
module attributes {stable_mosaic.version = 14 : i64} {
  func.func @_sc_body(%arg0: i32, %arg1: i32, %arg2: memref<10000x128xf32, #tpu.memory_space<hbm>>, %arg3: memref<2560x2x128xi32, #tpu.memory_space<hbm>>, %arg4: memref<2x10240x128xf32, #tpu.memory_space<hbm>>, %arg5: memref<10240x128xf32, #tpu.memory_space<vmem_shared>>, %arg6: memref<2x128xi32, #tpu.memory_space<vmem>>, %arg7: memref<2x128xi32, #tpu.memory_space<vmem>>, %arg8: memref<128x128xf32, #tpu.memory_space<vmem>>, %arg9: memref<128x128xf32, #tpu.memory_space<vmem>>, %arg10: memref<!tpu.dma_semaphore, #tpu.memory_space<semaphore_mem>>, %arg11: memref<!tpu.dma_semaphore, #tpu.memory_space<semaphore_mem>>, %arg12: memref<!tpu.dma_semaphore, #tpu.memory_space<semaphore_mem>>, %arg13: memref<!tpu.dma_semaphore, #tpu.memory_space<semaphore_mem>>) attributes {dimension_semantics = [#tpu.dimension_semantics<core_parallel>, #tpu.dimension_semantics<subcore_parallel>], iteration_bounds = array<i64: 2, 16>, scalar_prefetch = 0 : i64, scratch_operands = 9 : i64, tpu.core_type = #tpu.core_type<sc_vector_subcore>, window_params = [{transform_indices = #map}, {transform_indices = #map1}, {transform_indices = #map1}]} {
    %mul3A = arith.constant 16 : i32
    %mul3A_0 = arith.muli %arg0, %mul3A : i32
    %add3A = arith.addi %mul3A_0, %arg1 : i32
    %mul3A_1 = arith.constant 80 : i32
    %mul3A_2 = arith.muli %add3A, %mul3A_1 : i32
    %broadcast_in_dim3A = arith.constant 0.000000e+00 : f32
    %broadcast_in_dim3A_3 = vector.broadcast %broadcast_in_dim3A : f32 to vector<16xf32>
    %scan3A = arith.constant 0 : i32
    %scan3A_4 = arith.constant 128 : i32
    %scan3A_5 = arith.addi %scan3A, %scan3A_4 : i32
    %scan3A_6 = arith.constant 1 : i32
    scf.for %scan3A_112 = %scan3A to %scan3A_5 step %scan3A_6  : i32 {
      %mul3A_113 = arith.constant 1 : i32
      %mul3A_114 = arith.muli %scan3A_112, %mul3A_113 : i32
      %add3A_115 = arith.constant 0 : i32
      %add3A_116 = arith.addi %add3A_115, %mul3A_114 : i32
      %swap3A = arith.index_cast %add3A_116 : i32 to index
      %swap3A_117 = arith.constant 0 : index
      %swap3A_118 = tpu.vector_load %arg8[%swap3A, %swap3A_117] {strides = array<i32>} : memref<128x128xf32, #tpu.memory_space<vmem>>, vector<1x16xf32>,
      %swap3A_119 = vector.shape_cast %swap3A_118 : vector<1x16xf32> to vector<16xf32>
      %swap3A_120 = vector.shape_cast %broadcast_in_dim3A_3 : vector<16xf32> to vector<1x16xf32>
      tpu.vector_store %arg8[%swap3A, %swap3A_117], %swap3A_120 {strides = array<i32>} : memref<128x128xf32, #tpu.memory_space<vmem>>, vector<1x16xf32>,
      %swap3A_121 = arith.index_cast %add3A_116 : i32 to index
      %swap3A_122 = arith.constant 16 : index
      %swap3A_123 = tpu.vector_load %arg8[%swap3A_121, %swap3A_122] {strides = array<i32>} : memref<128x128xf32, #tpu.memory_space<vmem>>, vector<1x16xf32>,
      %swap3A_124 = vector.shape_cast %swap3A_123 : vector<1x16xf32> to vector<16xf32>
      %swap3A_125 = vector.shape_cast %broadcast_in_dim3A_3 : vector<16xf32> to vector<1x16xf32>
      tpu.vector_store %arg8[%swap3A_121, %swap3A_122], %swap3A_125 {strides = array<i32>} : memref<128x128xf32, #tpu.memory_space<vmem>>, vector<1x16xf32>,
      %swap3A_126 = arith.index_cast %add3A_116 : i32 to index
      %swap3A_127 = arith.constant 32 : index
      %swap3A_128 = tpu.vector_load %arg8[%swap3A_126, %swap3A_127] {strides = array<i32>} : memref<128x128xf32, #tpu.memory_space<vmem>>, vector<1x16xf32>,
      %swap3A_129 = vector.shape_cast %swap3A_128 : vector<1x16xf32> to vector<16xf32>
      %swap3A_130 = vector.shape_cast %broadcast_in_dim3A_3 : vector<16xf32> to vector<1x16xf32>
      tpu.vector_store %arg8[%swap3A_126, %swap3A_127], %swap3A_130 {strides = array<i32>} : memref<128x128xf32, #tpu.memory_space<vmem>>, vector<1x16xf32>,
      %swap3A_131 = arith.index_cast %add3A_116 : i32 to index
      %swap3A_132 = arith.constant 48 : index
      %swap3A_133 = tpu.vector_load %arg8[%swap3A_131, %swap3A_132] {strides = array<i32>} : memref<128x128xf32, #tpu.memory_space<vmem>>, vector<1x16xf32>,
      %swap3A_134 = vector.shape_cast %swap3A_133 : vector<1x16xf32> to vector<16xf32>
      %swap3A_135 = vector.shape_cast %broadcast_in_dim3A_3 : vector<16xf32> to vector<1x16xf32>
      tpu.vector_store %arg8[%swap3A_131, %swap3A_132], %swap3A_135 {strides = array<i32>} : memref<128x128xf32, #tpu.memory_space<vmem>>, vector<1x16xf32>,
      %swap3A_136 = arith.index_cast %add3A_116 : i32 to index
      %swap3A_137 = arith.constant 64 : index
      %swap3A_138 = tpu.vector_load %arg8[%swap3A_136, %swap3A_137] {strides = array<i32>} : memref<128x128xf32, #tpu.memory_space<vmem>>, vector<1x16xf32>,
      %swap3A_139 = vector.shape_cast %swap3A_138 : vector<1x16xf32> to vector<16xf32>
      %swap3A_140 = vector.shape_cast %broadcast_in_dim3A_3 : vector<16xf32> to vector<1x16xf32>
      tpu.vector_store %arg8[%swap3A_136, %swap3A_137], %swap3A_140 {strides = array<i32>} : memref<128x128xf32, #tpu.memory_space<vmem>>, vector<1x16xf32>,
      %swap3A_141 = arith.index_cast %add3A_116 : i32 to index
      %swap3A_142 = arith.constant 80 : index
      %swap3A_143 = tpu.vector_load %arg8[%swap3A_141, %swap3A_142] {strides = array<i32>} : memref<128x128xf32, #tpu.memory_space<vmem>>, vector<1x16xf32>,
      %swap3A_144 = vector.shape_cast %swap3A_143 : vector<1x16xf32> to vector<16xf32>
      %swap3A_145 = vector.shape_cast %broadcast_in_dim3A_3 : vector<16xf32> to vector<1x16xf32>
      tpu.vector_store %arg8[%swap3A_141, %swap3A_142], %swap3A_145 {strides = array<i32>} : memref<128x128xf32, #tpu.memory_space<vmem>>, vector<1x16xf32>,
      %swap3A_146 = arith.index_cast %add3A_116 : i32 to index
      %swap3A_147 = arith.constant 96 : index
      %swap3A_148 = tpu.vector_load %arg8[%swap3A_146, %swap3A_147] {strides = array<i32>} : memref<128x128xf32, #tpu.memory_space<vmem>>, vector<1x16xf32>,
      %swap3A_149 = vector.shape_cast %swap3A_148 : vector<1x16xf32> to vector<16xf32>
      %swap3A_150 = vector.shape_cast %broadcast_in_dim3A_3 : vector<16xf32> to vector<1x16xf32>
      tpu.vector_store %arg8[%swap3A_146, %swap3A_147], %swap3A_150 {strides = array<i32>} : memref<128x128xf32, #tpu.memory_space<vmem>>, vector<1x16xf32>,
      %swap3A_151 = arith.index_cast %add3A_116 : i32 to index
      %swap3A_152 = arith.constant 112 : index
      %swap3A_153 = tpu.vector_load %arg8[%swap3A_151, %swap3A_152] {strides = array<i32>} : memref<128x128xf32, #tpu.memory_space<vmem>>, vector<1x16xf32>,
      %swap3A_154 = vector.shape_cast %swap3A_153 : vector<1x16xf32> to vector<16xf32>
      %swap3A_155 = vector.shape_cast %broadcast_in_dim3A_3 : vector<16xf32> to vector<1x16xf32>
      tpu.vector_store %arg8[%swap3A_151, %swap3A_152], %swap3A_155 {strides = array<i32>} : memref<128x128xf32, #tpu.memory_space<vmem>>, vector<1x16xf32>,
    }
    %scan3A_7 = arith.constant 128 : i32
    %scan3A_8 = arith.constant 0 : i32
    %scan3A_9 = arith.constant 5 : i32
    %scan3A_10 = arith.addi %scan3A_8, %scan3A_9 : i32
    %scan3A_11 = arith.constant 1 : i32
    scf.for %scan3A_112 = %scan3A_8 to %scan3A_10 step %scan3A_11  : i32 {
      %mul3A_113 = arith.constant 1 : i32
      %mul3A_114 = arith.muli %scan3A_112, %mul3A_113 : i32
      %add3A_115 = arith.constant 0 : i32
      %add3A_116 = arith.addi %add3A_115, %mul3A_114 : i32
      %mul3A_117 = arith.constant 640 : i32
      %mul3A_118 = arith.muli %arg1, %mul3A_117 : i32
      %mul3A_119 = arith.constant 128 : i32
      %mul3A_120 = arith.muli %add3A_116, %mul3A_119 : i32
      %add3A_121 = arith.addi %mul3A_118, %mul3A_120 : i32
      "tpu.region"() ({
        %run_scoped3A_122 = tpu.sem_alloc : memref<!tpu.dma_semaphore, #tpu.memory_space<semaphore_mem>>
        %dma_start3A_123 = arith.constant 0 : i32
        %dma_start3A_124 = tpu.memref_slice %arg5[%add3A_121, %dma_start3A_123] : memref<10240x128xf32, #tpu.memory_space<vmem_shared>> -> memref<128x128xf32, #tpu.memory_space<vmem_shared>>
        %dma_start3A_125 = arith.constant 0 : i32
        %dma_start3A_126 = tpu.memref_slice %arg5[%add3A_121, %dma_start3A_125] : memref<10240x128xf32, #tpu.memory_space<vmem_shared>> -> memref<128x128xf32, #tpu.memory_space<vmem_shared>>
        tpu.enqueue_dma source(%arg8 : memref<128x128xf32, #tpu.memory_space<vmem>>) target(%dma_start3A_126 : memref<128x128xf32, #tpu.memory_space<vmem_shared>>) target_semaphore(%run_scoped3A_122 : memref<!tpu.dma_semaphore, #tpu.memory_space<semaphore_mem>>)
        %dma_wait3A_127 = arith.constant 0 : i32
        %dma_wait3A_128 = tpu.memref_slice %arg5[%add3A_121, %dma_wait3A_127] : memref<10240x128xf32, #tpu.memory_space<vmem_shared>> -> memref<128x128xf32, #tpu.memory_space<vmem_shared>>
        %dma_wait3A_129 = arith.constant 0 : i32
        %dma_wait3A_130 = tpu.memref_slice %arg5[%add3A_121, %dma_wait3A_129] : memref<10240x128xf32, #tpu.memory_space<vmem_shared>> -> memref<128x128xf32, #tpu.memory_space<vmem_shared>>
        tpu.wait_dma2 semaphore(%run_scoped3A_122 : memref<!tpu.dma_semaphore, #tpu.memory_space<semaphore_mem>>) src(%arg8 : memref<128x128xf32, #tpu.memory_space<vmem>>) dst(%dma_wait3A_130 : memref<128x128xf32, #tpu.memory_space<vmem_shared>>)
        tpu.yield
      }) : () -> ()
    }
    %scan3A_12 = arith.constant 5 : i32
    %barrier3A = arith.constant 0 : index
    tpu.barrier barrier_id(%barrier3A)
    %add3A_13 = arith.constant 0 : i32
    %add3A_14 = arith.addi %mul3A_2, %add3A_13 : i32
    %dma_start3A = arith.constant 0 : i32
    %dma_start3A_15 = arith.constant 0 : i32
    %dma_start3A_16 = tpu.memref_slice %arg3[%add3A_14, %dma_start3A, %dma_start3A_15] : memref<2560x2x128xi32, #tpu.memory_space<hbm>> -> memref<1x2x128xi32, #tpu.memory_space<hbm>>
    %dma_start3A_17 = tpu.memref_squeeze %dma_start3A_16 : memref<1x2x128xi32, #tpu.memory_space<hbm>> -> memref<2x128xi32, #tpu.memory_space<hbm>>
    %dma_start3A_18 = arith.constant 0 : i32
    %dma_start3A_19 = arith.constant 0 : i32
    %dma_start3A_20 = tpu.memref_slice %arg3[%add3A_14, %dma_start3A_18, %dma_start3A_19] : memref<2560x2x128xi32, #tpu.memory_space<hbm>> -> memref<1x2x128xi32, #tpu.memory_space<hbm>>
    %dma_start3A_21 = tpu.memref_squeeze %dma_start3A_20 : memref<1x2x128xi32, #tpu.memory_space<hbm>> -> memref<2x128xi32, #tpu.memory_space<hbm>>
    tpu.enqueue_dma source(%dma_start3A_21 : memref<2x128xi32, #tpu.memory_space<hbm>>) target(%arg6 : memref<2x128xi32, #tpu.memory_space<vmem>>) target_semaphore(%arg10 : memref<!tpu.dma_semaphore, #tpu.memory_space<semaphore_mem>>)
    %add3A_22 = arith.constant 1 : i32
    %add3A_23 = arith.addi %mul3A_2, %add3A_22 : i32
    %dma_start3A_24 = arith.constant 0 : i32
    %dma_start3A_25 = arith.constant 0 : i32
    %dma_start3A_26 = tpu.memref_slice %arg3[%add3A_23, %dma_start3A_24, %dma_start3A_25] : memref<2560x2x128xi32, #tpu.memory_space<hbm>> -> memref<1x2x128xi32, #tpu.memory_space<hbm>>
    %dma_start3A_27 = tpu.memref_squeeze %dma_start3A_26 : memref<1x2x128xi32, #tpu.memory_space<hbm>> -> memref<2x128xi32, #tpu.memory_space<hbm>>
    %dma_start3A_28 = arith.constant 0 : i32
    %dma_start3A_29 = arith.constant 0 : i32
    %dma_start3A_30 = tpu.memref_slice %arg3[%add3A_23, %dma_start3A_28, %dma_start3A_29] : memref<2560x2x128xi32, #tpu.memory_space<hbm>> -> memref<1x2x128xi32, #tpu.memory_space<hbm>>
    %dma_start3A_31 = tpu.memref_squeeze %dma_start3A_30 : memref<1x2x128xi32, #tpu.memory_space<hbm>> -> memref<2x128xi32, #tpu.memory_space<hbm>>
    tpu.enqueue_dma source(%dma_start3A_31 : memref<2x128xi32, #tpu.memory_space<hbm>>) target(%arg7 : memref<2x128xi32, #tpu.memory_space<vmem>>) target_semaphore(%arg11 : memref<!tpu.dma_semaphore, #tpu.memory_space<semaphore_mem>>)
    %dma_wait3A = arith.constant 0 : i32
    %dma_wait3A_32 = arith.constant 0 : i32
    %dma_wait3A_33 = arith.constant 0 : i32
    %dma_wait3A_34 = tpu.memref_slice %arg3[%dma_wait3A, %dma_wait3A_32, %dma_wait3A_33] : memref<2560x2x128xi32, #tpu.memory_space<hbm>> -> memref<1x2x128xi32, #tpu.memory_space<hbm>>
    %dma_wait3A_35 = tpu.memref_squeeze %dma_wait3A_34 : memref<1x2x128xi32, #tpu.memory_space<hbm>> -> memref<2x128xi32, #tpu.memory_space<hbm>>
    %dma_wait3A_36 = arith.constant 0 : i32
    %dma_wait3A_37 = arith.constant 0 : i32
    %dma_wait3A_38 = tpu.memref_slice %arg3[%dma_wait3A, %dma_wait3A_36, %dma_wait3A_37] : memref<2560x2x128xi32, #tpu.memory_space<hbm>> -> memref<1x2x128xi32, #tpu.memory_space<hbm>>
    %dma_wait3A_39 = tpu.memref_squeeze %dma_wait3A_38 : memref<1x2x128xi32, #tpu.memory_space<hbm>> -> memref<2x128xi32, #tpu.memory_space<hbm>>
    tpu.wait_dma2 semaphore(%arg10 : memref<!tpu.dma_semaphore, #tpu.memory_space<semaphore_mem>>) src(%dma_wait3A_39 : memref<2x128xi32, #tpu.memory_space<hbm>>) dst(%arg6 : memref<2x128xi32, #tpu.memory_space<vmem>>)
    %dma_start3A_40 = arith.constant 0 : i32
    %dma_start3A_41 = arith.constant 0 : i32
    %dma_start3A_42 = arith.constant 0 : i32
    %dma_start3A_43 = tpu.memref_slice %arg8[%dma_start3A_41, %dma_start3A_42] : memref<128x128xf32, #tpu.memory_space<vmem>> -> memref<64x128xf32, #tpu.memory_space<vmem>>
    %dma_start3A_44 = arith.constant 0 : i32
    %dma_start3A_45 = tpu.memref_slice %arg6[%dma_start3A_40, %dma_start3A_44] : memref<2x128xi32, #tpu.memory_space<vmem>> -> memref<1x64xi32, #tpu.memory_space<vmem>>
    %dma_start3A_46 = tpu.memref_squeeze %dma_start3A_45 : memref<1x64xi32, #tpu.memory_space<vmem>> -> memref<64xi32, #tpu.memory_space<vmem>>
    %dma_start3A_47 = arith.constant 0 : i32
    %dma_start3A_48 = arith.constant 0 : i32
    %dma_start3A_49 = tpu.memref_slice %arg2[%dma_start3A_47, %dma_start3A_48] : memref<10000x128xf32, #tpu.memory_space<hbm>> -> memref<10000x128xf32, #tpu.memory_space<hbm>>
    tpu.enqueue_indirect_dma source(%dma_start3A_49 : memref<10000x128xf32, #tpu.memory_space<hbm>>) target(%dma_start3A_43 : memref<64x128xf32, #tpu.memory_space<vmem>>) offsets(%dma_start3A_46 : memref<64xi32, #tpu.memory_space<vmem>>) semaphore(%arg12 : memref<!tpu.dma_semaphore, #tpu.memory_space<semaphore_mem>>)
    %dma_start3A_50 = arith.constant 0 : i32
    %dma_start3A_51 = arith.constant 64 : i32
    %dma_start3A_52 = arith.constant 0 : i32
    %dma_start3A_53 = tpu.memref_slice %arg8[%dma_start3A_51, %dma_start3A_52] : memref<128x128xf32, #tpu.memory_space<vmem>> -> memref<64x128xf32, #tpu.memory_space<vmem>>
    %dma_start3A_54 = arith.constant 64 : i32
    %dma_start3A_55 = tpu.memref_slice %arg6[%dma_start3A_50, %dma_start3A_54] : memref<2x128xi32, #tpu.memory_space<vmem>> -> memref<1x64xi32, #tpu.memory_space<vmem>>
    %dma_start3A_56 = tpu.memref_squeeze %dma_start3A_55 : memref<1x64xi32, #tpu.memory_space<vmem>> -> memref<64xi32, #tpu.memory_space<vmem>>
    %dma_start3A_57 = arith.constant 0 : i32
    %dma_start3A_58 = arith.constant 0 : i32
    %dma_start3A_59 = tpu.memref_slice %arg2[%dma_start3A_57, %dma_start3A_58] : memref<10000x128xf32, #tpu.memory_space<hbm>> -> memref<10000x128xf32, #tpu.memory_space<hbm>>
    tpu.enqueue_indirect_dma source(%dma_start3A_59 : memref<10000x128xf32, #tpu.memory_space<hbm>>) target(%dma_start3A_53 : memref<64x128xf32, #tpu.memory_space<vmem>>) offsets(%dma_start3A_56 : memref<64xi32, #tpu.memory_space<vmem>>) semaphore(%arg12 : memref<!tpu.dma_semaphore, #tpu.memory_space<semaphore_mem>>)
    %scan3A_60 = arith.constant 0 : i32
    %scan3A_61 = arith.constant 39 : i32
    %scan3A_62 = arith.addi %scan3A_60, %scan3A_61 : i32
    %scan3A_63 = arith.constant 1 : i32
    scf.for %scan3A_112 = %scan3A_60 to %scan3A_62 step %scan3A_63  : i32 {
      %mul3A_113 = arith.constant 2 : i32
      %mul3A_114 = arith.muli %scan3A_112, %mul3A_113 : i32
      %add3A_115 = arith.constant 0 : i32
      %add3A_116 = arith.addi %add3A_115, %mul3A_114 : i32
      %dma_wait3A_117 = arith.constant 0 : i32
      %dma_wait3A_118 = arith.constant 0 : i32
      %dma_wait3A_119 = arith.constant 0 : i32
      %dma_wait3A_120 = tpu.memref_slice %arg3[%dma_wait3A_117, %dma_wait3A_118, %dma_wait3A_119] : memref<2560x2x128xi32, #tpu.memory_space<hbm>> -> memref<1x2x128xi32, #tpu.memory_space<hbm>>
      %dma_wait3A_121 = tpu.memref_squeeze %dma_wait3A_120 : memref<1x2x128xi32, #tpu.memory_space<hbm>> -> memref<2x128xi32, #tpu.memory_space<hbm>>
      %dma_wait3A_122 = arith.constant 0 : i32
      %dma_wait3A_123 = arith.constant 0 : i32
      %dma_wait3A_124 = tpu.memref_slice %arg3[%dma_wait3A_117, %dma_wait3A_122, %dma_wait3A_123] : memref<2560x2x128xi32, #tpu.memory_space<hbm>> -> memref<1x2x128xi32, #tpu.memory_space<hbm>>
      %dma_wait3A_125 = tpu.memref_squeeze %dma_wait3A_124 : memref<1x2x128xi32, #tpu.memory_space<hbm>> -> memref<2x128xi32, #tpu.memory_space<hbm>>
      tpu.wait_dma2 semaphore(%arg11 : memref<!tpu.dma_semaphore, #tpu.memory_space<semaphore_mem>>) src(%dma_wait3A_125 : memref<2x128xi32, #tpu.memory_space<hbm>>) dst(%arg7 : memref<2x128xi32, #tpu.memory_space<vmem>>)
      %dma_start3A_126 = arith.constant 0 : i32
      %dma_start3A_127 = arith.constant 0 : i32
      %dma_start3A_128 = arith.constant 0 : i32
      %dma_start3A_129 = tpu.memref_slice %arg9[%dma_start3A_127, %dma_start3A_128] : memref<128x128xf32, #tpu.memory_space<vmem>> -> memref<64x128xf32, #tpu.memory_space<vmem>>
      %dma_start3A_130 = arith.constant 0 : i32
      %dma_start3A_131 = tpu.memref_slice %arg7[%dma_start3A_126, %dma_start3A_130] : memref<2x128xi32, #tpu.memory_space<vmem>> -> memref<1x64xi32, #tpu.memory_space<vmem>>
      %dma_start3A_132 = tpu.memref_squeeze %dma_start3A_131 : memref<1x64xi32, #tpu.memory_space<vmem>> -> memref<64xi32, #tpu.memory_space<vmem>>
      %dma_start3A_133 = arith.constant 0 : i32
      %dma_start3A_134 = arith.constant 0 : i32
      %dma_start3A_135 = tpu.memref_slice %arg2[%dma_start3A_133, %dma_start3A_134] : memref<10000x128xf32, #tpu.memory_space<hbm>> -> memref<10000x128xf32, #tpu.memory_space<hbm>>
      tpu.enqueue_indirect_dma source(%dma_start3A_135 : memref<10000x128xf32, #tpu.memory_space<hbm>>) target(%dma_start3A_129 : memref<64x128xf32, #tpu.memory_space<vmem>>) offsets(%dma_start3A_132 : memref<64xi32, #tpu.memory_space<vmem>>) semaphore(%arg13 : memref<!tpu.dma_semaphore, #tpu.memory_space<semaphore_mem>>)
      %dma_start3A_136 = arith.constant 0 : i32
      %dma_start3A_137 = arith.constant 64 : i32
      %dma_start3A_138 = arith.constant 0 : i32
      %dma_start3A_139 = tpu.memref_slice %arg9[%dma_start3A_137, %dma_start3A_138] : memref<128x128xf32, #tpu.memory_space<vmem>> -> memref<64x128xf32, #tpu.memory_space<vmem>>
      %dma_start3A_140 = arith.constant 64 : i32
      %dma_start3A_141 = tpu.memref_slice %arg7[%dma_start3A_136, %dma_start3A_140] : memref<2x128xi32, #tpu.memory_space<vmem>> -> memref<1x64xi32, #tpu.memory_space<vmem>>
      %dma_start3A_142 = tpu.memref_squeeze %dma_start3A_141 : memref<1x64xi32, #tpu.memory_space<vmem>> -> memref<64xi32, #tpu.memory_space<vmem>>
      %dma_start3A_143 = arith.constant 0 : i32
      %dma_start3A_144 = arith.constant 0 : i32
      %dma_start3A_145 = tpu.memref_slice %arg2[%dma_start3A_143, %dma_start3A_144] : memref<10000x128xf32, #tpu.memory_space<hbm>> -> memref<10000x128xf32, #tpu.memory_space<hbm>>
      tpu.enqueue_indirect_dma source(%dma_start3A_145 : memref<10000x128xf32, #tpu.memory_space<hbm>>) target(%dma_start3A_139 : memref<64x128xf32, #tpu.memory_space<vmem>>) offsets(%dma_start3A_142 : memref<64xi32, #tpu.memory_space<vmem>>) semaphore(%arg13 : memref<!tpu.dma_semaphore, #tpu.memory_space<semaphore_mem>>)
      %dma_wait3A_146 = arith.constant 0 : i32
      %dma_wait3A_147 = arith.constant 0 : i32
      %dma_wait3A_148 = tpu.memref_slice %arg2[%dma_wait3A_146, %dma_wait3A_147] : memref<10000x128xf32, #tpu.memory_space<hbm>> -> memref<128x128xf32, #tpu.memory_space<hbm>>
      %dma_wait3A_149 = arith.constant 0 : i32
      %dma_wait3A_150 = arith.constant 0 : i32
      %dma_wait3A_151 = tpu.memref_slice %arg2[%dma_wait3A_149, %dma_wait3A_150] : memref<10000x128xf32, #tpu.memory_space<hbm>> -> memref<128x128xf32, #tpu.memory_space<hbm>>
      tpu.wait_dma2 semaphore(%arg12 : memref<!tpu.dma_semaphore, #tpu.memory_space<semaphore_mem>>) src(%dma_wait3A_151 : memref<128x128xf32, #tpu.memory_space<hbm>>) dst(%arg8 : memref<128x128xf32, #tpu.memory_space<vmem>>)
      %run_scoped3A_152 = arith.constant 1 : i32
      "tpu.region"() ({
        %run_scoped3A_211 = tpu.sem_alloc : memref<!tpu.dma_semaphore, #tpu.memory_space<semaphore_mem>>
        %dma_start3A_212 = arith.constant 0 : i32
        %dma_start3A_213 = tpu.memref_slice %arg6[%run_scoped3A_152, %dma_start3A_212] : memref<2x128xi32, #tpu.memory_space<vmem>> -> memref<1x128xi32, #tpu.memory_space<vmem>>
        %dma_start3A_214 = tpu.memref_squeeze %dma_start3A_213 : memref<1x128xi32, #tpu.memory_space<vmem>> -> memref<128xi32, #tpu.memory_space<vmem>>
        %dma_start3A_215 = arith.constant 0 : i32
        %dma_start3A_216 = arith.constant 0 : i32
        %dma_start3A_217 = tpu.memref_slice %arg5[%dma_start3A_215, %dma_start3A_216] : memref<10240x128xf32, #tpu.memory_space<vmem_shared>> -> memref<10240x128xf32, #tpu.memory_space<vmem_shared>>
        tpu.enqueue_indirect_dma source(%arg8 : memref<128x128xf32, #tpu.memory_space<vmem>>) target(%dma_start3A_217 : memref<10240x128xf32, #tpu.memory_space<vmem_shared>>) offsets(%dma_start3A_214 : memref<128xi32, #tpu.memory_space<vmem>>) semaphore(%run_scoped3A_211 : memref<!tpu.dma_semaphore, #tpu.memory_space<semaphore_mem>>) {add = true}
        %dma_wait3A_218 = arith.constant 0 : i32
        %dma_wait3A_219 = tpu.memref_slice %arg6[%run_scoped3A_152, %dma_wait3A_218] : memref<2x128xi32, #tpu.memory_space<vmem>> -> memref<1x128xi32, #tpu.memory_space<vmem>>
        %dma_wait3A_220 = tpu.memref_squeeze %dma_wait3A_219 : memref<1x128xi32, #tpu.memory_space<vmem>> -> memref<128xi32, #tpu.memory_space<vmem>>
        %dma_wait3A_221 = arith.constant 0 : i32
        %dma_wait3A_222 = arith.constant 0 : i32
        %dma_wait3A_223 = tpu.memref_slice %arg5[%dma_wait3A_221, %dma_wait3A_222] : memref<10240x128xf32, #tpu.memory_space<vmem_shared>> -> memref<10240x128xf32, #tpu.memory_space<vmem_shared>>
        tpu.wait_indirect_dma semaphore(%run_scoped3A_211 : memref<!tpu.dma_semaphore, #tpu.memory_space<semaphore_mem>>) src(%arg8 : memref<128x128xf32, #tpu.memory_space<vmem>>) dst(%dma_wait3A_223 : memref<10240x128xf32, #tpu.memory_space<vmem_shared>>)
        tpu.yield
      }) : () -> ()
      %add3A_153 = arith.constant 2 : i32
      %add3A_154 = arith.addi %add3A_116, %add3A_153 : i32
      %add3A_155 = arith.addi %mul3A_2, %add3A_154 : i32
      %dma_start3A_156 = arith.constant 0 : i32
      %dma_start3A_157 = arith.constant 0 : i32
      %dma_start3A_158 = tpu.memref_slice %arg3[%add3A_155, %dma_start3A_156, %dma_start3A_157] : memref<2560x2x128xi32, #tpu.memory_space<hbm>> -> memref<1x2x128xi32, #tpu.memory_space<hbm>>
      %dma_start3A_159 = tpu.memref_squeeze %dma_start3A_158 : memref<1x2x128xi32, #tpu.memory_space<hbm>> -> memref<2x128xi32, #tpu.memory_space<hbm>>
      %dma_start3A_160 = arith.constant 0 : i32
      %dma_start3A_161 = arith.constant 0 : i32
      %dma_start3A_162 = tpu.memref_slice %arg3[%add3A_155, %dma_start3A_160, %dma_start3A_161] : memref<2560x2x128xi32, #tpu.memory_space<hbm>> -> memref<1x2x128xi32, #tpu.memory_space<hbm>>
      %dma_start3A_163 = tpu.memref_squeeze %dma_start3A_162 : memref<1x2x128xi32, #tpu.memory_space<hbm>> -> memref<2x128xi32, #tpu.memory_space<hbm>>
      tpu.enqueue_dma source(%dma_start3A_163 : memref<2x128xi32, #tpu.memory_space<hbm>>) target(%arg6 : memref<2x128xi32, #tpu.memory_space<vmem>>) target_semaphore(%arg10 : memref<!tpu.dma_semaphore, #tpu.memory_space<semaphore_mem>>)
      %dma_wait3A_164 = arith.constant 0 : i32
      %dma_wait3A_165 = arith.constant 0 : i32
      %dma_wait3A_166 = arith.constant 0 : i32
      %dma_wait3A_167 = tpu.memref_slice %arg3[%dma_wait3A_164, %dma_wait3A_165, %dma_wait3A_166] : memref<2560x2x128xi32, #tpu.memory_space<hbm>> -> memref<1x2x128xi32, #tpu.memory_space<hbm>>
      %dma_wait3A_168 = tpu.memref_squeeze %dma_wait3A_167 : memref<1x2x128xi32, #tpu.memory_space<hbm>> -> memref<2x128xi32, #tpu.memory_space<hbm>>
      %dma_wait3A_169 = arith.constant 0 : i32
      %dma_wait3A_170 = arith.constant 0 : i32
      %dma_wait3A_171 = tpu.memref_slice %arg3[%dma_wait3A_164, %dma_wait3A_169, %dma_wait3A_170] : memref<2560x2x128xi32, #tpu.memory_space<hbm>> -> memref<1x2x128xi32, #tpu.memory_space<hbm>>
      %dma_wait3A_172 = tpu.memref_squeeze %dma_wait3A_171 : memref<1x2x128xi32, #tpu.memory_space<hbm>> -> memref<2x128xi32, #tpu.memory_space<hbm>>
      tpu.wait_dma2 semaphore(%arg10 : memref<!tpu.dma_semaphore, #tpu.memory_space<semaphore_mem>>) src(%dma_wait3A_172 : memref<2x128xi32, #tpu.memory_space<hbm>>) dst(%arg6 : memref<2x128xi32, #tpu.memory_space<vmem>>)
      %dma_start3A_173 = arith.constant 0 : i32
      %dma_start3A_174 = arith.constant 0 : i32
      %dma_start3A_175 = arith.constant 0 : i32
      %dma_start3A_176 = tpu.memref_slice %arg8[%dma_start3A_174, %dma_start3A_175] : memref<128x128xf32, #tpu.memory_space<vmem>> -> memref<64x128xf32, #tpu.memory_space<vmem>>
      %dma_start3A_177 = arith.constant 0 : i32
      %dma_start3A_178 = tpu.memref_slice %arg6[%dma_start3A_173, %dma_start3A_177] : memref<2x128xi32, #tpu.memory_space<vmem>> -> memref<1x64xi32, #tpu.memory_space<vmem>>
      %dma_start3A_179 = tpu.memref_squeeze %dma_start3A_178 : memref<1x64xi32, #tpu.memory_space<vmem>> -> memref<64xi32, #tpu.memory_space<vmem>>
      %dma_start3A_180 = arith.constant 0 : i32
      %dma_start3A_181 = arith.constant 0 : i32
      %dma_start3A_182 = tpu.memref_slice %arg2[%dma_start3A_180, %dma_start3A_181] : memref<10000x128xf32, #tpu.memory_space<hbm>> -> memref<10000x128xf32, #tpu.memory_space<hbm>>
      tpu.enqueue_indirect_dma source(%dma_start3A_182 : memref<10000x128xf32, #tpu.memory_space<hbm>>) target(%dma_start3A_176 : memref<64x128xf32, #tpu.memory_space<vmem>>) offsets(%dma_start3A_179 : memref<64xi32, #tpu.memory_space<vmem>>) semaphore(%arg12 : memref<!tpu.dma_semaphore, #tpu.memory_space<semaphore_mem>>)
      %dma_start3A_183 = arith.constant 0 : i32
      %dma_start3A_184 = arith.constant 64 : i32
      %dma_start3A_185 = arith.constant 0 : i32
      %dma_start3A_186 = tpu.memref_slice %arg8[%dma_start3A_184, %dma_start3A_185] : memref<128x128xf32, #tpu.memory_space<vmem>> -> memref<64x128xf32, #tpu.memory_space<vmem>>
      %dma_start3A_187 = arith.constant 64 : i32
      %dma_start3A_188 = tpu.memref_slice %arg6[%dma_start3A_183, %dma_start3A_187] : memref<2x128xi32, #tpu.memory_space<vmem>> -> memref<1x64xi32, #tpu.memory_space<vmem>>
      %dma_start3A_189 = tpu.memref_squeeze %dma_start3A_188 : memref<1x64xi32, #tpu.memory_space<vmem>> -> memref<64xi32, #tpu.memory_space<vmem>>
      %dma_start3A_190 = arith.constant 0 : i32
      %dma_start3A_191 = arith.constant 0 : i32
      %dma_start3A_192 = tpu.memref_slice %arg2[%dma_start3A_190, %dma_start3A_191] : memref<10000x128xf32, #tpu.memory_space<hbm>> -> memref<10000x128xf32, #tpu.memory_space<hbm>>
      tpu.enqueue_indirect_dma source(%dma_start3A_192 : memref<10000x128xf32, #tpu.memory_space<hbm>>) target(%dma_start3A_186 : memref<64x128xf32, #tpu.memory_space<vmem>>) offsets(%dma_start3A_189 : memref<64xi32, #tpu.memory_space<vmem>>) semaphore(%arg12 : memref<!tpu.dma_semaphore, #tpu.memory_space<semaphore_mem>>)
      %dma_wait3A_193 = arith.constant 0 : i32
      %dma_wait3A_194 = arith.constant 0 : i32
      %dma_wait3A_195 = tpu.memref_slice %arg2[%dma_wait3A_193, %dma_wait3A_194] : memref<10000x128xf32, #tpu.memory_space<hbm>> -> memref<128x128xf32, #tpu.memory_space<hbm>>
      %dma_wait3A_196 = arith.constant 0 : i32
      %dma_wait3A_197 = arith.constant 0 : i32
      %dma_wait3A_198 = tpu.memref_slice %arg2[%dma_wait3A_196, %dma_wait3A_197] : memref<10000x128xf32, #tpu.memory_space<hbm>> -> memref<128x128xf32, #tpu.memory_space<hbm>>
      tpu.wait_dma2 semaphore(%arg13 : memref<!tpu.dma_semaphore, #tpu.memory_space<semaphore_mem>>) src(%dma_wait3A_198 : memref<128x128xf32, #tpu.memory_space<hbm>>) dst(%arg9 : memref<128x128xf32, #tpu.memory_space<vmem>>)
      %run_scoped3A_199 = arith.constant 1 : i32
      "tpu.region"() ({
        %run_scoped3A_211 = tpu.sem_alloc : memref<!tpu.dma_semaphore, #tpu.memory_space<semaphore_mem>>
        %dma_start3A_212 = arith.constant 0 : i32
        %dma_start3A_213 = tpu.memref_slice %arg7[%run_scoped3A_199, %dma_start3A_212] : memref<2x128xi32, #tpu.memory_space<vmem>> -> memref<1x128xi32, #tpu.memory_space<vmem>>
        %dma_start3A_214 = tpu.memref_squeeze %dma_start3A_213 : memref<1x128xi32, #tpu.memory_space<vmem>> -> memref<128xi32, #tpu.memory_space<vmem>>
        %dma_start3A_215 = arith.constant 0 : i32
        %dma_start3A_216 = arith.constant 0 : i32
        %dma_start3A_217 = tpu.memref_slice %arg5[%dma_start3A_215, %dma_start3A_216] : memref<10240x128xf32, #tpu.memory_space<vmem_shared>> -> memref<10240x128xf32, #tpu.memory_space<vmem_shared>>
        tpu.enqueue_indirect_dma source(%arg9 : memref<128x128xf32, #tpu.memory_space<vmem>>) target(%dma_start3A_217 : memref<10240x128xf32, #tpu.memory_space<vmem_shared>>) offsets(%dma_start3A_214 : memref<128xi32, #tpu.memory_space<vmem>>) semaphore(%run_scoped3A_211 : memref<!tpu.dma_semaphore, #tpu.memory_space<semaphore_mem>>) {add = true}
        %dma_wait3A_218 = arith.constant 0 : i32
        %dma_wait3A_219 = tpu.memref_slice %arg7[%run_scoped3A_199, %dma_wait3A_218] : memref<2x128xi32, #tpu.memory_space<vmem>> -> memref<1x128xi32, #tpu.memory_space<vmem>>
        %dma_wait3A_220 = tpu.memref_squeeze %dma_wait3A_219 : memref<1x128xi32, #tpu.memory_space<vmem>> -> memref<128xi32, #tpu.memory_space<vmem>>
        %dma_wait3A_221 = arith.constant 0 : i32
        %dma_wait3A_222 = arith.constant 0 : i32
        %dma_wait3A_223 = tpu.memref_slice %arg5[%dma_wait3A_221, %dma_wait3A_222] : memref<10240x128xf32, #tpu.memory_space<vmem_shared>> -> memref<10240x128xf32, #tpu.memory_space<vmem_shared>>
        tpu.wait_indirect_dma semaphore(%run_scoped3A_211 : memref<!tpu.dma_semaphore, #tpu.memory_space<semaphore_mem>>) src(%arg9 : memref<128x128xf32, #tpu.memory_space<vmem>>) dst(%dma_wait3A_223 : memref<10240x128xf32, #tpu.memory_space<vmem_shared>>)
        tpu.yield
      }) : () -> ()
      %add3A_200 = arith.constant 3 : i32
      %add3A_201 = arith.addi %add3A_116, %add3A_200 : i32
      %add3A_202 = arith.addi %mul3A_2, %add3A_201 : i32
      %dma_start3A_203 = arith.constant 0 : i32
      %dma_start3A_204 = arith.constant 0 : i32
      %dma_start3A_205 = tpu.memref_slice %arg3[%add3A_202, %dma_start3A_203, %dma_start3A_204] : memref<2560x2x128xi32, #tpu.memory_space<hbm>> -> memref<1x2x128xi32, #tpu.memory_space<hbm>>
      %dma_start3A_206 = tpu.memref_squeeze %dma_start3A_205 : memref<1x2x128xi32, #tpu.memory_space<hbm>> -> memref<2x128xi32, #tpu.memory_space<hbm>>
      %dma_start3A_207 = arith.constant 0 : i32
      %dma_start3A_208 = arith.constant 0 : i32
      %dma_start3A_209 = tpu.memref_slice %arg3[%add3A_202, %dma_start3A_207, %dma_start3A_208] : memref<2560x2x128xi32, #tpu.memory_space<hbm>> -> memref<1x2x128xi32, #tpu.memory_space<hbm>>
      %dma_start3A_210 = tpu.memref_squeeze %dma_start3A_209 : memref<1x2x128xi32, #tpu.memory_space<hbm>> -> memref<2x128xi32, #tpu.memory_space<hbm>>
      tpu.enqueue_dma source(%dma_start3A_210 : memref<2x128xi32, #tpu.memory_space<hbm>>) target(%arg7 : memref<2x128xi32, #tpu.memory_space<vmem>>) target_semaphore(%arg11 : memref<!tpu.dma_semaphore, #tpu.memory_space<semaphore_mem>>)
    }
    %scan3A_64 = arith.constant 39 : i32
    %dma_wait3A_65 = arith.constant 0 : i32
    %dma_wait3A_66 = arith.constant 0 : i32
    %dma_wait3A_67 = arith.constant 0 : i32
    %dma_wait3A_68 = tpu.memref_slice %arg3[%dma_wait3A_65, %dma_wait3A_66, %dma_wait3A_67] : memref<2560x2x128xi32, #tpu.memory_space<hbm>> -> memref<1x2x128xi32, #tpu.memory_space<hbm>>
    %dma_wait3A_69 = tpu.memref_squeeze %dma_wait3A_68 : memref<1x2x128xi32, #tpu.memory_space<hbm>> -> memref<2x128xi32, #tpu.memory_space<hbm>>
    %dma_wait3A_70 = arith.constant 0 : i32
    %dma_wait3A_71 = arith.constant 0 : i32
    %dma_wait3A_72 = tpu.memref_slice %arg3[%dma_wait3A_65, %dma_wait3A_70, %dma_wait3A_71] : memref<2560x2x128xi32, #tpu.memory_space<hbm>> -> memref<1x2x128xi32, #tpu.memory_space<hbm>>
    %dma_wait3A_73 = tpu.memref_squeeze %dma_wait3A_72 : memref<1x2x128xi32, #tpu.memory_space<hbm>> -> memref<2x128xi32, #tpu.memory_space<hbm>>
    tpu.wait_dma2 semaphore(%arg11 : memref<!tpu.dma_semaphore, #tpu.memory_space<semaphore_mem>>) src(%dma_wait3A_73 : memref<2x128xi32, #tpu.memory_space<hbm>>) dst(%arg7 : memref<2x128xi32, #tpu.memory_space<vmem>>)
    %dma_start3A_74 = arith.constant 0 : i32
    %dma_start3A_75 = arith.constant 0 : i32
    %dma_start3A_76 = arith.constant 0 : i32
    %dma_start3A_77 = tpu.memref_slice %arg9[%dma_start3A_75, %dma_start3A_76] : memref<128x128xf32, #tpu.memory_space<vmem>> -> memref<64x128xf32, #tpu.memory_space<vmem>>
    %dma_start3A_78 = arith.constant 0 : i32
    %dma_start3A_79 = tpu.memref_slice %arg7[%dma_start3A_74, %dma_start3A_78] : memref<2x128xi32, #tpu.memory_space<vmem>> -> memref<1x64xi32, #tpu.memory_space<vmem>>
    %dma_start3A_80 = tpu.memref_squeeze %dma_start3A_79 : memref<1x64xi32, #tpu.memory_space<vmem>> -> memref<64xi32, #tpu.memory_space<vmem>>
    %dma_start3A_81 = arith.constant 0 : i32
    %dma_start3A_82 = arith.constant 0 : i32
    %dma_start3A_83 = tpu.memref_slice %arg2[%dma_start3A_81, %dma_start3A_82] : memref<10000x128xf32, #tpu.memory_space<hbm>> -> memref<10000x128xf32, #tpu.memory_space<hbm>>
    tpu.enqueue_indirect_dma source(%dma_start3A_83 : memref<10000x128xf32, #tpu.memory_space<hbm>>) target(%dma_start3A_77 : memref<64x128xf32, #tpu.memory_space<vmem>>) offsets(%dma_start3A_80 : memref<64xi32, #tpu.memory_space<vmem>>) semaphore(%arg13 : memref<!tpu.dma_semaphore, #tpu.memory_space<semaphore_mem>>)
    %dma_start3A_84 = arith.constant 0 : i32
    %dma_start3A_85 = arith.constant 64 : i32
    %dma_start3A_86 = arith.constant 0 : i32
    %dma_start3A_87 = tpu.memref_slice %arg9[%dma_start3A_85, %dma_start3A_86] : memref<128x128xf32, #tpu.memory_space<vmem>> -> memref<64x128xf32, #tpu.memory_space<vmem>>
    %dma_start3A_88 = arith.constant 64 : i32
    %dma_start3A_89 = tpu.memref_slice %arg7[%dma_start3A_84, %dma_start3A_88] : memref<2x128xi32, #tpu.memory_space<vmem>> -> memref<1x64xi32, #tpu.memory_space<vmem>>
    %dma_start3A_90 = tpu.memref_squeeze %dma_start3A_89 : memref<1x64xi32, #tpu.memory_space<vmem>> -> memref<64xi32, #tpu.memory_space<vmem>>
    %dma_start3A_91 = arith.constant 0 : i32
    %dma_start3A_92 = arith.constant 0 : i32
    %dma_start3A_93 = tpu.memref_slice %arg2[%dma_start3A_91, %dma_start3A_92] : memref<10000x128xf32, #tpu.memory_space<hbm>> -> memref<10000x128xf32, #tpu.memory_space<hbm>>
    tpu.enqueue_indirect_dma source(%dma_start3A_93 : memref<10000x128xf32, #tpu.memory_space<hbm>>) target(%dma_start3A_87 : memref<64x128xf32, #tpu.memory_space<vmem>>) offsets(%dma_start3A_90 : memref<64xi32, #tpu.memory_space<vmem>>) semaphore(%arg13 : memref<!tpu.dma_semaphore, #tpu.memory_space<semaphore_mem>>)
    %dma_wait3A_94 = arith.constant 0 : i32
    %dma_wait3A_95 = arith.constant 0 : i32
    %dma_wait3A_96 = tpu.memref_slice %arg2[%dma_wait3A_94, %dma_wait3A_95] : memref<10000x128xf32, #tpu.memory_space<hbm>> -> memref<128x128xf32, #tpu.memory_space<hbm>>
    %dma_wait3A_97 = arith.constant 0 : i32
    %dma_wait3A_98 = arith.constant 0 : i32
    %dma_wait3A_99 = tpu.memref_slice %arg2[%dma_wait3A_97, %dma_wait3A_98] : memref<10000x128xf32, #tpu.memory_space<hbm>> -> memref<128x128xf32, #tpu.memory_space<hbm>>
    tpu.wait_dma2 semaphore(%arg12 : memref<!tpu.dma_semaphore, #tpu.memory_space<semaphore_mem>>) src(%dma_wait3A_99 : memref<128x128xf32, #tpu.memory_space<hbm>>) dst(%arg8 : memref<128x128xf32, #tpu.memory_space<vmem>>)
    %run_scoped3A = arith.constant 1 : i32
    "tpu.region"() ({
      %run_scoped3A_112 = tpu.sem_alloc : memref<!tpu.dma_semaphore, #tpu.memory_space<semaphore_mem>>
      %dma_start3A_113 = arith.constant 0 : i32
      %dma_start3A_114 = tpu.memref_slice %arg6[%run_scoped3A, %dma_start3A_113] : memref<2x128xi32, #tpu.memory_space<vmem>> -> memref<1x128xi32, #tpu.memory_space<vmem>>
      %dma_start3A_115 = tpu.memref_squeeze %dma_start3A_114 : memref<1x128xi32, #tpu.memory_space<vmem>> -> memref<128xi32, #tpu.memory_space<vmem>>
      %dma_start3A_116 = arith.constant 0 : i32
      %dma_start3A_117 = arith.constant 0 : i32
      %dma_start3A_118 = tpu.memref_slice %arg5[%dma_start3A_116, %dma_start3A_117] : memref<10240x128xf32, #tpu.memory_space<vmem_shared>> -> memref<10240x128xf32, #tpu.memory_space<vmem_shared>>
      tpu.enqueue_indirect_dma source(%arg8 : memref<128x128xf32, #tpu.memory_space<vmem>>) target(%dma_start3A_118 : memref<10240x128xf32, #tpu.memory_space<vmem_shared>>) offsets(%dma_start3A_115 : memref<128xi32, #tpu.memory_space<vmem>>) semaphore(%run_scoped3A_112 : memref<!tpu.dma_semaphore, #tpu.memory_space<semaphore_mem>>) {add = true}
      %dma_wait3A_119 = arith.constant 0 : i32
      %dma_wait3A_120 = tpu.memref_slice %arg6[%run_scoped3A, %dma_wait3A_119] : memref<2x128xi32, #tpu.memory_space<vmem>> -> memref<1x128xi32, #tpu.memory_space<vmem>>
      %dma_wait3A_121 = tpu.memref_squeeze %dma_wait3A_120 : memref<1x128xi32, #tpu.memory_space<vmem>> -> memref<128xi32, #tpu.memory_space<vmem>>
      %dma_wait3A_122 = arith.constant 0 : i32
      %dma_wait3A_123 = arith.constant 0 : i32
      %dma_wait3A_124 = tpu.memref_slice %arg5[%dma_wait3A_122, %dma_wait3A_123] : memref<10240x128xf32, #tpu.memory_space<vmem_shared>> -> memref<10240x128xf32, #tpu.memory_space<vmem_shared>>
      tpu.wait_indirect_dma semaphore(%run_scoped3A_112 : memref<!tpu.dma_semaphore, #tpu.memory_space<semaphore_mem>>) src(%arg8 : memref<128x128xf32, #tpu.memory_space<vmem>>) dst(%dma_wait3A_124 : memref<10240x128xf32, #tpu.memory_space<vmem_shared>>)
      tpu.yield
    }) : () -> ()
    %dma_wait3A_100 = arith.constant 0 : i32
    %dma_wait3A_101 = arith.constant 0 : i32
    %dma_wait3A_102 = tpu.memref_slice %arg2[%dma_wait3A_100, %dma_wait3A_101] : memref<10000x128xf32, #tpu.memory_space<hbm>> -> memref<128x128xf32, #tpu.memory_space<hbm>>
    %dma_wait3A_103 = arith.constant 0 : i32
    %dma_wait3A_104 = arith.constant 0 : i32
    %dma_wait3A_105 = tpu.memref_slice %arg2[%dma_wait3A_103, %dma_wait3A_104] : memref<10000x128xf32, #tpu.memory_space<hbm>> -> memref<128x128xf32, #tpu.memory_space<hbm>>
    tpu.wait_dma2 semaphore(%arg13 : memref<!tpu.dma_semaphore, #tpu.memory_space<semaphore_mem>>) src(%dma_wait3A_105 : memref<128x128xf32, #tpu.memory_space<hbm>>) dst(%arg9 : memref<128x128xf32, #tpu.memory_space<vmem>>)
    %run_scoped3A_106 = arith.constant 1 : i32
    "tpu.region"() ({
      %run_scoped3A_112 = tpu.sem_alloc : memref<!tpu.dma_semaphore, #tpu.memory_space<semaphore_mem>>
      %dma_start3A_113 = arith.constant 0 : i32
      %dma_start3A_114 = tpu.memref_slice %arg7[%run_scoped3A_106, %dma_start3A_113] : memref<2x128xi32, #tpu.memory_space<vmem>> -> memref<1x128xi32, #tpu.memory_space<vmem>>
      %dma_start3A_115 = tpu.memref_squeeze %dma_start3A_114 : memref<1x128xi32, #tpu.memory_space<vmem>> -> memref<128xi32, #tpu.memory_space<vmem>>
      %dma_start3A_116 = arith.constant 0 : i32
      %dma_start3A_117 = arith.constant 0 : i32
      %dma_start3A_118 = tpu.memref_slice %arg5[%dma_start3A_116, %dma_start3A_117] : memref<10240x128xf32, #tpu.memory_space<vmem_shared>> -> memref<10240x128xf32, #tpu.memory_space<vmem_shared>>
      tpu.enqueue_indirect_dma source(%arg9 : memref<128x128xf32, #tpu.memory_space<vmem>>) target(%dma_start3A_118 : memref<10240x128xf32, #tpu.memory_space<vmem_shared>>) offsets(%dma_start3A_115 : memref<128xi32, #tpu.memory_space<vmem>>) semaphore(%run_scoped3A_112 : memref<!tpu.dma_semaphore, #tpu.memory_space<semaphore_mem>>) {add = true}
      %dma_wait3A_119 = arith.constant 0 : i32
      %dma_wait3A_120 = tpu.memref_slice %arg7[%run_scoped3A_106, %dma_wait3A_119] : memref<2x128xi32, #tpu.memory_space<vmem>> -> memref<1x128xi32, #tpu.memory_space<vmem>>
      %dma_wait3A_121 = tpu.memref_squeeze %dma_wait3A_120 : memref<1x128xi32, #tpu.memory_space<vmem>> -> memref<128xi32, #tpu.memory_space<vmem>>
      %dma_wait3A_122 = arith.constant 0 : i32
      %dma_wait3A_123 = arith.constant 0 : i32
      %dma_wait3A_124 = tpu.memref_slice %arg5[%dma_wait3A_122, %dma_wait3A_123] : memref<10240x128xf32, #tpu.memory_space<vmem_shared>> -> memref<10240x128xf32, #tpu.memory_space<vmem_shared>>
      tpu.wait_indirect_dma semaphore(%run_scoped3A_112 : memref<!tpu.dma_semaphore, #tpu.memory_space<semaphore_mem>>) src(%arg9 : memref<128x128xf32, #tpu.memory_space<vmem>>) dst(%dma_wait3A_124 : memref<10240x128xf32, #tpu.memory_space<vmem_shared>>)
      tpu.yield
    }) : () -> ()
    %barrier3A_107 = arith.constant 0 : index
    tpu.barrier barrier_id(%barrier3A_107)
    %mul3A_108 = arith.constant 640 : i32
    %mul3A_109 = arith.muli %arg1, %mul3A_108 : i32
    %mul3A_110 = arith.constant 640 : i32
    %mul3A_111 = arith.muli %arg1, %mul3A_110 : i32
    "tpu.region"() ({
      %run_scoped3A_112 = tpu.sem_alloc : memref<!tpu.dma_semaphore, #tpu.memory_space<semaphore_mem>>
      %dma_start3A_113 = arith.constant 0 : i32
      %dma_start3A_114 = tpu.memref_slice %arg4[%arg0, %mul3A_111, %dma_start3A_113] : memref<2x10240x128xf32, #tpu.memory_space<hbm>> -> memref<1x640x128xf32, #tpu.memory_space<hbm>>
      %dma_start3A_115 = tpu.memref_squeeze %dma_start3A_114 : memref<1x640x128xf32, #tpu.memory_space<hbm>> -> memref<640x128xf32, #tpu.memory_space<hbm>>
      %dma_start3A_116 = arith.constant 0 : i32
      %dma_start3A_117 = tpu.memref_slice %arg5[%mul3A_109, %dma_start3A_116] : memref<10240x128xf32, #tpu.memory_space<vmem_shared>> -> memref<640x128xf32, #tpu.memory_space<vmem_shared>>
      tpu.enqueue_dma source(%dma_start3A_117 : memref<640x128xf32, #tpu.memory_space<vmem_shared>>) target(%dma_start3A_115 : memref<640x128xf32, #tpu.memory_space<hbm>>) target_semaphore(%run_scoped3A_112 : memref<!tpu.dma_semaphore, #tpu.memory_space<semaphore_mem>>)
      %dma_wait3A_118 = arith.constant 0 : i32
      %dma_wait3A_119 = tpu.memref_slice %arg4[%arg0, %mul3A_111, %dma_wait3A_118] : memref<2x10240x128xf32, #tpu.memory_space<hbm>> -> memref<1x640x128xf32, #tpu.memory_space<hbm>>
      %dma_wait3A_120 = tpu.memref_squeeze %dma_wait3A_119 : memref<1x640x128xf32, #tpu.memory_space<hbm>> -> memref<640x128xf32, #tpu.memory_space<hbm>>
      %dma_wait3A_121 = arith.constant 0 : i32
      %dma_wait3A_122 = tpu.memref_slice %arg5[%mul3A_109, %dma_wait3A_121] : memref<10240x128xf32, #tpu.memory_space<vmem_shared>> -> memref<640x128xf32, #tpu.memory_space<vmem_shared>>
      tpu.wait_dma2 semaphore(%run_scoped3A_112 : memref<!tpu.dma_semaphore, #tpu.memory_space<semaphore_mem>>) src(%dma_wait3A_122 : memref<640x128xf32, #tpu.memory_space<vmem_shared>>) dst(%dma_wait3A_120 : memref<640x128xf32, #tpu.memory_space<hbm>>)
      tpu.yield
    }) : () -> ()
    return
  }
}

#map = affine_map<(d0, d1) -> (0, 0)>
#map1 = affine_map<(d0, d1) -> (0, 0, 0)>
module attributes {stable_mosaic.version = 14 : i64} {
  func.func @_sc_body(%arg0: i32, %arg1: i32, %arg2: memref<10000x128xf32, #tpu.memory_space<hbm>>, %arg3: memref<2560x2x128xi32, #tpu.memory_space<hbm>>, %arg4: memref<2x10240x128xf32, #tpu.memory_space<hbm>>, %arg5: memref<10240x128xf32, #tpu.memory_space<vmem_shared>>, %arg6: memref<2x128xi32, #tpu.memory_space<vmem>>, %arg7: memref<2x128xi32, #tpu.memory_space<vmem>>, %arg8: memref<128x128xf32, #tpu.memory_space<vmem>>, %arg9: memref<128x128xf32, #tpu.memory_space<vmem>>, %arg10: memref<!tpu.dma_semaphore, #tpu.memory_space<semaphore_mem>>, %arg11: memref<!tpu.dma_semaphore, #tpu.memory_space<semaphore_mem>>, %arg12: memref<!tpu.dma_semaphore, #tpu.memory_space<semaphore_mem>>, %arg13: memref<!tpu.dma_semaphore, #tpu.memory_space<semaphore_mem>>) attributes {dimension_semantics = [#tpu.dimension_semantics<core_parallel>, #tpu.dimension_semantics<subcore_parallel>], iteration_bounds = array<i64: 2, 16>, scalar_prefetch = 0 : i64, scratch_operands = 9 : i64, tpu.core_type = #tpu.core_type<sc_vector_subcore>, window_params = [{transform_indices = #map}, {transform_indices = #map1}, {transform_indices = #map1}]} {
    %mul3A = arith.constant 16 : i32
    %mul3A_0 = arith.muli %arg0, %mul3A : i32
    %add3A = arith.addi %mul3A_0, %arg1 : i32
    %mul3A_1 = arith.constant 80 : i32
    %mul3A_2 = arith.muli %add3A, %mul3A_1 : i32
    %broadcast_in_dim3A = arith.constant 0.000000e+00 : f32
    %broadcast_in_dim3A_3 = vector.broadcast %broadcast_in_dim3A : f32 to vector<16xf32>
    %scan3A = arith.constant 0 : i32
    %scan3A_4 = arith.constant 128 : i32
    %scan3A_5 = arith.addi %scan3A, %scan3A_4 : i32
    %scan3A_6 = arith.constant 1 : i32
    scf.for %scan3A_112 = %scan3A to %scan3A_5 step %scan3A_6  : i32 {
      %mul3A_113 = arith.constant 1 : i32
      %mul3A_114 = arith.muli %scan3A_112, %mul3A_113 : i32
      %add3A_115 = arith.constant 0 : i32
      %add3A_116 = arith.addi %add3A_115, %mul3A_114 : i32
      %swap3A = arith.index_cast %add3A_116 : i32 to index
      %swap3A_117 = arith.constant 0 : index
      %swap3A_118 = tpu.vector_load %arg8[%swap3A, %swap3A_117] {strides = array<i32>} : memref<128x128xf32, #tpu.memory_space<vmem>>, vector<1x16xf32>,
      %swap3A_119 = vector.shape_cast %swap3A_118 : vector<1x16xf32> to vector<16xf32>
      %swap3A_120 = vector.shape_cast %broadcast_in_dim3A_3 : vector<16xf32> to vector<1x16xf32>
      tpu.vector_store %arg8[%swap3A, %swap3A_117], %swap3A_120 {strides = array<i32>} : memref<128x128xf32, #tpu.memory_space<vmem>>, vector<1x16xf32>,
      %swap3A_121 = arith.index_cast %add3A_116 : i32 to index
      %swap3A_122 = arith.constant 16 : index
      %swap3A_123 = tpu.vector_load %arg8[%swap3A_121, %swap3A_122] {strides = array<i32>} : memref<128x128xf32, #tpu.memory_space<vmem>>, vector<1x16xf32>,
      %swap3A_124 = vector.shape_cast %swap3A_123 : vector<1x16xf32> to vector<16xf32>
      %swap3A_125 = vector.shape_cast %broadcast_in_dim3A_3 : vector<16xf32> to vector<1x16xf32>
      tpu.vector_store %arg8[%swap3A_121, %swap3A_122], %swap3A_125 {strides = array<i32>} : memref<128x128xf32, #tpu.memory_space<vmem>>, vector<1x16xf32>,
      %swap3A_126 = arith.index_cast %add3A_116 : i32 to index
      %swap3A_127 = arith.constant 32 : index
      %swap3A_128 = tpu.vector_load %arg8[%swap3A_126, %swap3A_127] {strides = array<i32>} : memref<128x128xf32, #tpu.memory_space<vmem>>, vector<1x16xf32>,
      %swap3A_129 = vector.shape_cast %swap3A_128 : vector<1x16xf32> to vector<16xf32>
      %swap3A_130 = vector.shape_cast %broadcast_in_dim3A_3 : vector<16xf32> to vector<1x16xf32>
      tpu.vector_store %arg8[%swap3A_126, %swap3A_127], %swap3A_130 {strides = array<i32>} : memref<128x128xf32, #tpu.memory_space<vmem>>, vector<1x16xf32>,
      %swap3A_131 = arith.index_cast %add3A_116 : i32 to index
      %swap3A_132 = arith.constant 48 : index
      %swap3A_133 = tpu.vector_load %arg8[%swap3A_131, %swap3A_132] {strides = array<i32>} : memref<128x128xf32, #tpu.memory_space<vmem>>, vector<1x16xf32>,
      %swap3A_134 = vector.shape_cast %swap3A_133 : vector<1x16xf32> to vector<16xf32>
      %swap3A_135 = vector.shape_cast %broadcast_in_dim3A_3 : vector<16xf32> to vector<1x16xf32>
      tpu.vector_store %arg8[%swap3A_131, %swap3A_132], %swap3A_135 {strides = array<i32>} : memref<128x128xf32, #tpu.memory_space<vmem>>, vector<1x16xf32>,
      %swap3A_136 = arith.index_cast %add3A_116 : i32 to index
      %swap3A_137 = arith.constant 64 : index
      %swap3A_138 = tpu.vector_load %arg8[%swap3A_136, %swap3A_137] {strides = array<i32>} : memref<128x128xf32, #tpu.memory_space<vmem>>, vector<1x16xf32>,
      %swap3A_139 = vector.shape_cast %swap3A_138 : vector<1x16xf32> to vector<16xf32>
      %swap3A_140 = vector.shape_cast %broadcast_in_dim3A_3 : vector<16xf32> to vector<1x16xf32>
      tpu.vector_store %arg8[%swap3A_136, %swap3A_137], %swap3A_140 {strides = array<i32>} : memref<128x128xf32, #tpu.memory_space<vmem>>, vector<1x16xf32>,
      %swap3A_141 = arith.index_cast %add3A_116 : i32 to index
      %swap3A_142 = arith.constant 80 : index
      %swap3A_143 = tpu.vector_load %arg8[%swap3A_141, %swap3A_142] {strides = array<i32>} : memref<128x128xf32, #tpu.memory_space<vmem>>, vector<1x16xf32>,
      %swap3A_144 = vector.shape_cast %swap3A_143 : vector<1x16xf32> to vector<16xf32>
      %swap3A_145 = vector.shape_cast %broadcast_in_dim3A_3 : vector<16xf32> to vector<1x16xf32>
      tpu.vector_store %arg8[%swap3A_141, %swap3A_142], %swap3A_145 {strides = array<i32>} : memref<128x128xf32, #tpu.memory_space<vmem>>, vector<1x16xf32>,
      %swap3A_146 = arith.index_cast %add3A_116 : i32 to index
      %swap3A_147 = arith.constant 96 : index
      %swap3A_148 = tpu.vector_load %arg8[%swap3A_146, %swap3A_147] {strides = array<i32>} : memref<128x128xf32, #tpu.memory_space<vmem>>, vector<1x16xf32>,
      %swap3A_149 = vector.shape_cast %swap3A_148 : vector<1x16xf32> to vector<16xf32>
      %swap3A_150 = vector.shape_cast %broadcast_in_dim3A_3 : vector<16xf32> to vector<1x16xf32>
      tpu.vector_store %arg8[%swap3A_146, %swap3A_147], %swap3A_150 {strides = array<i32>} : memref<128x128xf32, #tpu.memory_space<vmem>>, vector<1x16xf32>,
      %swap3A_151 = arith.index_cast %add3A_116 : i32 to index
      %swap3A_152 = arith.constant 112 : index
      %swap3A_153 = tpu.vector_load %arg8[%swap3A_151, %swap3A_152] {strides = array<i32>} : memref<128x128xf32, #tpu.memory_space<vmem>>, vector<1x16xf32>,
      %swap3A_154 = vector.shape_cast %swap3A_153 : vector<1x16xf32> to vector<16xf32>
      %swap3A_155 = vector.shape_cast %broadcast_in_dim3A_3 : vector<16xf32> to vector<1x16xf32>
      tpu.vector_store %arg8[%swap3A_151, %swap3A_152], %swap3A_155 {strides = array<i32>} : memref<128x128xf32, #tpu.memory_space<vmem>>, vector<1x16xf32>,
    }
    %scan3A_7 = arith.constant 128 : i32
    %scan3A_8 = arith.constant 0 : i32
    %scan3A_9 = arith.constant 5 : i32
    %scan3A_10 = arith.addi %scan3A_8, %scan3A_9 : i32
    %scan3A_11 = arith.constant 1 : i32
    scf.for %scan3A_112 = %scan3A_8 to %scan3A_10 step %scan3A_11  : i32 {
      %mul3A_113 = arith.constant 1 : i32
      %mul3A_114 = arith.muli %scan3A_112, %mul3A_113 : i32
      %add3A_115 = arith.constant 0 : i32
      %add3A_116 = arith.addi %add3A_115, %mul3A_114 : i32
      %mul3A_117 = arith.constant 640 : i32
      %mul3A_118 = arith.muli %arg1, %mul3A_117 : i32
      %mul3A_119 = arith.constant 128 : i32
      %mul3A_120 = arith.muli %add3A_116, %mul3A_119 : i32
      %add3A_121 = arith.addi %mul3A_118, %mul3A_120 : i32
      "tpu.region"() ({
        %run_scoped3A_122 = tpu.sem_alloc : memref<!tpu.dma_semaphore, #tpu.memory_space<semaphore_mem>>
        %dma_start3A_123 = arith.constant 0 : i32
        %dma_start3A_124 = tpu.memref_slice %arg5[%add3A_121, %dma_start3A_123] : memref<10240x128xf32, #tpu.memory_space<vmem_shared>> -> memref<128x128xf32, #tpu.memory_space<vmem_shared>>
        %dma_start3A_125 = arith.constant 0 : i32
        %dma_start3A_126 = tpu.memref_slice %arg5[%add3A_121, %dma_start3A_125] : memref<10240x128xf32, #tpu.memory_space<vmem_shared>> -> memref<128x128xf32, #tpu.memory_space<vmem_shared>>
        tpu.enqueue_dma source(%arg8 : memref<128x128xf32, #tpu.memory_space<vmem>>) target(%dma_start3A_126 : memref<128x128xf32, #tpu.memory_space<vmem_shared>>) target_semaphore(%run_scoped3A_122 : memref<!tpu.dma_semaphore, #tpu.memory_space<semaphore_mem>>)
        %dma_wait3A_127 = arith.constant 0 : i32
        %dma_wait3A_128 = tpu.memref_slice %arg5[%add3A_121, %dma_wait3A_127] : memref<10240x128xf32, #tpu.memory_space<vmem_shared>> -> memref<128x128xf32, #tpu.memory_space<vmem_shared>>
        %dma_wait3A_129 = arith.constant 0 : i32
        %dma_wait3A_130 = tpu.memref_slice %arg5[%add3A_121, %dma_wait3A_129] : memref<10240x128xf32, #tpu.memory_space<vmem_shared>> -> memref<128x128xf32, #tpu.memory_space<vmem_shared>>
        tpu.wait_dma2 semaphore(%run_scoped3A_122 : memref<!tpu.dma_semaphore, #tpu.memory_space<semaphore_mem>>) src(%arg8 : memref<128x128xf32, #tpu.memory_space<vmem>>) dst(%dma_wait3A_130 : memref<128x128xf32, #tpu.memory_space<vmem_shared>>)
        tpu.yield
      }) : () -> ()
    }
    %scan3A_12 = arith.constant 5 : i32
    %barrier3A = arith.constant 0 : index
    tpu.barrier barrier_id(%barrier3A)
    %add3A_13 = arith.constant 0 : i32
    %add3A_14 = arith.addi %mul3A_2, %add3A_13 : i32
    %dma_start3A = arith.constant 0 : i32
    %dma_start3A_15 = arith.constant 0 : i32
    %dma_start3A_16 = tpu.memref_slice %arg3[%add3A_14, %dma_start3A, %dma_start3A_15] : memref<2560x2x128xi32, #tpu.memory_space<hbm>> -> memref<1x2x128xi32, #tpu.memory_space<hbm>>
    %dma_start3A_17 = tpu.memref_squeeze %dma_start3A_16 : memref<1x2x128xi32, #tpu.memory_space<hbm>> -> memref<2x128xi32, #tpu.memory_space<hbm>>
    %dma_start3A_18 = arith.constant 0 : i32
    %dma_start3A_19 = arith.constant 0 : i32
    %dma_start3A_20 = tpu.memref_slice %arg3[%add3A_14, %dma_start3A_18, %dma_start3A_19] : memref<2560x2x128xi32, #tpu.memory_space<hbm>> -> memref<1x2x128xi32, #tpu.memory_space<hbm>>
    %dma_start3A_21 = tpu.memref_squeeze %dma_start3A_20 : memref<1x2x128xi32, #tpu.memory_space<hbm>> -> memref<2x128xi32, #tpu.memory_space<hbm>>
    tpu.enqueue_dma source(%dma_start3A_21 : memref<2x128xi32, #tpu.memory_space<hbm>>) target(%arg6 : memref<2x128xi32, #tpu.memory_space<vmem>>) target_semaphore(%arg10 : memref<!tpu.dma_semaphore, #tpu.memory_space<semaphore_mem>>)
    %add3A_22 = arith.constant 1 : i32
    %add3A_23 = arith.addi %mul3A_2, %add3A_22 : i32
    %dma_start3A_24 = arith.constant 0 : i32
    %dma_start3A_25 = arith.constant 0 : i32
    %dma_start3A_26 = tpu.memref_slice %arg3[%add3A_23, %dma_start3A_24, %dma_start3A_25] : memref<2560x2x128xi32, #tpu.memory_space<hbm>> -> memref<1x2x128xi32, #tpu.memory_space<hbm>>
    %dma_start3A_27 = tpu.memref_squeeze %dma_start3A_26 : memref<1x2x128xi32, #tpu.memory_space<hbm>> -> memref<2x128xi32, #tpu.memory_space<hbm>>
    %dma_start3A_28 = arith.constant 0 : i32
    %dma_start3A_29 = arith.constant 0 : i32
    %dma_start3A_30 = tpu.memref_slice %arg3[%add3A_23, %dma_start3A_28, %dma_start3A_29] : memref<2560x2x128xi32, #tpu.memory_space<hbm>> -> memref<1x2x128xi32, #tpu.memory_space<hbm>>
    %dma_start3A_31 = tpu.memref_squeeze %dma_start3A_30 : memref<1x2x128xi32, #tpu.memory_space<hbm>> -> memref<2x128xi32, #tpu.memory_space<hbm>>
    tpu.enqueue_dma source(%dma_start3A_31 : memref<2x128xi32, #tpu.memory_space<hbm>>) target(%arg7 : memref<2x128xi32, #tpu.memory_space<vmem>>) target_semaphore(%arg11 : memref<!tpu.dma_semaphore, #tpu.memory_space<semaphore_mem>>)
    %dma_wait3A = arith.constant 0 : i32
    %dma_wait3A_32 = arith.constant 0 : i32
    %dma_wait3A_33 = arith.constant 0 : i32
    %dma_wait3A_34 = tpu.memref_slice %arg3[%dma_wait3A, %dma_wait3A_32, %dma_wait3A_33] : memref<2560x2x128xi32, #tpu.memory_space<hbm>> -> memref<1x2x128xi32, #tpu.memory_space<hbm>>
    %dma_wait3A_35 = tpu.memref_squeeze %dma_wait3A_34 : memref<1x2x128xi32, #tpu.memory_space<hbm>> -> memref<2x128xi32, #tpu.memory_space<hbm>>
    %dma_wait3A_36 = arith.constant 0 : i32
    %dma_wait3A_37 = arith.constant 0 : i32
    %dma_wait3A_38 = tpu.memref_slice %arg3[%dma_wait3A, %dma_wait3A_36, %dma_wait3A_37] : memref<2560x2x128xi32, #tpu.memory_space<hbm>> -> memref<1x2x128xi32, #tpu.memory_space<hbm>>
    %dma_wait3A_39 = tpu.memref_squeeze %dma_wait3A_38 : memref<1x2x128xi32, #tpu.memory_space<hbm>> -> memref<2x128xi32, #tpu.memory_space<hbm>>
    tpu.wait_dma2 semaphore(%arg10 : memref<!tpu.dma_semaphore, #tpu.memory_space<semaphore_mem>>) src(%dma_wait3A_39 : memref<2x128xi32, #tpu.memory_space<hbm>>) dst(%arg6 : memref<2x128xi32, #tpu.memory_space<vmem>>)
    %dma_start3A_40 = arith.constant 0 : i32
    %dma_start3A_41 = arith.constant 0 : i32
    %dma_start3A_42 = arith.constant 0 : i32
    %dma_start3A_43 = tpu.memref_slice %arg8[%dma_start3A_41, %dma_start3A_42] : memref<128x128xf32, #tpu.memory_space<vmem>> -> memref<64x128xf32, #tpu.memory_space<vmem>>
    %dma_start3A_44 = arith.constant 0 : i32
    %dma_start3A_45 = tpu.memref_slice %arg6[%dma_start3A_40, %dma_start3A_44] : memref<2x128xi32, #tpu.memory_space<vmem>> -> memref<1x64xi32, #tpu.memory_space<vmem>>
    %dma_start3A_46 = tpu.memref_squeeze %dma_start3A_45 : memref<1x64xi32, #tpu.memory_space<vmem>> -> memref<64xi32, #tpu.memory_space<vmem>>
    %dma_start3A_47 = arith.constant 0 : i32
    %dma_start3A_48 = arith.constant 0 : i32
    %dma_start3A_49 = tpu.memref_slice %arg2[%dma_start3A_47, %dma_start3A_48] : memref<10000x128xf32, #tpu.memory_space<hbm>> -> memref<10000x128xf32, #tpu.memory_space<hbm>>
    tpu.enqueue_indirect_dma source(%dma_start3A_49 : memref<10000x128xf32, #tpu.memory_space<hbm>>) target(%dma_start3A_43 : memref<64x128xf32, #tpu.memory_space<vmem>>) offsets(%dma_start3A_46 : memref<64xi32, #tpu.memory_space<vmem>>) semaphore(%arg12 : memref<!tpu.dma_semaphore, #tpu.memory_space<semaphore_mem>>)
    %dma_start3A_50 = arith.constant 0 : i32
    %dma_start3A_51 = arith.constant 64 : i32
    %dma_start3A_52 = arith.constant 0 : i32
    %dma_start3A_53 = tpu.memref_slice %arg8[%dma_start3A_51, %dma_start3A_52] : memref<128x128xf32, #tpu.memory_space<vmem>> -> memref<64x128xf32, #tpu.memory_space<vmem>>
    %dma_start3A_54 = arith.constant 64 : i32
    %dma_start3A_55 = tpu.memref_slice %arg6[%dma_start3A_50, %dma_start3A_54] : memref<2x128xi32, #tpu.memory_space<vmem>> -> memref<1x64xi32, #tpu.memory_space<vmem>>
    %dma_start3A_56 = tpu.memref_squeeze %dma_start3A_55 : memref<1x64xi32, #tpu.memory_space<vmem>> -> memref<64xi32, #tpu.memory_space<vmem>>
    %dma_start3A_57 = arith.constant 0 : i32
    %dma_start3A_58 = arith.constant 0 : i32
    %dma_start3A_59 = tpu.memref_slice %arg2[%dma_start3A_57, %dma_start3A_58] : memref<10000x128xf32, #tpu.memory_space<hbm>> -> memref<10000x128xf32, #tpu.memory_space<hbm>>
    tpu.enqueue_indirect_dma source(%dma_start3A_59 : memref<10000x128xf32, #tpu.memory_space<hbm>>) target(%dma_start3A_53 : memref<64x128xf32, #tpu.memory_space<vmem>>) offsets(%dma_start3A_56 : memref<64xi32, #tpu.memory_space<vmem>>) semaphore(%arg12 : memref<!tpu.dma_semaphore, #tpu.memory_space<semaphore_mem>>)
    %scan3A_60 = arith.constant 0 : i32
    %scan3A_61 = arith.constant 39 : i32
    %scan3A_62 = arith.addi %scan3A_60, %scan3A_61 : i32
    %scan3A_63 = arith.constant 1 : i32
    scf.for %scan3A_112 = %scan3A_60 to %scan3A_62 step %scan3A_63  : i32 {
      %mul3A_113 = arith.constant 2 : i32
      %mul3A_114 = arith.muli %scan3A_112, %mul3A_113 : i32
      %add3A_115 = arith.constant 0 : i32
      %add3A_116 = arith.addi %add3A_115, %mul3A_114 : i32
      %dma_wait3A_117 = arith.constant 0 : i32
      %dma_wait3A_118 = arith.constant 0 : i32
      %dma_wait3A_119 = arith.constant 0 : i32
      %dma_wait3A_120 = tpu.memref_slice %arg3[%dma_wait3A_117, %dma_wait3A_118, %dma_wait3A_119] : memref<2560x2x128xi32, #tpu.memory_space<hbm>> -> memref<1x2x128xi32, #tpu.memory_space<hbm>>
      %dma_wait3A_121 = tpu.memref_squeeze %dma_wait3A_120 : memref<1x2x128xi32, #tpu.memory_space<hbm>> -> memref<2x128xi32, #tpu.memory_space<hbm>>
      %dma_wait3A_122 = arith.constant 0 : i32
      %dma_wait3A_123 = arith.constant 0 : i32
      %dma_wait3A_124 = tpu.memref_slice %arg3[%dma_wait3A_117, %dma_wait3A_122, %dma_wait3A_123] : memref<2560x2x128xi32, #tpu.memory_space<hbm>> -> memref<1x2x128xi32, #tpu.memory_space<hbm>>
      %dma_wait3A_125 = tpu.memref_squeeze %dma_wait3A_124 : memref<1x2x128xi32, #tpu.memory_space<hbm>> -> memref<2x128xi32, #tpu.memory_space<hbm>>
      tpu.wait_dma2 semaphore(%arg11 : memref<!tpu.dma_semaphore, #tpu.memory_space<semaphore_mem>>) src(%dma_wait3A_125 : memref<2x128xi32, #tpu.memory_space<hbm>>) dst(%arg7 : memref<2x128xi32, #tpu.memory_space<vmem>>)
      %dma_start3A_126 = arith.constant 0 : i32
      %dma_start3A_127 = arith.constant 0 : i32
      %dma_start3A_128 = arith.constant 0 : i32
      %dma_start3A_129 = tpu.memref_slice %arg9[%dma_start3A_127, %dma_start3A_128] : memref<128x128xf32, #tpu.memory_space<vmem>> -> memref<64x128xf32, #tpu.memory_space<vmem>>
      %dma_start3A_130 = arith.constant 0 : i32
      %dma_start3A_131 = tpu.memref_slice %arg7[%dma_start3A_126, %dma_start3A_130] : memref<2x128xi32, #tpu.memory_space<vmem>> -> memref<1x64xi32, #tpu.memory_space<vmem>>
      %dma_start3A_132 = tpu.memref_squeeze %dma_start3A_131 : memref<1x64xi32, #tpu.memory_space<vmem>> -> memref<64xi32, #tpu.memory_space<vmem>>
      %dma_start3A_133 = arith.constant 0 : i32
      %dma_start3A_134 = arith.constant 0 : i32
      %dma_start3A_135 = tpu.memref_slice %arg2[%dma_start3A_133, %dma_start3A_134] : memref<10000x128xf32, #tpu.memory_space<hbm>> -> memref<10000x128xf32, #tpu.memory_space<hbm>>
      tpu.enqueue_indirect_dma source(%dma_start3A_135 : memref<10000x128xf32, #tpu.memory_space<hbm>>) target(%dma_start3A_129 : memref<64x128xf32, #tpu.memory_space<vmem>>) offsets(%dma_start3A_132 : memref<64xi32, #tpu.memory_space<vmem>>) semaphore(%arg13 : memref<!tpu.dma_semaphore, #tpu.memory_space<semaphore_mem>>)
      %dma_start3A_136 = arith.constant 0 : i32
      %dma_start3A_137 = arith.constant 64 : i32
      %dma_start3A_138 = arith.constant 0 : i32
      %dma_start3A_139 = tpu.memref_slice %arg9[%dma_start3A_137, %dma_start3A_138] : memref<128x128xf32, #tpu.memory_space<vmem>> -> memref<64x128xf32, #tpu.memory_space<vmem>>
      %dma_start3A_140 = arith.constant 64 : i32
      %dma_start3A_141 = tpu.memref_slice %arg7[%dma_start3A_136, %dma_start3A_140] : memref<2x128xi32, #tpu.memory_space<vmem>> -> memref<1x64xi32, #tpu.memory_space<vmem>>
      %dma_start3A_142 = tpu.memref_squeeze %dma_start3A_141 : memref<1x64xi32, #tpu.memory_space<vmem>> -> memref<64xi32, #tpu.memory_space<vmem>>
      %dma_start3A_143 = arith.constant 0 : i32
      %dma_start3A_144 = arith.constant 0 : i32
      %dma_start3A_145 = tpu.memref_slice %arg2[%dma_start3A_143, %dma_start3A_144] : memref<10000x128xf32, #tpu.memory_space<hbm>> -> memref<10000x128xf32, #tpu.memory_space<hbm>>
      tpu.enqueue_indirect_dma source(%dma_start3A_145 : memref<10000x128xf32, #tpu.memory_space<hbm>>) target(%dma_start3A_139 : memref<64x128xf32, #tpu.memory_space<vmem>>) offsets(%dma_start3A_142 : memref<64xi32, #tpu.memory_space<vmem>>) semaphore(%arg13 : memref<!tpu.dma_semaphore, #tpu.memory_space<semaphore_mem>>)
      %dma_wait3A_146 = arith.constant 0 : i32
      %dma_wait3A_147 = arith.constant 0 : i32
      %dma_wait3A_148 = tpu.memref_slice %arg2[%dma_wait3A_146, %dma_wait3A_147] : memref<10000x128xf32, #tpu.memory_space<hbm>> -> memref<128x128xf32, #tpu.memory_space<hbm>>
      %dma_wait3A_149 = arith.constant 0 : i32
      %dma_wait3A_150 = arith.constant 0 : i32
      %dma_wait3A_151 = tpu.memref_slice %arg2[%dma_wait3A_149, %dma_wait3A_150] : memref<10000x128xf32, #tpu.memory_space<hbm>> -> memref<128x128xf32, #tpu.memory_space<hbm>>
      tpu.wait_dma2 semaphore(%arg12 : memref<!tpu.dma_semaphore, #tpu.memory_space<semaphore_mem>>) src(%dma_wait3A_151 : memref<128x128xf32, #tpu.memory_space<hbm>>) dst(%arg8 : memref<128x128xf32, #tpu.memory_space<vmem>>)
      %run_scoped3A_152 = arith.constant 1 : i32
      "tpu.region"() ({
        %run_scoped3A_211 = tpu.sem_alloc : memref<!tpu.dma_semaphore, #tpu.memory_space<semaphore_mem>>
        %dma_start3A_212 = arith.constant 0 : i32
        %dma_start3A_213 = tpu.memref_slice %arg6[%run_scoped3A_152, %dma_start3A_212] : memref<2x128xi32, #tpu.memory_space<vmem>> -> memref<1x128xi32, #tpu.memory_space<vmem>>
        %dma_start3A_214 = tpu.memref_squeeze %dma_start3A_213 : memref<1x128xi32, #tpu.memory_space<vmem>> -> memref<128xi32, #tpu.memory_space<vmem>>
        %dma_start3A_215 = arith.constant 0 : i32
        %dma_start3A_216 = arith.constant 0 : i32
        %dma_start3A_217 = tpu.memref_slice %arg5[%dma_start3A_215, %dma_start3A_216] : memref<10240x128xf32, #tpu.memory_space<vmem_shared>> -> memref<10240x128xf32, #tpu.memory_space<vmem_shared>>
        tpu.enqueue_indirect_dma source(%arg8 : memref<128x128xf32, #tpu.memory_space<vmem>>) target(%dma_start3A_217 : memref<10240x128xf32, #tpu.memory_space<vmem_shared>>) offsets(%dma_start3A_214 : memref<128xi32, #tpu.memory_space<vmem>>) semaphore(%run_scoped3A_211 : memref<!tpu.dma_semaphore, #tpu.memory_space<semaphore_mem>>) {add = true}
        %dma_wait3A_218 = arith.constant 0 : i32
        %dma_wait3A_219 = tpu.memref_slice %arg6[%run_scoped3A_152, %dma_wait3A_218] : memref<2x128xi32, #tpu.memory_space<vmem>> -> memref<1x128xi32, #tpu.memory_space<vmem>>
        %dma_wait3A_220 = tpu.memref_squeeze %dma_wait3A_219 : memref<1x128xi32, #tpu.memory_space<vmem>> -> memref<128xi32, #tpu.memory_space<vmem>>
        %dma_wait3A_221 = arith.constant 0 : i32
        %dma_wait3A_222 = arith.constant 0 : i32
        %dma_wait3A_223 = tpu.memref_slice %arg5[%dma_wait3A_221, %dma_wait3A_222] : memref<10240x128xf32, #tpu.memory_space<vmem_shared>> -> memref<10240x128xf32, #tpu.memory_space<vmem_shared>>
        tpu.wait_indirect_dma semaphore(%run_scoped3A_211 : memref<!tpu.dma_semaphore, #tpu.memory_space<semaphore_mem>>) src(%arg8 : memref<128x128xf32, #tpu.memory_space<vmem>>) dst(%dma_wait3A_223 : memref<10240x128xf32, #tpu.memory_space<vmem_shared>>)
        tpu.yield
      }) : () -> ()
      %add3A_153 = arith.constant 2 : i32
      %add3A_154 = arith.addi %add3A_116, %add3A_153 : i32
      %add3A_155 = arith.addi %mul3A_2, %add3A_154 : i32
      %dma_start3A_156 = arith.constant 0 : i32
      %dma_start3A_157 = arith.constant 0 : i32
      %dma_start3A_158 = tpu.memref_slice %arg3[%add3A_155, %dma_start3A_156, %dma_start3A_157] : memref<2560x2x128xi32, #tpu.memory_space<hbm>> -> memref<1x2x128xi32, #tpu.memory_space<hbm>>
      %dma_start3A_159 = tpu.memref_squeeze %dma_start3A_158 : memref<1x2x128xi32, #tpu.memory_space<hbm>> -> memref<2x128xi32, #tpu.memory_space<hbm>>
      %dma_start3A_160 = arith.constant 0 : i32
      %dma_start3A_161 = arith.constant 0 : i32
      %dma_start3A_162 = tpu.memref_slice %arg3[%add3A_155, %dma_start3A_160, %dma_start3A_161] : memref<2560x2x128xi32, #tpu.memory_space<hbm>> -> memref<1x2x128xi32, #tpu.memory_space<hbm>>
      %dma_start3A_163 = tpu.memref_squeeze %dma_start3A_162 : memref<1x2x128xi32, #tpu.memory_space<hbm>> -> memref<2x128xi32, #tpu.memory_space<hbm>>
      tpu.enqueue_dma source(%dma_start3A_163 : memref<2x128xi32, #tpu.memory_space<hbm>>) target(%arg6 : memref<2x128xi32, #tpu.memory_space<vmem>>) target_semaphore(%arg10 : memref<!tpu.dma_semaphore, #tpu.memory_space<semaphore_mem>>)
      %dma_wait3A_164 = arith.constant 0 : i32
      %dma_wait3A_165 = arith.constant 0 : i32
      %dma_wait3A_166 = arith.constant 0 : i32
      %dma_wait3A_167 = tpu.memref_slice %arg3[%dma_wait3A_164, %dma_wait3A_165, %dma_wait3A_166] : memref<2560x2x128xi32, #tpu.memory_space<hbm>> -> memref<1x2x128xi32, #tpu.memory_space<hbm>>
      %dma_wait3A_168 = tpu.memref_squeeze %dma_wait3A_167 : memref<1x2x128xi32, #tpu.memory_space<hbm>> -> memref<2x128xi32, #tpu.memory_space<hbm>>
      %dma_wait3A_169 = arith.constant 0 : i32
      %dma_wait3A_170 = arith.constant 0 : i32
      %dma_wait3A_171 = tpu.memref_slice %arg3[%dma_wait3A_164, %dma_wait3A_169, %dma_wait3A_170] : memref<2560x2x128xi32, #tpu.memory_space<hbm>> -> memref<1x2x128xi32, #tpu.memory_space<hbm>>
      %dma_wait3A_172 = tpu.memref_squeeze %dma_wait3A_171 : memref<1x2x128xi32, #tpu.memory_space<hbm>> -> memref<2x128xi32, #tpu.memory_space<hbm>>
      tpu.wait_dma2 semaphore(%arg10 : memref<!tpu.dma_semaphore, #tpu.memory_space<semaphore_mem>>) src(%dma_wait3A_172 : memref<2x128xi32, #tpu.memory_space<hbm>>) dst(%arg6 : memref<2x128xi32, #tpu.memory_space<vmem>>)
      %dma_start3A_173 = arith.constant 0 : i32
      %dma_start3A_174 = arith.constant 0 : i32
      %dma_start3A_175 = arith.constant 0 : i32
      %dma_start3A_176 = tpu.memref_slice %arg8[%dma_start3A_174, %dma_start3A_175] : memref<128x128xf32, #tpu.memory_space<vmem>> -> memref<64x128xf32, #tpu.memory_space<vmem>>
      %dma_start3A_177 = arith.constant 0 : i32
      %dma_start3A_178 = tpu.memref_slice %arg6[%dma_start3A_173, %dma_start3A_177] : memref<2x128xi32, #tpu.memory_space<vmem>> -> memref<1x64xi32, #tpu.memory_space<vmem>>
      %dma_start3A_179 = tpu.memref_squeeze %dma_start3A_178 : memref<1x64xi32, #tpu.memory_space<vmem>> -> memref<64xi32, #tpu.memory_space<vmem>>
      %dma_start3A_180 = arith.constant 0 : i32
      %dma_start3A_181 = arith.constant 0 : i32
      %dma_start3A_182 = tpu.memref_slice %arg2[%dma_start3A_180, %dma_start3A_181] : memref<10000x128xf32, #tpu.memory_space<hbm>> -> memref<10000x128xf32, #tpu.memory_space<hbm>>
      tpu.enqueue_indirect_dma source(%dma_start3A_182 : memref<10000x128xf32, #tpu.memory_space<hbm>>) target(%dma_start3A_176 : memref<64x128xf32, #tpu.memory_space<vmem>>) offsets(%dma_start3A_179 : memref<64xi32, #tpu.memory_space<vmem>>) semaphore(%arg12 : memref<!tpu.dma_semaphore, #tpu.memory_space<semaphore_mem>>)
      %dma_start3A_183 = arith.constant 0 : i32
      %dma_start3A_184 = arith.constant 64 : i32
      %dma_start3A_185 = arith.constant 0 : i32
      %dma_start3A_186 = tpu.memref_slice %arg8[%dma_start3A_184, %dma_start3A_185] : memref<128x128xf32, #tpu.memory_space<vmem>> -> memref<64x128xf32, #tpu.memory_space<vmem>>
      %dma_start3A_187 = arith.constant 64 : i32
      %dma_start3A_188 = tpu.memref_slice %arg6[%dma_start3A_183, %dma_start3A_187] : memref<2x128xi32, #tpu.memory_space<vmem>> -> memref<1x64xi32, #tpu.memory_space<vmem>>
      %dma_start3A_189 = tpu.memref_squeeze %dma_start3A_188 : memref<1x64xi32, #tpu.memory_space<vmem>> -> memref<64xi32, #tpu.memory_space<vmem>>
      %dma_start3A_190 = arith.constant 0 : i32
      %dma_start3A_191 = arith.constant 0 : i32
      %dma_start3A_192 = tpu.memref_slice %arg2[%dma_start3A_190, %dma_start3A_191] : memref<10000x128xf32, #tpu.memory_space<hbm>> -> memref<10000x128xf32, #tpu.memory_space<hbm>>
      tpu.enqueue_indirect_dma source(%dma_start3A_192 : memref<10000x128xf32, #tpu.memory_space<hbm>>) target(%dma_start3A_186 : memref<64x128xf32, #tpu.memory_space<vmem>>) offsets(%dma_start3A_189 : memref<64xi32, #tpu.memory_space<vmem>>) semaphore(%arg12 : memref<!tpu.dma_semaphore, #tpu.memory_space<semaphore_mem>>)
      %dma_wait3A_193 = arith.constant 0 : i32
      %dma_wait3A_194 = arith.constant 0 : i32
      %dma_wait3A_195 = tpu.memref_slice %arg2[%dma_wait3A_193, %dma_wait3A_194] : memref<10000x128xf32, #tpu.memory_space<hbm>> -> memref<128x128xf32, #tpu.memory_space<hbm>>
      %dma_wait3A_196 = arith.constant 0 : i32
      %dma_wait3A_197 = arith.constant 0 : i32
      %dma_wait3A_198 = tpu.memref_slice %arg2[%dma_wait3A_196, %dma_wait3A_197] : memref<10000x128xf32, #tpu.memory_space<hbm>> -> memref<128x128xf32, #tpu.memory_space<hbm>>
      tpu.wait_dma2 semaphore(%arg13 : memref<!tpu.dma_semaphore, #tpu.memory_space<semaphore_mem>>) src(%dma_wait3A_198 : memref<128x128xf32, #tpu.memory_space<hbm>>) dst(%arg9 : memref<128x128xf32, #tpu.memory_space<vmem>>)
      %run_scoped3A_199 = arith.constant 1 : i32
      "tpu.region"() ({
        %run_scoped3A_211 = tpu.sem_alloc : memref<!tpu.dma_semaphore, #tpu.memory_space<semaphore_mem>>
        %dma_start3A_212 = arith.constant 0 : i32
        %dma_start3A_213 = tpu.memref_slice %arg7[%run_scoped3A_199, %dma_start3A_212] : memref<2x128xi32, #tpu.memory_space<vmem>> -> memref<1x128xi32, #tpu.memory_space<vmem>>
        %dma_start3A_214 = tpu.memref_squeeze %dma_start3A_213 : memref<1x128xi32, #tpu.memory_space<vmem>> -> memref<128xi32, #tpu.memory_space<vmem>>
        %dma_start3A_215 = arith.constant 0 : i32
        %dma_start3A_216 = arith.constant 0 : i32
        %dma_start3A_217 = tpu.memref_slice %arg5[%dma_start3A_215, %dma_start3A_216] : memref<10240x128xf32, #tpu.memory_space<vmem_shared>> -> memref<10240x128xf32, #tpu.memory_space<vmem_shared>>
        tpu.enqueue_indirect_dma source(%arg9 : memref<128x128xf32, #tpu.memory_space<vmem>>) target(%dma_start3A_217 : memref<10240x128xf32, #tpu.memory_space<vmem_shared>>) offsets(%dma_start3A_214 : memref<128xi32, #tpu.memory_space<vmem>>) semaphore(%run_scoped3A_211 : memref<!tpu.dma_semaphore, #tpu.memory_space<semaphore_mem>>) {add = true}
        %dma_wait3A_218 = arith.constant 0 : i32
        %dma_wait3A_219 = tpu.memref_slice %arg7[%run_scoped3A_199, %dma_wait3A_218] : memref<2x128xi32, #tpu.memory_space<vmem>> -> memref<1x128xi32, #tpu.memory_space<vmem>>
        %dma_wait3A_220 = tpu.memref_squeeze %dma_wait3A_219 : memref<1x128xi32, #tpu.memory_space<vmem>> -> memref<128xi32, #tpu.memory_space<vmem>>
        %dma_wait3A_221 = arith.constant 0 : i32
        %dma_wait3A_222 = arith.constant 0 : i32
        %dma_wait3A_223 = tpu.memref_slice %arg5[%dma_wait3A_221, %dma_wait3A_222] : memref<10240x128xf32, #tpu.memory_space<vmem_shared>> -> memref<10240x128xf32, #tpu.memory_space<vmem_shared>>
        tpu.wait_indirect_dma semaphore(%run_scoped3A_211 : memref<!tpu.dma_semaphore, #tpu.memory_space<semaphore_mem>>) src(%arg9 : memref<128x128xf32, #tpu.memory_space<vmem>>) dst(%dma_wait3A_223 : memref<10240x128xf32, #tpu.memory_space<vmem_shared>>)
        tpu.yield
      }) : () -> ()
      %add3A_200 = arith.constant 3 : i32
      %add3A_201 = arith.addi %add3A_116, %add3A_200 : i32
      %add3A_202 = arith.addi %mul3A_2, %add3A_201 : i32
      %dma_start3A_203 = arith.constant 0 : i32
      %dma_start3A_204 = arith.constant 0 : i32
      %dma_start3A_205 = tpu.memref_slice %arg3[%add3A_202, %dma_start3A_203, %dma_start3A_204] : memref<2560x2x128xi32, #tpu.memory_space<hbm>> -> memref<1x2x128xi32, #tpu.memory_space<hbm>>
      %dma_start3A_206 = tpu.memref_squeeze %dma_start3A_205 : memref<1x2x128xi32, #tpu.memory_space<hbm>> -> memref<2x128xi32, #tpu.memory_space<hbm>>
      %dma_start3A_207 = arith.constant 0 : i32
      %dma_start3A_208 = arith.constant 0 : i32
      %dma_start3A_209 = tpu.memref_slice %arg3[%add3A_202, %dma_start3A_207, %dma_start3A_208] : memref<2560x2x128xi32, #tpu.memory_space<hbm>> -> memref<1x2x128xi32, #tpu.memory_space<hbm>>
      %dma_start3A_210 = tpu.memref_squeeze %dma_start3A_209 : memref<1x2x128xi32, #tpu.memory_space<hbm>> -> memref<2x128xi32, #tpu.memory_space<hbm>>
      tpu.enqueue_dma source(%dma_start3A_210 : memref<2x128xi32, #tpu.memory_space<hbm>>) target(%arg7 : memref<2x128xi32, #tpu.memory_space<vmem>>) target_semaphore(%arg11 : memref<!tpu.dma_semaphore, #tpu.memory_space<semaphore_mem>>)
    }
    %scan3A_64 = arith.constant 39 : i32
    %dma_wait3A_65 = arith.constant 0 : i32
    %dma_wait3A_66 = arith.constant 0 : i32
    %dma_wait3A_67 = arith.constant 0 : i32
    %dma_wait3A_68 = tpu.memref_slice %arg3[%dma_wait3A_65, %dma_wait3A_66, %dma_wait3A_67] : memref<2560x2x128xi32, #tpu.memory_space<hbm>> -> memref<1x2x128xi32, #tpu.memory_space<hbm>>
    %dma_wait3A_69 = tpu.memref_squeeze %dma_wait3A_68 : memref<1x2x128xi32, #tpu.memory_space<hbm>> -> memref<2x128xi32, #tpu.memory_space<hbm>>
    %dma_wait3A_70 = arith.constant 0 : i32
    %dma_wait3A_71 = arith.constant 0 : i32
    %dma_wait3A_72 = tpu.memref_slice %arg3[%dma_wait3A_65, %dma_wait3A_70, %dma_wait3A_71] : memref<2560x2x128xi32, #tpu.memory_space<hbm>> -> memref<1x2x128xi32, #tpu.memory_space<hbm>>
    %dma_wait3A_73 = tpu.memref_squeeze %dma_wait3A_72 : memref<1x2x128xi32, #tpu.memory_space<hbm>> -> memref<2x128xi32, #tpu.memory_space<hbm>>
    tpu.wait_dma2 semaphore(%arg11 : memref<!tpu.dma_semaphore, #tpu.memory_space<semaphore_mem>>) src(%dma_wait3A_73 : memref<2x128xi32, #tpu.memory_space<hbm>>) dst(%arg7 : memref<2x128xi32, #tpu.memory_space<vmem>>)
    %dma_start3A_74 = arith.constant 0 : i32
    %dma_start3A_75 = arith.constant 0 : i32
    %dma_start3A_76 = arith.constant 0 : i32
    %dma_start3A_77 = tpu.memref_slice %arg9[%dma_start3A_75, %dma_start3A_76] : memref<128x128xf32, #tpu.memory_space<vmem>> -> memref<64x128xf32, #tpu.memory_space<vmem>>
    %dma_start3A_78 = arith.constant 0 : i32
    %dma_start3A_79 = tpu.memref_slice %arg7[%dma_start3A_74, %dma_start3A_78] : memref<2x128xi32, #tpu.memory_space<vmem>> -> memref<1x64xi32, #tpu.memory_space<vmem>>
    %dma_start3A_80 = tpu.memref_squeeze %dma_start3A_79 : memref<1x64xi32, #tpu.memory_space<vmem>> -> memref<64xi32, #tpu.memory_space<vmem>>
    %dma_start3A_81 = arith.constant 0 : i32
    %dma_start3A_82 = arith.constant 0 : i32
    %dma_start3A_83 = tpu.memref_slice %arg2[%dma_start3A_81, %dma_start3A_82] : memref<10000x128xf32, #tpu.memory_space<hbm>> -> memref<10000x128xf32, #tpu.memory_space<hbm>>
    tpu.enqueue_indirect_dma source(%dma_start3A_83 : memref<10000x128xf32, #tpu.memory_space<hbm>>) target(%dma_start3A_77 : memref<64x128xf32, #tpu.memory_space<vmem>>) offsets(%dma_start3A_80 : memref<64xi32, #tpu.memory_space<vmem>>) semaphore(%arg13 : memref<!tpu.dma_semaphore, #tpu.memory_space<semaphore_mem>>)
    %dma_start3A_84 = arith.constant 0 : i32
    %dma_start3A_85 = arith.constant 64 : i32
    %dma_start3A_86 = arith.constant 0 : i32
    %dma_start3A_87 = tpu.memref_slice %arg9[%dma_start3A_85, %dma_start3A_86] : memref<128x128xf32, #tpu.memory_space<vmem>> -> memref<64x128xf32, #tpu.memory_space<vmem>>
    %dma_start3A_88 = arith.constant 64 : i32
    %dma_start3A_89 = tpu.memref_slice %arg7[%dma_start3A_84, %dma_start3A_88] : memref<2x128xi32, #tpu.memory_space<vmem>> -> memref<1x64xi32, #tpu.memory_space<vmem>>
    %dma_start3A_90 = tpu.memref_squeeze %dma_start3A_89 : memref<1x64xi32, #tpu.memory_space<vmem>> -> memref<64xi32, #tpu.memory_space<vmem>>
    %dma_start3A_91 = arith.constant 0 : i32
    %dma_start3A_92 = arith.constant 0 : i32
    %dma_start3A_93 = tpu.memref_slice %arg2[%dma_start3A_91, %dma_start3A_92] : memref<10000x128xf32, #tpu.memory_space<hbm>> -> memref<10000x128xf32, #tpu.memory_space<hbm>>
    tpu.enqueue_indirect_dma source(%dma_start3A_93 : memref<10000x128xf32, #tpu.memory_space<hbm>>) target(%dma_start3A_87 : memref<64x128xf32, #tpu.memory_space<vmem>>) offsets(%dma_start3A_90 : memref<64xi32, #tpu.memory_space<vmem>>) semaphore(%arg13 : memref<!tpu.dma_semaphore, #tpu.memory_space<semaphore_mem>>)
    %dma_wait3A_94 = arith.constant 0 : i32
    %dma_wait3A_95 = arith.constant 0 : i32
    %dma_wait3A_96 = tpu.memref_slice %arg2[%dma_wait3A_94, %dma_wait3A_95] : memref<10000x128xf32, #tpu.memory_space<hbm>> -> memref<128x128xf32, #tpu.memory_space<hbm>>
    %dma_wait3A_97 = arith.constant 0 : i32
    %dma_wait3A_98 = arith.constant 0 : i32
    %dma_wait3A_99 = tpu.memref_slice %arg2[%dma_wait3A_97, %dma_wait3A_98] : memref<10000x128xf32, #tpu.memory_space<hbm>> -> memref<128x128xf32, #tpu.memory_space<hbm>>
    tpu.wait_dma2 semaphore(%arg12 : memref<!tpu.dma_semaphore, #tpu.memory_space<semaphore_mem>>) src(%dma_wait3A_99 : memref<128x128xf32, #tpu.memory_space<hbm>>) dst(%arg8 : memref<128x128xf32, #tpu.memory_space<vmem>>)
    %run_scoped3A = arith.constant 1 : i32
    "tpu.region"() ({
      %run_scoped3A_112 = tpu.sem_alloc : memref<!tpu.dma_semaphore, #tpu.memory_space<semaphore_mem>>
      %dma_start3A_113 = arith.constant 0 : i32
      %dma_start3A_114 = tpu.memref_slice %arg6[%run_scoped3A, %dma_start3A_113] : memref<2x128xi32, #tpu.memory_space<vmem>> -> memref<1x128xi32, #tpu.memory_space<vmem>>
      %dma_start3A_115 = tpu.memref_squeeze %dma_start3A_114 : memref<1x128xi32, #tpu.memory_space<vmem>> -> memref<128xi32, #tpu.memory_space<vmem>>
      %dma_start3A_116 = arith.constant 0 : i32
      %dma_start3A_117 = arith.constant 0 : i32
      %dma_start3A_118 = tpu.memref_slice %arg5[%dma_start3A_116, %dma_start3A_117] : memref<10240x128xf32, #tpu.memory_space<vmem_shared>> -> memref<10240x128xf32, #tpu.memory_space<vmem_shared>>
      tpu.enqueue_indirect_dma source(%arg8 : memref<128x128xf32, #tpu.memory_space<vmem>>) target(%dma_start3A_118 : memref<10240x128xf32, #tpu.memory_space<vmem_shared>>) offsets(%dma_start3A_115 : memref<128xi32, #tpu.memory_space<vmem>>) semaphore(%run_scoped3A_112 : memref<!tpu.dma_semaphore, #tpu.memory_space<semaphore_mem>>) {add = true}
      %dma_wait3A_119 = arith.constant 0 : i32
      %dma_wait3A_120 = tpu.memref_slice %arg6[%run_scoped3A, %dma_wait3A_119] : memref<2x128xi32, #tpu.memory_space<vmem>> -> memref<1x128xi32, #tpu.memory_space<vmem>>
      %dma_wait3A_121 = tpu.memref_squeeze %dma_wait3A_120 : memref<1x128xi32, #tpu.memory_space<vmem>> -> memref<128xi32, #tpu.memory_space<vmem>>
      %dma_wait3A_122 = arith.constant 0 : i32
      %dma_wait3A_123 = arith.constant 0 : i32
      %dma_wait3A_124 = tpu.memref_slice %arg5[%dma_wait3A_122, %dma_wait3A_123] : memref<10240x128xf32, #tpu.memory_space<vmem_shared>> -> memref<10240x128xf32, #tpu.memory_space<vmem_shared>>
      tpu.wait_indirect_dma semaphore(%run_scoped3A_112 : memref<!tpu.dma_semaphore, #tpu.memory_space<semaphore_mem>>) src(%arg8 : memref<128x128xf32, #tpu.memory_space<vmem>>) dst(%dma_wait3A_124 : memref<10240x128xf32, #tpu.memory_space<vmem_shared>>)
      tpu.yield
    }) : () -> ()
    %dma_wait3A_100 = arith.constant 0 : i32
    %dma_wait3A_101 = arith.constant 0 : i32
    %dma_wait3A_102 = tpu.memref_slice %arg2[%dma_wait3A_100, %dma_wait3A_101] : memref<10000x128xf32, #tpu.memory_space<hbm>> -> memref<128x128xf32, #tpu.memory_space<hbm>>
    %dma_wait3A_103 = arith.constant 0 : i32
    %dma_wait3A_104 = arith.constant 0 : i32
    %dma_wait3A_105 = tpu.memref_slice %arg2[%dma_wait3A_103, %dma_wait3A_104] : memref<10000x128xf32, #tpu.memory_space<hbm>> -> memref<128x128xf32, #tpu.memory_space<hbm>>
    tpu.wait_dma2 semaphore(%arg13 : memref<!tpu.dma_semaphore, #tpu.memory_space<semaphore_mem>>) src(%dma_wait3A_105 : memref<128x128xf32, #tpu.memory_space<hbm>>) dst(%arg9 : memref<128x128xf32, #tpu.memory_space<vmem>>)
    %run_scoped3A_106 = arith.constant 1 : i32
    "tpu.region"() ({
      %run_scoped3A_112 = tpu.sem_alloc : memref<!tpu.dma_semaphore, #tpu.memory_space<semaphore_mem>>
      %dma_start3A_113 = arith.constant 0 : i32
      %dma_start3A_114 = tpu.memref_slice %arg7[%run_scoped3A_106, %dma_start3A_113] : memref<2x128xi32, #tpu.memory_space<vmem>> -> memref<1x128xi32, #tpu.memory_space<vmem>>
      %dma_start3A_115 = tpu.memref_squeeze %dma_start3A_114 : memref<1x128xi32, #tpu.memory_space<vmem>> -> memref<128xi32, #tpu.memory_space<vmem>>
      %dma_start3A_116 = arith.constant 0 : i32
      %dma_start3A_117 = arith.constant 0 : i32
      %dma_start3A_118 = tpu.memref_slice %arg5[%dma_start3A_116, %dma_start3A_117] : memref<10240x128xf32, #tpu.memory_space<vmem_shared>> -> memref<10240x128xf32, #tpu.memory_space<vmem_shared>>
      tpu.enqueue_indirect_dma source(%arg9 : memref<128x128xf32, #tpu.memory_space<vmem>>) target(%dma_start3A_118 : memref<10240x128xf32, #tpu.memory_space<vmem_shared>>) offsets(%dma_start3A_115 : memref<128xi32, #tpu.memory_space<vmem>>) semaphore(%run_scoped3A_112 : memref<!tpu.dma_semaphore, #tpu.memory_space<semaphore_mem>>) {add = true}
      %dma_wait3A_119 = arith.constant 0 : i32
      %dma_wait3A_120 = tpu.memref_slice %arg7[%run_scoped3A_106, %dma_wait3A_119] : memref<2x128xi32, #tpu.memory_space<vmem>> -> memref<1x128xi32, #tpu.memory_space<vmem>>
      %dma_wait3A_121 = tpu.memref_squeeze %dma_wait3A_120 : memref<1x128xi32, #tpu.memory_space<vmem>> -> memref<128xi32, #tpu.memory_space<vmem>>
      %dma_wait3A_122 = arith.constant 0 : i32
      %dma_wait3A_123 = arith.constant 0 : i32
      %dma_wait3A_124 = tpu.memref_slice %arg5[%dma_wait3A_122, %dma_wait3A_123] : memref<10240x128xf32, #tpu.memory_space<vmem_shared>> -> memref<10240x128xf32, #tpu.memory_space<vmem_shared>>
      tpu.wait_indirect_dma semaphore(%run_scoped3A_112 : memref<!tpu.dma_semaphore, #tpu.memory_space<semaphore_mem>>) src(%arg9 : memref<128x128xf32, #tpu.memory_space<vmem>>) dst(%dma_wait3A_124 : memref<10240x128xf32, #tpu.memory_space<vmem_shared>>)
      tpu.yield
    }) : () -> ()
    %barrier3A_107 = arith.constant 0 : index
    tpu.barrier barrier_id(%barrier3A_107)
    %mul3A_108 = arith.constant 640 : i32
    %mul3A_109 = arith.muli %arg1, %mul3A_108 : i32
    %mul3A_110 = arith.constant 640 : i32
    %mul3A_111 = arith.muli %arg1, %mul3A_110 : i32
    "tpu.region"() ({
      %run_scoped3A_112 = tpu.sem_alloc : memref<!tpu.dma_semaphore, #tpu.memory_space<semaphore_mem>>
      %dma_start3A_113 = arith.constant 0 : i32
      %dma_start3A_114 = tpu.memref_slice %arg4[%arg0, %mul3A_111, %dma_start3A_113] : memref<2x10240x128xf32, #tpu.memory_space<hbm>> -> memref<1x640x128xf32, #tpu.memory_space<hbm>>
      %dma_start3A_115 = tpu.memref_squeeze %dma_start3A_114 : memref<1x640x128xf32, #tpu.memory_space<hbm>> -> memref<640x128xf32, #tpu.memory_space<hbm>>
      %dma_start3A_116 = arith.constant 0 : i32
      %dma_start3A_117 = tpu.memref_slice %arg5[%mul3A_109, %dma_start3A_116] : memref<10240x128xf32, #tpu.memory_space<vmem_shared>> -> memref<640x128xf32, #tpu.memory_space<vmem_shared>>
      tpu.enqueue_dma source(%dma_start3A_117 : memref<640x128xf32, #tpu.memory_space<vmem_shared>>) target(%dma_start3A_115 : memref<640x128xf32, #tpu.memory_space<hbm>>) target_semaphore(%run_scoped3A_112 : memref<!tpu.dma_semaphore, #tpu.memory_space<semaphore_mem>>)
      %dma_wait3A_118 = arith.constant 0 : i32
      %dma_wait3A_119 = tpu.memref_slice %arg4[%arg0, %mul3A_111, %dma_wait3A_118] : memref<2x10240x128xf32, #tpu.memory_space<hbm>> -> memref<1x640x128xf32, #tpu.memory_space<hbm>>
      %dma_wait3A_120 = tpu.memref_squeeze %dma_wait3A_119 : memref<1x640x128xf32, #tpu.memory_space<hbm>> -> memref<640x128xf32, #tpu.memory_space<hbm>>
      %dma_wait3A_121 = arith.constant 0 : i32
      %dma_wait3A_122 = tpu.memref_slice %arg5[%mul3A_109, %dma_wait3A_121] : memref<10240x128xf32, #tpu.memory_space<vmem_shared>> -> memref<640x128xf32, #tpu.memory_space<vmem_shared>>
      tpu.wait_dma2 semaphore(%run_scoped3A_112 : memref<!tpu.dma_semaphore, #tpu.memory_space<semaphore_mem>>) src(%dma_wait3A_122 : memref<640x128xf32, #tpu.memory_space<vmem_shared>>) dst(%dma_wait3A_120 : memref<640x128xf32, #tpu.memory_space<hbm>>)
      tpu.yield
    }) : () -> ()
    return
  }
}

module attributes {stable_mosaic.version = 14 : i64} {
  func.func @_layer_pool_body(%arg0: i32, %arg1: memref<2x2000x128xf32, #tpu.memory_space<vmem>>, %arg2: memref<2000x128xf32, #tpu.memory_space<vmem>>, %arg3: memref<128x128xf32, #tpu.memory_space<vmem>>, %arg4: memref<1x128xf32, #tpu.memory_space<vmem>>, %arg5: memref<128x128xf32, #tpu.memory_space<vmem>>, %arg6: memref<1x1x2000xi32, #tpu.memory_space<vmem>>, %arg7: memref<64x128xf32, #tpu.memory_space<vmem>>, %arg8: memref<2000x128xf32, #tpu.memory_space<vmem>>, %arg9: memref<64x128xf32, #tpu.memory_space<vmem>>) attributes {dimension_semantics = [#tpu.dimension_semantics<arbitrary>], iteration_bounds = array<i64: 5>, scalar_prefetch = 0 : i64, scratch_operands = 0 : i64, tpu.core_type = #tpu.core_type<tc>, window_params = [{transform_indices = @transform_0, window_bounds = array<i64: 2, 2000, 128>}, {transform_indices = @transform_1, window_bounds = array<i64: 2000, 128>}, {pipeline_mode = #tpu.pipeline_mode<synchronous>, transform_indices = @transform_2, window_bounds = array<i64: 128, 128>}, {pipeline_mode = #tpu.pipeline_mode<synchronous>, transform_indices = @transform_3, window_bounds = array<i64: 1, 128>}, {pipeline_mode = #tpu.pipeline_mode<synchronous>, transform_indices = @transform_4, window_bounds = array<i64: 128, 128>}, {transform_indices = @transform_5, window_bounds = array<i64: 1, 1, 2000>}, {pipeline_mode = #tpu.pipeline_mode<synchronous>, transform_indices = @transform_6, window_bounds = array<i64: 64, 128>}, {transform_indices = @transform_7, window_bounds = array<i64: 2000, 128>}, {pipeline_mode = #tpu.pipeline_mode<synchronous>, transform_indices = @transform_8, window_bounds = array<i64: 64, 128>}]} {
    %get3A = arith.constant 0 : index
    %get3A_0 = arith.constant 0 : index
    %get3A_1 = arith.constant 0 : index
    %get3A_2 = vector.load %arg1[%get3A, %get3A_0, %get3A_1] : memref<2x2000x128xf32, #tpu.memory_space<vmem>>, vector<1x2000x128xf32>
    %get3A_3 = vector.shape_cast %get3A_2 : vector<1x2000x128xf32> to vector<2000x128xf32>
    %get3A_4 = arith.constant 1 : index
    %get3A_5 = arith.constant 0 : index
    %get3A_6 = arith.constant 0 : index
    %get3A_7 = vector.load %arg1[%get3A_4, %get3A_5, %get3A_6] : memref<2x2000x128xf32, #tpu.memory_space<vmem>>, vector<1x2000x128xf32>
    %get3A_8 = vector.shape_cast %get3A_7 : vector<1x2000x128xf32> to vector<2000x128xf32>
    %add3A = arith.addf %get3A_3, %get3A_8 : vector<2000x128xf32>
    %get3A_9 = arith.constant 0 : index
    %get3A_10 = arith.constant 0 : index
    %get3A_11 = vector.load %arg3[%get3A_9, %get3A_10] : memref<128x128xf32, #tpu.memory_space<vmem>>, vector<128x128xf32>
    %dot_general3A = arith.constant dense<0.000000e+00> : vector<2000x128xf32>
    %dot_general3A_12 = tpu.matmul %add3A, %get3A_11, %dot_general3A {dimension_numbers = #tpu.dot_dimension_numbers<[1], [0], [0], [1], [0, 0, 1, 1], [], []>, transpose_lhs_hint = false} : vector<2000x128xf32>, vector<128x128xf32>, vector<2000x128xf32> -> vector<2000x128xf32>
    %get3A_13 = arith.constant 0 : index
    %get3A_14 = arith.constant 0 : index
    %get3A_15 = vector.load %arg2[%get3A_13, %get3A_14] : memref<2000x128xf32, #tpu.memory_space<vmem>>, vector<2000x128xf32>
    %get3A_16 = arith.constant 0 : index
    %get3A_17 = arith.constant 0 : index
    %get3A_18 = vector.load %arg5[%get3A_16, %get3A_17] : memref<128x128xf32, #tpu.memory_space<vmem>>, vector<128x128xf32>
    %dot_general3A_19 = arith.constant dense<0.000000e+00> : vector<2000x128xf32>
    %dot_general3A_20 = tpu.matmul %get3A_15, %get3A_18, %dot_general3A_19 {dimension_numbers = #tpu.dot_dimension_numbers<[1], [0], [0], [1], [0, 0, 1, 1], [], []>, transpose_lhs_hint = false} : vector<2000x128xf32>, vector<128x128xf32>, vector<2000x128xf32> -> vector<2000x128xf32>
    %add3A_21 = arith.addf %dot_general3A_12, %dot_general3A_20 : vector<2000x128xf32>
    %get3A_22 = arith.constant 0 : index
    %get3A_23 = arith.constant 0 : index
    %get3A_24 = vector.load %arg4[%get3A_22, %get3A_23] : memref<1x128xf32, #tpu.memory_space<vmem>>, vector<1x128xf32>
    %add3A_25 = vector.broadcast %get3A_24 : vector<1x128xf32> to vector<2000x128xf32>
    %add3A_26 = arith.addf %add3A_21, %add3A_25 : vector<2000x128xf32>
    %max3A = arith.constant 0.000000e+00 : f32
    %max3A_27 = vector.broadcast %max3A : f32 to vector<2000x128xf32>
    %max3A_28 = arith.maximumf %add3A_26, %max3A_27 : vector<2000x128xf32>
    %swap3A = arith.constant 0 : index
    %swap3A_29 = arith.constant 0 : index
    %swap3A_30 = vector.load %arg8[%swap3A, %swap3A_29] : memref<2000x128xf32, #tpu.memory_space<vmem>>, vector<2000x128xf32>
    tpu.vector_store %arg8[%swap3A, %swap3A_29], %max3A_28 {strides = array<i32>} : memref<2000x128xf32, #tpu.memory_space<vmem>>, vector<2000x128xf32>,
    %eq3A = arith.constant 0 : i32
    %eq3A_31 = arith.cmpi eq, %arg0, %eq3A : i32
    %convert_element_type3A = arith.extui %eq3A_31 : i1 to i32
    %cond3A = arith.constant 0 : i32
    %cond3A_32 = arith.cmpi ne, %convert_element_type3A, %cond3A : i32
    scf.if %cond3A_32 {
      %get3A_52 = arith.constant 0 : index
      %get3A_53 = arith.constant 0 : index
      %get3A_54 = vector.load %arg7[%get3A_52, %get3A_53] : memref<64x128xf32, #tpu.memory_space<vmem>>, vector<64x128xf32>
      %swap3A_55 = arith.constant 0 : index
      %swap3A_56 = arith.constant 0 : index
      %swap3A_57 = vector.load %arg9[%swap3A_55, %swap3A_56] : memref<64x128xf32, #tpu.memory_space<vmem>>, vector<64x128xf32>
      tpu.vector_store %arg9[%swap3A_55, %swap3A_56], %get3A_54 {strides = array<i32>} : memref<64x128xf32, #tpu.memory_space<vmem>>, vector<64x128xf32>,
    } else {
    }
    %get3A_33 = arith.constant 0 : index
    %get3A_34 = arith.constant 0 : index
    %get3A_35 = arith.constant 0 : index
    %get3A_36 = vector.load %arg6[%get3A_33, %get3A_34, %get3A_35] : memref<1x1x2000xi32, #tpu.memory_space<vmem>>, vector<1x1x2000xi32>
    %get3A_37 = vector.shape_cast %get3A_36 : vector<1x1x2000xi32> to vector<2000xi32>
    %broadcast_in_dim3A = vector.shape_cast %get3A_37 : vector<2000xi32> to vector<2000x1xi32>
    %iota3A = tpu.iota {dimensions = array<i32: 1>} : vector<1x64xi32>
    %eq3A_38 = vector.broadcast %broadcast_in_dim3A : vector<2000x1xi32> to vector<2000x64xi32>
    %eq3A_39 = vector.broadcast %iota3A : vector<1x64xi32> to vector<2000x64xi32>
    %eq3A_40 = arith.cmpi eq, %eq3A_38, %eq3A_39 : vector<2000x64xi32>
    %convert_element_type3A_41 = arith.extui %eq3A_40 : vector<2000x64xi1> to vector<2000x64xi32>
    %convert_element_type3A_42 = arith.sitofp %convert_element_type3A_41 : vector<2000x64xi32> to vector<2000x64xf32>
    %get3A_43 = arith.constant 0 : index
    %get3A_44 = arith.constant 0 : index
    %get3A_45 = vector.load %arg9[%get3A_43, %get3A_44] : memref<64x128xf32, #tpu.memory_space<vmem>>, vector<64x128xf32>
    %dot_general3A_46 = arith.constant dense<0.000000e+00> : vector<64x128xf32>
    %dot_general3A_47 = tpu.matmul %convert_element_type3A_42, %max3A_28, %dot_general3A_46 {dimension_numbers = #tpu.dot_dimension_numbers<[0], [0], [1], [1], [0, 1, 1, 1], [], []>, precision = #tpu.contract_precision<fp32>, transpose_lhs_hint = false} : vector<2000x64xf32>, vector<2000x128xf32>, vector<64x128xf32> -> vector<64x128xf32>
    %add3A_48 = arith.addf %get3A_45, %dot_general3A_47 : vector<64x128xf32>
    %swap3A_49 = arith.constant 0 : index
    %swap3A_50 = arith.constant 0 : index
    %swap3A_51 = vector.load %arg9[%swap3A_49, %swap3A_50] : memref<64x128xf32, #tpu.memory_space<vmem>>, vector<64x128xf32>
    tpu.vector_store %arg9[%swap3A_49, %swap3A_50], %add3A_48 {strides = array<i32>} : memref<64x128xf32, #tpu.memory_space<vmem>>, vector<64x128xf32>,
    return
  }
  func.func @transform_0(%arg0: i32) -> (i32, i32, i32) {
    %c0_i32 = arith.constant 0 : i32
    %c0_i32_0 = arith.constant 0 : i32
    %c0_i32_1 = arith.constant 0 : i32
    return %c0_i32, %arg0, %c0_i32_0 : i32, i32, i32
  }
  func.func @transform_1(%arg0: i32) -> (i32, i32) {
    %c0_i32 = arith.constant 0 : i32
    %c0_i32_0 = arith.constant 0 : i32
    return %arg0, %c0_i32 : i32, i32
  }
  func.func @transform_2(%arg0: i32) -> (i32, i32) {
    %c0_i32 = arith.constant 0 : i32
    %c0_i32_0 = arith.constant 0 : i32
    %c0_i32_1 = arith.constant 0 : i32
    return %c0_i32, %c0_i32_0 : i32, i32
  }
  func.func @transform_3(%arg0: i32) -> (i32, i32) {
    %c0_i32 = arith.constant 0 : i32
    %c0_i32_0 = arith.constant 0 : i32
    %c0_i32_1 = arith.constant 0 : i32
    return %c0_i32, %c0_i32_0 : i32, i32
  }
  func.func @transform_4(%arg0: i32) -> (i32, i32) {
    %c0_i32 = arith.constant 0 : i32
    %c0_i32_0 = arith.constant 0 : i32
    %c0_i32_1 = arith.constant 0 : i32
    return %c0_i32, %c0_i32_0 : i32, i32
  }
  func.func @transform_5(%arg0: i32) -> (i32, i32, i32) {
    %c0_i32 = arith.constant 0 : i32
    %c0_i32_0 = arith.constant 0 : i32
    %c0_i32_1 = arith.constant 0 : i32
    return %arg0, %c0_i32, %c0_i32_0 : i32, i32, i32
  }
  func.func @transform_6(%arg0: i32) -> (i32, i32) {
    %c0_i32 = arith.constant 0 : i32
    %c0_i32_0 = arith.constant 0 : i32
    %c0_i32_1 = arith.constant 0 : i32
    return %c0_i32, %c0_i32_0 : i32, i32
  }
  func.func @transform_7(%arg0: i32) -> (i32, i32) {
    %c0_i32 = arith.constant 0 : i32
    %c0_i32_0 = arith.constant 0 : i32
    return %arg0, %c0_i32 : i32, i32
  }
  func.func @transform_8(%arg0: i32) -> (i32, i32) {
    %c0_i32 = arith.constant 0 : i32
    %c0_i32_0 = arith.constant 0 : i32
    %c0_i32_1 = arith.constant 0 : i32
    return %c0_i32, %c0_i32_0 : i32, i32
  }
}

module attributes {stable_mosaic.version = 14 : i64} {
  func.func @_layer3_body(%arg0: i32, %arg1: memref<2x2000x128xf32, #tpu.memory_space<vmem>>, %arg2: memref<2000x128xf32, #tpu.memory_space<vmem>>, %arg3: memref<128x128xf32, #tpu.memory_space<vmem>>, %arg4: memref<1x128xf32, #tpu.memory_space<vmem>>, %arg5: memref<128x128xf32, #tpu.memory_space<vmem>>, %arg6: memref<1x1x2000xi32, #tpu.memory_space<vmem>>, %arg7: memref<64x128xf32, #tpu.memory_space<vmem>>, %arg8: memref<128x64xf32, #tpu.memory_space<vmem>>, %arg9: memref<1x64xf32, #tpu.memory_space<vmem>>, %arg10: memref<64x32xf32, #tpu.memory_space<vmem>>, %arg11: memref<1x32xf32, #tpu.memory_space<vmem>>, %arg12: memref<32x1xf32, #tpu.memory_space<vmem>>, %arg13: memref<1x1xf32, #tpu.memory_space<vmem>>, %arg14: memref<64x1xf32, #tpu.memory_space<vmem>>, %arg15: memref<64x128xf32, #tpu.memory_space<vmem>>) attributes {dimension_semantics = [#tpu.dimension_semantics<arbitrary>], iteration_bounds = array<i64: 5>, scalar_prefetch = 0 : i64, scratch_operands = 1 : i64, tpu.core_type = #tpu.core_type<tc>, window_params = [{transform_indices = @transform_0, window_bounds = array<i64: 2, 2000, 128>}, {transform_indices = @transform_1, window_bounds = array<i64: 2000, 128>}, {pipeline_mode = #tpu.pipeline_mode<synchronous>, transform_indices = @transform_2, window_bounds = array<i64: 128, 128>}, {pipeline_mode = #tpu.pipeline_mode<synchronous>, transform_indices = @transform_3, window_bounds = array<i64: 1, 128>}, {pipeline_mode = #tpu.pipeline_mode<synchronous>, transform_indices = @transform_4, window_bounds = array<i64: 128, 128>}, {transform_indices = @transform_5, window_bounds = array<i64: 1, 1, 2000>}, {pipeline_mode = #tpu.pipeline_mode<synchronous>, transform_indices = @transform_6, window_bounds = array<i64: 64, 128>}, {pipeline_mode = #tpu.pipeline_mode<synchronous>, transform_indices = @transform_7, window_bounds = array<i64: 128, 64>}, {pipeline_mode = #tpu.pipeline_mode<synchronous>, transform_indices = @transform_8, window_bounds = array<i64: 1, 64>}, {pipeline_mode = #tpu.pipeline_mode<synchronous>, transform_indices = @transform_9, window_bounds = array<i64: 64, 32>}, {pipeline_mode = #tpu.pipeline_mode<synchronous>, transform_indices = @transform_10, window_bounds = array<i64: 1, 32>}, {pipeline_mode = #tpu.pipeline_mode<synchronous>, transform_indices = @transform_11, window_bounds = array<i64: 32, 1>}, {pipeline_mode = #tpu.pipeline_mode<synchronous>, transform_indices = @transform_12, window_bounds = array<i64: 1, 1>}, {pipeline_mode = #tpu.pipeline_mode<synchronous>, transform_indices = @transform_13, window_bounds = array<i64: 64, 1>}]} {
    %get3A = arith.constant 0 : index
    %get3A_0 = arith.constant 0 : index
    %get3A_1 = arith.constant 0 : index
    %get3A_2 = vector.load %arg1[%get3A, %get3A_0, %get3A_1] : memref<2x2000x128xf32, #tpu.memory_space<vmem>>, vector<1x2000x128xf32>
    %get3A_3 = vector.shape_cast %get3A_2 : vector<1x2000x128xf32> to vector<2000x128xf32>
    %get3A_4 = arith.constant 1 : index
    %get3A_5 = arith.constant 0 : index
    %get3A_6 = arith.constant 0 : index
    %get3A_7 = vector.load %arg1[%get3A_4, %get3A_5, %get3A_6] : memref<2x2000x128xf32, #tpu.memory_space<vmem>>, vector<1x2000x128xf32>
    %get3A_8 = vector.shape_cast %get3A_7 : vector<1x2000x128xf32> to vector<2000x128xf32>
    %add3A = arith.addf %get3A_3, %get3A_8 : vector<2000x128xf32>
    %get3A_9 = arith.constant 0 : index
    %get3A_10 = arith.constant 0 : index
    %get3A_11 = vector.load %arg3[%get3A_9, %get3A_10] : memref<128x128xf32, #tpu.memory_space<vmem>>, vector<128x128xf32>
    %dot_general3A = arith.constant dense<0.000000e+00> : vector<2000x128xf32>
    %dot_general3A_12 = tpu.matmul %add3A, %get3A_11, %dot_general3A {dimension_numbers = #tpu.dot_dimension_numbers<[1], [0], [0], [1], [0, 0, 1, 1], [], []>, transpose_lhs_hint = false} : vector<2000x128xf32>, vector<128x128xf32>, vector<2000x128xf32> -> vector<2000x128xf32>
    %get3A_13 = arith.constant 0 : index
    %get3A_14 = arith.constant 0 : index
    %get3A_15 = vector.load %arg2[%get3A_13, %get3A_14] : memref<2000x128xf32, #tpu.memory_space<vmem>>, vector<2000x128xf32>
    %get3A_16 = arith.constant 0 : index
    %get3A_17 = arith.constant 0 : index
    %get3A_18 = vector.load %arg5[%get3A_16, %get3A_17] : memref<128x128xf32, #tpu.memory_space<vmem>>, vector<128x128xf32>
    %dot_general3A_19 = arith.constant dense<0.000000e+00> : vector<2000x128xf32>
    %dot_general3A_20 = tpu.matmul %get3A_15, %get3A_18, %dot_general3A_19 {dimension_numbers = #tpu.dot_dimension_numbers<[1], [0], [0], [1], [0, 0, 1, 1], [], []>, transpose_lhs_hint = false} : vector<2000x128xf32>, vector<128x128xf32>, vector<2000x128xf32> -> vector<2000x128xf32>
    %add3A_21 = arith.addf %dot_general3A_12, %dot_general3A_20 : vector<2000x128xf32>
    %get3A_22 = arith.constant 0 : index
    %get3A_23 = arith.constant 0 : index
    %get3A_24 = vector.load %arg4[%get3A_22, %get3A_23] : memref<1x128xf32, #tpu.memory_space<vmem>>, vector<1x128xf32>
    %add3A_25 = vector.broadcast %get3A_24 : vector<1x128xf32> to vector<2000x128xf32>
    %add3A_26 = arith.addf %add3A_21, %add3A_25 : vector<2000x128xf32>
    %max3A = arith.constant 0.000000e+00 : f32
    %max3A_27 = vector.broadcast %max3A : f32 to vector<2000x128xf32>
    %max3A_28 = arith.maximumf %add3A_26, %max3A_27 : vector<2000x128xf32>
    %eq3A = arith.constant 0 : i32
    %eq3A_29 = arith.cmpi eq, %arg0, %eq3A : i32
    %convert_element_type3A = arith.extui %eq3A_29 : i1 to i32
    %cond3A = arith.constant 0 : i32
    %cond3A_30 = arith.cmpi ne, %convert_element_type3A, %cond3A : i32
    scf.if %cond3A_30 {
      %get3A_91 = arith.constant 0 : index
      %get3A_92 = arith.constant 0 : index
      %get3A_93 = vector.load %arg7[%get3A_91, %get3A_92] : memref<64x128xf32, #tpu.memory_space<vmem>>, vector<64x128xf32>
      %swap3A_94 = arith.constant 0 : index
      %swap3A_95 = arith.constant 0 : index
      %swap3A_96 = vector.load %arg15[%swap3A_94, %swap3A_95] : memref<64x128xf32, #tpu.memory_space<vmem>>, vector<64x128xf32>
      tpu.vector_store %arg15[%swap3A_94, %swap3A_95], %get3A_93 {strides = array<i32>} : memref<64x128xf32, #tpu.memory_space<vmem>>, vector<64x128xf32>,
    } else {
    }
    %get3A_31 = arith.constant 0 : index
    %get3A_32 = arith.constant 0 : index
    %get3A_33 = arith.constant 0 : index
    %get3A_34 = vector.load %arg6[%get3A_31, %get3A_32, %get3A_33] : memref<1x1x2000xi32, #tpu.memory_space<vmem>>, vector<1x1x2000xi32>
    %get3A_35 = vector.shape_cast %get3A_34 : vector<1x1x2000xi32> to vector<2000xi32>
    %broadcast_in_dim3A = vector.shape_cast %get3A_35 : vector<2000xi32> to vector<2000x1xi32>
    %iota3A = tpu.iota {dimensions = array<i32: 1>} : vector<1x64xi32>
    %eq3A_36 = vector.broadcast %broadcast_in_dim3A : vector<2000x1xi32> to vector<2000x64xi32>
    %eq3A_37 = vector.broadcast %iota3A : vector<1x64xi32> to vector<2000x64xi32>
    %eq3A_38 = arith.cmpi eq, %eq3A_36, %eq3A_37 : vector<2000x64xi32>
    %convert_element_type3A_39 = arith.extui %eq3A_38 : vector<2000x64xi1> to vector<2000x64xi32>
    %convert_element_type3A_40 = arith.sitofp %convert_element_type3A_39 : vector<2000x64xi32> to vector<2000x64xf32>
    %get3A_41 = arith.constant 0 : index
    %get3A_42 = arith.constant 0 : index
    %get3A_43 = vector.load %arg15[%get3A_41, %get3A_42] : memref<64x128xf32, #tpu.memory_space<vmem>>, vector<64x128xf32>
    %dot_general3A_44 = arith.constant dense<0.000000e+00> : vector<64x128xf32>
    %dot_general3A_45 = tpu.matmul %convert_element_type3A_40, %max3A_28, %dot_general3A_44 {dimension_numbers = #tpu.dot_dimension_numbers<[0], [0], [1], [1], [0, 1, 1, 1], [], []>, precision = #tpu.contract_precision<fp32>, transpose_lhs_hint = false} : vector<2000x64xf32>, vector<2000x128xf32>, vector<64x128xf32> -> vector<64x128xf32>
    %add3A_46 = arith.addf %get3A_43, %dot_general3A_45 : vector<64x128xf32>
    %swap3A = arith.constant 0 : index
    %swap3A_47 = arith.constant 0 : index
    %swap3A_48 = vector.load %arg15[%swap3A, %swap3A_47] : memref<64x128xf32, #tpu.memory_space<vmem>>, vector<64x128xf32>
    tpu.vector_store %arg15[%swap3A, %swap3A_47], %add3A_46 {strides = array<i32>} : memref<64x128xf32, #tpu.memory_space<vmem>>, vector<64x128xf32>,
    %get3A_49 = arith.constant 0 : index
    %get3A_50 = arith.constant 0 : index
    %get3A_51 = vector.load %arg15[%get3A_49, %get3A_50] : memref<64x128xf32, #tpu.memory_space<vmem>>, vector<64x128xf32>
    %get3A_52 = arith.constant 0 : index
    %get3A_53 = arith.constant 0 : index
    %get3A_54 = vector.load %arg8[%get3A_52, %get3A_53] : memref<128x64xf32, #tpu.memory_space<vmem>>, vector<128x64xf32>
    %dot_general3A_55 = arith.constant dense<0.000000e+00> : vector<64x64xf32>
    %dot_general3A_56 = tpu.matmul %get3A_51, %get3A_54, %dot_general3A_55 {dimension_numbers = #tpu.dot_dimension_numbers<[1], [0], [0], [1], [0, 0, 1, 1], [], []>, transpose_lhs_hint = false} : vector<64x128xf32>, vector<128x64xf32>, vector<64x64xf32> -> vector<64x64xf32>
    %get3A_57 = arith.constant 0 : index
    %get3A_58 = arith.constant 0 : index
    %get3A_59 = vector.load %arg9[%get3A_57, %get3A_58] : memref<1x64xf32, #tpu.memory_space<vmem>>, vector<1x64xf32>
    %add3A_60 = vector.broadcast %get3A_59 : vector<1x64xf32> to vector<64x64xf32>
    %add3A_61 = arith.addf %dot_general3A_56, %add3A_60 : vector<64x64xf32>
    %max3A_62 = arith.constant 0.000000e+00 : f32
    %max3A_63 = vector.broadcast %max3A_62 : f32 to vector<64x64xf32>
    %max3A_64 = arith.maximumf %add3A_61, %max3A_63 : vector<64x64xf32>
    %get3A_65 = arith.constant 0 : index
    %get3A_66 = arith.constant 0 : index
    %get3A_67 = vector.load %arg10[%get3A_65, %get3A_66] : memref<64x32xf32, #tpu.memory_space<vmem>>, vector<64x32xf32>
    %dot_general3A_68 = arith.constant dense<0.000000e+00> : vector<64x32xf32>
    %dot_general3A_69 = tpu.matmul %max3A_64, %get3A_67, %dot_general3A_68 {dimension_numbers = #tpu.dot_dimension_numbers<[1], [0], [0], [1], [0, 0, 1, 1], [], []>, transpose_lhs_hint = false} : vector<64x64xf32>, vector<64x32xf32>, vector<64x32xf32> -> vector<64x32xf32>
    %get3A_70 = arith.constant 0 : index
    %get3A_71 = arith.constant 0 : index
    %get3A_72 = vector.load %arg11[%get3A_70, %get3A_71] : memref<1x32xf32, #tpu.memory_space<vmem>>, vector<1x32xf32>
    %add3A_73 = vector.broadcast %get3A_72 : vector<1x32xf32> to vector<64x32xf32>
    %add3A_74 = arith.addf %dot_general3A_69, %add3A_73 : vector<64x32xf32>
    %max3A_75 = arith.constant 0.000000e+00 : f32
    %max3A_76 = vector.broadcast %max3A_75 : f32 to vector<64x32xf32>
    %max3A_77 = arith.maximumf %add3A_74, %max3A_76 : vector<64x32xf32>
    %get3A_78 = arith.constant 0 : index
    %get3A_79 = arith.constant 0 : index
    %get3A_80 = vector.load %arg12[%get3A_78, %get3A_79] : memref<32x1xf32, #tpu.memory_space<vmem>>, vector<32x1xf32>
    %dot_general3A_81 = arith.constant dense<0.000000e+00> : vector<64x1xf32>
    %dot_general3A_82 = tpu.matmul %max3A_77, %get3A_80, %dot_general3A_81 {dimension_numbers = #tpu.dot_dimension_numbers<[1], [0], [0], [1], [0, 0, 1, 1], [], []>, transpose_lhs_hint = false} : vector<64x32xf32>, vector<32x1xf32>, vector<64x1xf32> -> vector<64x1xf32>
    %get3A_83 = arith.constant 0 : index
    %get3A_84 = arith.constant 0 : index
    %get3A_85 = vector.load %arg13[%get3A_83, %get3A_84] : memref<1x1xf32, #tpu.memory_space<vmem>>, vector<1x1xf32>
    %add3A_86 = vector.broadcast %get3A_85 : vector<1x1xf32> to vector<64x1xf32>
    %add3A_87 = arith.addf %dot_general3A_82, %add3A_86 : vector<64x1xf32>
    %swap3A_88 = arith.constant 0 : index
    %swap3A_89 = arith.constant 0 : index
    %swap3A_90 = vector.load %arg14[%swap3A_88, %swap3A_89] : memref<64x1xf32, #tpu.memory_space<vmem>>, vector<64x1xf32>
    tpu.vector_store %arg14[%swap3A_88, %swap3A_89], %add3A_87 {strides = array<i32>} : memref<64x1xf32, #tpu.memory_space<vmem>>, vector<64x1xf32>,
    return
  }
  func.func @transform_0(%arg0: i32) -> (i32, i32, i32) {
    %c0_i32 = arith.constant 0 : i32
    %c0_i32_0 = arith.constant 0 : i32
    %c0_i32_1 = arith.constant 0 : i32
    return %c0_i32, %arg0, %c0_i32_0 : i32, i32, i32
  }
  func.func @transform_1(%arg0: i32) -> (i32, i32) {
    %c0_i32 = arith.constant 0 : i32
    %c0_i32_0 = arith.constant 0 : i32
    return %arg0, %c0_i32 : i32, i32
  }
  func.func @transform_2(%arg0: i32) -> (i32, i32) {
    %c0_i32 = arith.constant 0 : i32
    %c0_i32_0 = arith.constant 0 : i32
    %c0_i32_1 = arith.constant 0 : i32
    return %c0_i32, %c0_i32_0 : i32, i32
  }
  func.func @transform_3(%arg0: i32) -> (i32, i32) {
    %c0_i32 = arith.constant 0 : i32
    %c0_i32_0 = arith.constant 0 : i32
    %c0_i32_1 = arith.constant 0 : i32
    return %c0_i32, %c0_i32_0 : i32, i32
  }
  func.func @transform_4(%arg0: i32) -> (i32, i32) {
    %c0_i32 = arith.constant 0 : i32
    %c0_i32_0 = arith.constant 0 : i32
    %c0_i32_1 = arith.constant 0 : i32
    return %c0_i32, %c0_i32_0 : i32, i32
  }
  func.func @transform_5(%arg0: i32) -> (i32, i32, i32) {
    %c0_i32 = arith.constant 0 : i32
    %c0_i32_0 = arith.constant 0 : i32
    %c0_i32_1 = arith.constant 0 : i32
    return %arg0, %c0_i32, %c0_i32_0 : i32, i32, i32
  }
  func.func @transform_6(%arg0: i32) -> (i32, i32) {
    %c0_i32 = arith.constant 0 : i32
    %c0_i32_0 = arith.constant 0 : i32
    %c0_i32_1 = arith.constant 0 : i32
    return %c0_i32, %c0_i32_0 : i32, i32
  }
  func.func @transform_7(%arg0: i32) -> (i32, i32) {
    %c0_i32 = arith.constant 0 : i32
    %c0_i32_0 = arith.constant 0 : i32
    %c0_i32_1 = arith.constant 0 : i32
    return %c0_i32, %c0_i32_0 : i32, i32
  }
  func.func @transform_8(%arg0: i32) -> (i32, i32) {
    %c0_i32 = arith.constant 0 : i32
    %c0_i32_0 = arith.constant 0 : i32
    %c0_i32_1 = arith.constant 0 : i32
    return %c0_i32, %c0_i32_0 : i32, i32
  }
  func.func @transform_9(%arg0: i32) -> (i32, i32) {
    %c0_i32 = arith.constant 0 : i32
    %c0_i32_0 = arith.constant 0 : i32
    %c0_i32_1 = arith.constant 0 : i32
    return %c0_i32, %c0_i32_0 : i32, i32
  }
  func.func @transform_10(%arg0: i32) -> (i32, i32) {
    %c0_i32 = arith.constant 0 : i32
    %c0_i32_0 = arith.constant 0 : i32
    %c0_i32_1 = arith.constant 0 : i32
    return %c0_i32, %c0_i32_0 : i32, i32
  }
  func.func @transform_11(%arg0: i32) -> (i32, i32) {
    %c0_i32 = arith.constant 0 : i32
    %c0_i32_0 = arith.constant 0 : i32
    %c0_i32_1 = arith.constant 0 : i32
    return %c0_i32, %c0_i32_0 : i32, i32
  }
  func.func @transform_12(%arg0: i32) -> (i32, i32) {
    %c0_i32 = arith.constant 0 : i32
    %c0_i32_0 = arith.constant 0 : i32
    %c0_i32_1 = arith.constant 0 : i32
    return %c0_i32, %c0_i32_0 : i32, i32
  }
  func.func @transform_13(%arg0: i32) -> (i32, i32) {
    %c0_i32 = arith.constant 0 : i32
    %c0_i32_0 = arith.constant 0 : i32
    %c0_i32_1 = arith.constant 0 : i32
    return %c0_i32, %c0_i32_0 : i32, i32
  }
}

</mosaic_0001>

<sc_bundles>
// kernel: kernel.11.cloned.1.call-start
scs
__scs_entry_jumppad:
0x0: {  	(pc) =	sbr.rel $0x88, $3  }
0x1: {  	(tag) =	ssettag $0x0;
	lr =	simm.s32 $0x1  }
0x2: {  	[smem:$0x3F95] =	sst lr;
	_ =	strace $0xD0000000  }
0x3: {  	_ = 	snop  }
0x4: {  	_ = 	snop  }
0x5: {  	_ = 	snop  }
0x6: {  	_ = 	snop  }
0x7: {  	_ = 	snop  }
__scs_overlays_trampoline_lowered:
0x8: {  	[smem:$0x3FA4] =	sst s0  }
0x9: {  	[smem:$0x3FA5] =	sst s1  }
0xa: {  	[smem:$0x3FA6] =	sst s2  }
0xb: {  	[smem:$0x3FA7] =	sst s3  }
0xc: {  	[smem:$0x3FA8] =	sst s4  }
0xd: {  	[smem:$0x3FA9] =	sst s5  }
0xe: {  	[smem:$0x3FAA] =	sst s6  }
0xf: {  	[smem:$0x3FAB] =	sst s7  }
0x10: {  	[smem:$0x3FAC] =	sst s8  }
0x11: {  	[smem:$0x3FAD] =	sst s9;
	s0 =	simm.s32 @!p0 $0x0  }
0x12: {  	s1 =	sld [smem:$0x3F93];
	s0 =	simm.s32 @p0 $0x1  }
0x13: {  	[smem:$0x3FAE] =	sst s0;
	s0 =	simm.s32 @!p1 $0x0  }
0x14: {  	s2 =	sld [smem:$0x3F92];
	s0 =	simm.s32 @p1 $0x1  }
0x15: {  	[smem:$0x3FAF] =	sst s0;
	s0 =	simm.s32 @!p2 $0x0  }
0x16: {  	s3 =	sld [smem:$0x3FDB];
	s0 =	simm.s32 @p2 $0x1  }
0x17: {  	s4 =	simm.s32 $0x1BF5;
	[smem:$0x3FB1] =	sst s0  }
0x18: {  	s0 =	sld [smem:$0x3F94];
	_ =	swait.ge [sflag:s4], $0x0  }
0x19: {  	s7 =	sld [smem:$0x3F95]  }
0x1a: {  	s8 =	sadd.s32 $0xFFFFE003, lr  }
0x1b: {  	s9 =	sadd.s32 $0xFFFFFEF7, lr;
	s5 =	simm.s32 $0xFFFFFFFF;
	p2 =	slt.u32 s8, $0xFFFFF086  }
0x1c: {  	p1 =	slt.u32 s9, $0xF7A;
	s5 =	simm.s32 @!p2 $0x0  }
0x1d: {  	s5 =	simm.s32 @p1 $0x1;
	p0 =	seq.s32 s7, s2  }
0x1e: {  	s7 =	smul.u32 @!p0 $0xF7A, s2;
	p2 =	seq.s32 @!p0 s5, $0x0  }
0x1f: {  	s9 =	smul.u32 $0xF7A, s1;
	s8 =	simm.s32 @!p0 $0x1BF5;
	p2 =	por !p2, p0  }
0x20: {  	[sflag:s8] =	ssyncset.s32 @!p0 $0xFFFFF086;
	s6 =	sadd.s32 @!p0 s3, s7;
	s7 =	simm.s32 @!p0 $0x108  }
0x21: {  	s3 =	sadd.s32 s3, s9;
	s6 =	sadd.s32 @!p0 $0x88, s6;
	s7 =	simm.s32 @p2 $0x1082  }
0x22: {  	[simem:s7], [sflag:s8] =	dma.local @!p0 [hbm:s6], $0xF7A  }
0x23: {  	s9 =	sor.u32 $0xD0000000, s2;
	s6 =	simm.s32 $0x108;
	_ =	swait.ge @!p0 [sflag:s8], $0x0  }
0x24: {  	s3 =	sadd.s32 $0x88, s3;
	s6 =	simm.s32 @!p1 $0x1082;
	[sflag:s4] =	ssyncset.s32 $0xFFFFF086  }
0x25: {  	[simem:s6], [sflag:s4] =	dma.local [hbm:s3], $0xF7A  }
0x26: {  	[smem:$0x3F95] =	sst s1;
	(tag) =	ssettag s2;
	_ =	strace s9  }
0x27: {  	s1 =	sld [smem:$0x3FA5]  }
0x28: {  	s2 =	sld [smem:$0x3FA6]  }
0x29: {  	s4 =	sld [smem:$0x3FA8]  }
0x2a: {  	p0 =	seq.s32 s5, $0x0;
	s5 =	sld [smem:$0x3FA9]  }
0x2b: {  	s6 =	sld [smem:$0x3FAA]  }
0x2c: {  	s7 =	sld [smem:$0x3FAB]  }
0x2d: {  	s3 =	simm.s32 $0x108;
	s8 =	sld [smem:$0x3FAC]  }
0x2e: {  	s3 =	simm.s32 @!p0 $0x1082;
	s9 =	sld [smem:$0x3FAD]  }
0x2f: {  	lr =	sadd.s32 s0, s3;
	s0 =	sld [smem:$0x3FA4]  }
0x30: {  	s3 =	sld [smem:$0x3FA7]  }
0x31: {  	[smem:$0x3FB0] =	sst s10  }
0x32: {  	s10 =	sld [smem:$0x3FAE];
	_ =	sdelay $0x3  }
0x33: {  	p0 =	seq.s32 s10, $0x1;
	s10 =	sld [smem:$0x3FB0];
	_ =	sdelay $0x3  }
0x34: {  	[smem:$0x3FB0] =	sst s10  }
0x35: {  	s10 =	sld [smem:$0x3FAF];
	_ =	sdelay $0x3  }
0x36: {  	p1 =	seq.s32 s10, $0x1;
	s10 =	sld [smem:$0x3FB0];
	_ =	sdelay $0x3  }
0x37: {  	[smem:$0x3FB0] =	sst s10  }
0x38: {  	s10 =	sld [smem:$0x3FB1]  }
0x39: {  	_ = 	snop;
	(pc) =	sbr.ind lr, $3  }
0x3a: {  	_ = 	snop  }
0x3b: {  	_ = 	snop  }
0x3c: {  	p2 =	seq.s32 s10, $0x1;
	s10 =	sld [smem:$0x3FB0]  }
0x3d: {  	_ =	shalt  }
0x3e: {  	_ =	shalt  }
0x3f: {  	_ =	shalt  }
0x40: {  	_ =	shalt  }
0x41: {  	_ =	shalt  }
0x42: {  	_ =	shalt  }
0x43: {  	_ =	shalt  }
0x44: {  	_ =	shalt  }
0x45: {  	_ =	shalt  }
0x46: {  	_ =	shalt  }
0x47: {  	_ =	shalt  }
0x48: {  	_ =	shalt  }
0x49: {  	_ =	shalt  }
0x4a: {  	_ =	shalt  }
0x4b: {  	_ =	shalt  }
0x4c: {  	_ =	shalt  }
0x4d: {  	_ =	shalt  }
0x4e: {  	_ =	shalt  }
0x4f: {  	_ =	shalt  }
0x50: {  	_ =	shalt  }
0x51: {  	_ =	shalt  }
0x52: {  	_ =	shalt  }
0x53: {  	_ =	shalt  }
0x54: {  	_ =	shalt  }
0x55: {  	_ =	shalt  }
0x56: {  	_ =	shalt  }
0x57: {  	_ =	shalt  }
0x58: {  	_ =	shalt  }
0x59: {  	_ =	shalt  }
0x5a: {  	_ =	shalt  }
0x5b: {  	_ =	shalt  }
0x5c: {  	_ =	shalt  }
0x5d: {  	_ =	shalt  }
0x5e: {  	_ =	shalt  }
0x5f: {  	_ =	shalt  }
0x60: {  	_ =	shalt  }
0x61: {  	_ =	shalt  }
0x62: {  	_ =	shalt  }
0x63: {  	_ =	shalt  }
0x64: {  	_ =	shalt  }
0x65: {  	_ =	shalt  }
0x66: {  	_ =	shalt  }
0x67: {  	_ =	shalt  }
0x68: {  	_ =	shalt  }
0x69: {  	_ =	shalt  }
0x6a: {  	_ =	shalt  }
0x6b: {  	_ =	shalt  }
0x6c: {  	_ =	shalt  }
0x6d: {  	_ =	shalt  }
0x6e: {  	_ =	shalt  }
0x6f: {  	_ =	shalt  }
0x70: {  	_ =	shalt  }
0x71: {  	_ =	shalt  }
0x72: {  	_ =	shalt  }
0x73: {  	_ =	shalt  }
0x74: {  	_ =	shalt  }
0x75: {  	_ =	shalt  }
0x76: {  	_ =	shalt  }
0x77: {  	_ =	shalt  }
0x78: {  	_ =	shalt  }
0x79: {  	_ =	shalt  }
0x7a: {  	_ =	shalt  }
0x7b: {  	_ =	shalt  }
0x7c: {  	_ =	shalt  }
0x7d: {  	_ =	shalt  }
0x7e: {  	_ =	shalt  }
0x7f: {  	_ =	shalt  }
0x80: {  	_ =	shalt  }
0x81: {  	_ =	shalt  }
0x82: {  	_ =	shalt  }
0x83: {  	_ =	shalt  }
0x84: {  	_ =	shalt  }
0x85: {  	_ =	shalt  }
0x86: {  	_ =	shalt  }
0x87: {  	_ =	shalt  }
.Lfunc_end0:
.L_simem_size_0:
called_computation.1_lowered:
.L_overlay_start_0:
0x88: {  	s2 =	sld [smem:$0x3FD9]  }
0x89: {  	s3 =	sld [smem:$0x3FFE];
	_ =	sdelay $0x1  }
0x8a: {  	s1 =	srdreg.scid  }
0x8b: {  	s0 =	sand.u32 $0x1, s1  }
0x8c: {  	s16 =	sshll.u32 s0, $0xA;
	s2 =	sadd.s32 s3, s2  }
0x8d: {  	s2 =	sadd.s32 s2, s16  }
0x8e: {  	[smem:$0x3FBC] =	sst s2  }
0x8f: {  	_ = 	snop  }
0x90: {  	(tm) =	ssettm $0x1  }
0x91: {  	s17 =	sld [smem:$0x3FFB];
	_ =	sdelay $0x3  }
0x92: {  	_ =	strace s17  }
0x93: {  	s2 =	sld [smem:$0x3FFC];
	_ =	sdelay $0x3  }
0x94: {  	_ =	strace s2  }
0x95: {  	s2 =	sld [smem:$0x3FFD];
	_ =	sdelay $0x3  }
0x96: {  	_ =	strace s2  }
0x97: {  	_ =	strace $0x8FFFFFFF  }
0x98: {  	s18 =	sld [smem:$0x3FDB];
	_ =	sdelay $0x1  }
0x99: {  	s19 =	simm.s32 $_scs_section_size  }
0x9a: {  	s4 =	simm.s32 $_size__tile_overlayer_lowered;
	s5 =	simm.s32 $_tile_overlayer_lowered  }
0x9b: {  	s22 =	simm.s32 $0x1BFF;
	s21 =	sshll.u32 s5, $0x1;
	s2 =	sadd.s32 s19, s18  }
0x9c: {  	s6 =	simm.s32 $0x0;
	s20 =	sshll.u32 s4, $0x1;
	s4 =	sadd.s32 s21, s2  }
0x9d: {  	[timem:s6], [sflag:s22] =	dma.local [hbm:s4], s20  }
0x9e: {  	_ =	swait.ge [sflag:s22], s20  }
0x9f: {  	s3 =	ssub.s32 $0x0, s20;
	[sflag:s22] =	ssyncset.done $0x0  }
0xa0: {  	[sflag:s22] =	ssyncadd.s32 s3;
	_ =	sdelay $0x1  }
0xa1: {  	s23 =	simm.s32 $0x1B8B  }
0xa2: {  	_ =	swait.ge [sflag:s23], $0x1  }
0xa3: {  	[sflag:s23] =	ssyncset.done $0x0  }
0xa4: {  	s25 =	simm.s32 $0x1B8E;
	s24 =	sld [smem:$0x3FFE];
	[sflag:s23] =	ssyncadd.s32 $0xFFFFFFFF  }
0xa5: {  	s26 =	simm.s32 $execute0_lowered;
	[smem:$0x3FD2] =	sst s25  }
0xa6: {  	s4 =	sshll.u32 s26, $0x1;
	_ =	strace $0x80000049;
	[dreg:$0x1] =	wrdreg $0xFFFFFFFF  }
0xa7: {  	s28 =	simm.s32 $_size_execute0_lowered;
	s2 =	sadd.s32 s2, s4;
	[dreg:$0x0] =	wrdreg $0x0  }
0xa8: {  	s4 =	sshll.u32 s28, $0x1;
	[dreg:$0x2] =	wrdreg s2  }
0xa9: {  	[dreg:$0x3] =	wrdreg s4  }
0xaa: {  	[dreg:$0x4] =	wrdreg $0xC0  }
0xab: {  	_ =	task [dreg:s6], $0x5FFFF  }
0xac: {  	[dreg:$0x1] =	wrdreg $0xFFFFFFFF  }
0xad: {  	[dreg:$0x0] =	wrdreg $0x60  }
0xae: {  	[dreg:$0x2] =	wrdreg s24  }
0xaf: {  	[dreg:$0x3] =	wrdreg $0x0  }
0xb0: {  	[dreg:$0x4] =	wrdreg $0x9  }
0xb1: {  	_ =	task.clear_ibuf [dreg:s6], $0x5FFFF;
	_ =	strace $0x90000049  }
0xb2: {  	s29 =	simm.s32 $0x9;
	_ =	strace $0x8000004B  }
0xb3: {  	_ =	swait.ge [sflag:s29], $0x1  }
0xb4: {  	[sflag:s29] =	ssyncadd.s32 $0xFFFFFFFF  }
0xb5: {  	_ =	strace $0x9000004B  }
0xb6: {  	_ =	sfence  }
0xb7: {  	s30 =	sld [smem:$0x0];
	_ =	sdelay $0x2  }
0xb8: {  	s31 =	sshll.u32 s1, $0xD;
	s1 =	sshrl.u32 s1, $0x2  }
0xb9: {  	s3 =	sand.u32 $0x4000, s31;
	s1 =	sadd.s32 s1, s30  }
0xba: {  	s0 =	sor.u32 s3, s0;
	s1 =	sshll.u32 s1, $0x11  }
0xbb: {  	s0 =	sor.u32 s1, s0  }
0xbc: {  	s0 =	sadd.s32 $0x8F2B, s0  }
0xbd: {  	[sflag:s0] =	ssyncadd.remote.s32 $0x1  }
0xbe: {  	_ =	sfence.sel $0xFFFF  }
0xbf: {  	[dreg:$0x0] =	wrdreg $0xFFFFFFFF;
	(pc) =	sbr.abs _section_cstart, $3  }
0xc0: {  	[dreg:$0x1] =	wrdreg $0xFFFFFFFF  }
0xc1: {  	_ =	task.clear_ibuf [dreg:s6], $0x2FFFF;
	_ =	strace $0x9FFFFFFF  }
0xc2: {  	(tm) =	ssettm $0x7FFFFFFF  }
0xc3: {  	_ =	shalt  }
tec
execute0_lowered:
.L_overlay_start_1:
0x0: {  	(tag) =	ssettag $0x1  }
0x1: {  	s0 =	rddreg [dreg:$0x0]  }
0x2: {  	s1 =	rddreg [dreg:$0x1];
	s2 =	srdreg.scid;
	s3 =	simm.s32 $0x0  }
0x3: {  	s10 =	stileid.u32;
	s16 =	simm.s32 $0x14200;
	s17 =	simm.s32 $0x5  }
0x4: {  	s18 =	simm.s32 $0x14000;
	s19 =	simm.s32 $0x14100;
	s28 =	simm.s32 $0x1A200  }
0x5: {  	s29 =	simm.s32 $0x3;
	s30 =	simm.s32 $0x80;
	s31 =	simm.s32 $0x14080  }
0x6: {  	s2 =	sand.u32 $0x1, s2;
	[smem:$0x7FF] =	sst s3;
	s6 =	smul.u32 $0x14000, s10  }
0x7: {  	s4 =	sadd.s32 $0x18200, s0;
	s21 =	smul.u32 $0x50000, s10;
	s8 =	sadd.s32 $0x4200, s0  }
0x8: {  	s5 =	smul.u32 $0x140000, s2;
	_ =	strace $0x8000004A;
	s7 =	sshll.u32 s2, $0x4  }
0x9: {  	s22 =	ssub.s32 $0x2, s2;
	s2 =	smul.u32 $0x500, s2;
	s20 =	sor.u32 s10, s7  }
0xa: {  	s9 =	sshrl.u32 s22, $0x1;
	s7 =	sshrl.u32 s21, $0x2;
	s10 =	smul.u32 $0x50, s10  }
0xb: {  	s21 =	simm.s32 $0x40;
	s5 =	sadd.s32 s6, s5;
	s6 =	smul.u32 $0xA00, s20  }
0xc: {  	s9 =	ssub.s32 s22, s9;
	s20 =	simm.s32 $0x1;
	s22 =	simm.s32 $0x14040  }
0xd: {  	s5 =	sshrl.u32 s5, $0x3;
	s24 =	sadd.s32 s10, s2;
	s25 =	smax.u32 s9, $0x1  }
0xe: {  	s2 =	simm.s32 $0x14180;
	s0 =	sadd.s32 s5, s0;
	s5 =	sadd.s32 s7, s1  }
0xf: {  	s6 =	sadd.s32 s8, s6;
	[dreg:$0x5] =	wrdreg s25;
	s25 =	simm.s32 $0x18200  }
0x10: {  	s7 =	simm.s32 $0x0;
	s23 =	sadd.s32 $0x20, s6;
	s0 =	sadd.s32 $0x3F400, s0  }
0x11: {  	s26 =	sadd.s32 $0x4000, s5;
	s11 =	sadd.s32 $0x8000, s5;
	[dreg:$0x3] =	wrdreg s23  }
0x12: {  	s12 =	sadd.s32 $0xC000, s5;
	s13 =	sadd.s32 $0x10000, s5;
	[dreg:$0x4] =	wrdreg s0  }
0x13: {  	[dreg:$0x6] =	wrdreg s26;
	s0 =	sshll.u32 s24, $0x5;
	s23 =	simm.s32 $0x16200  }
0x14: {  	s24 =	simm.s32 $0x2;
	s26 =	simm.s32 $0x14140;
	s0 =	sadd.s32 s0, s8  }
0x15: {  	v0 =	vimm.f32 $0.0e+00;
	s14 =	sadd.s32 $0x60, s0;
	s15 =	sadd.s32 $0x40, s0;
	s0 =	simm.s32 $0x4  }
.LBB2_1:
0x16: {  	s8 =	simm.s32 $0x0;
	s9 =	simm.s32 $0x200  }
.LBB2_2:
0x17: {  	p0 =	sne.s32 s9, $0xFE00;
	[tilespmem:s8+$0x14270] =	vst v0  }
0x18: {  	[tilespmem:s8+$0x14200] =	vst v0  }
0x19: {  	[tilespmem:s8+$0x14210] =	vst v0  }
.Ltmp0:
0x1a: {  	[tilespmem:s8+$0x14220] =	vst v0;
	(pc) =	sbr.rel @p0 .LBB2_2-.Ltmp0, $4  }
0x1b: {  	[tilespmem:s8+$0x14230] =	vst v0  }
0x1c: {  	[tilespmem:s8+$0x14240] =	vst v0  }
0x1d: {  	[tilespmem:s8+$0x14250] =	vst v0  }
0x1e: {  	[tilespmem:s8+$0x14260] =	vst v0;
	s8 =	sshra.s32 s9, $0x2;
	s9 =	sadd.s32 $0x200, s9  }
0x1f: {  	[tilespmem:s8+$0x14270] =	vst v0  }
0x20: {  	[tilespmem:s8+$0x14200] =	vst v0  }
0x21: {  	[tilespmem:s8+$0x14210] =	vst v0  }
0x22: {  	[tilespmem:s8+$0x14220] =	vst v0  }
0x23: {  	[tilespmem:s8+$0x14230] =	vst v0  }
0x24: {  	[tilespmem:s8+$0x14240] =	vst v0  }
0x25: {  	[tilespmem:s8+$0x14250] =	vst v0  }
0x26: {  	[tilespmem:s8+$0x14260] =	vst v0  }
0x27: {  	[spmem:s5] =	stream.linear.scatter [tilespmem:s16], [sflag:$0x5], $0x4000, $0x38;
	[tilespmem:$0x1C200] =	vst v63  }
0x28: {  	_ =	swait.ge [sflag:s17], $0x4000  }
0x29: {  	[sflag:s17] =	ssyncset.done $0x0  }
0x2a: {  	s9 =	rddreg [dreg:$0x6];
	[sflag:s17] =	ssyncadd.s32 $0xFFFFC000  }
0x2b: {  	[spmem:s9] =	stream.linear.scatter [tilespmem:s16], [sflag:$0x5], $0x4000, $0x38;
	[tilespmem:$0x1C200] =	vst v63  }
0x2c: {  	_ =	swait.ge [sflag:s17], $0x4000  }
0x2d: {  	[sflag:s17] =	ssyncset.done $0x0  }
0x2e: {  	[sflag:s17] =	ssyncadd.s32 $0xFFFFC000  }
0x2f: {  	[spmem:s11] =	stream.linear.scatter [tilespmem:s16], [sflag:$0x5], $0x4000, $0x38;
	[tilespmem:$0x1C200] =	vst v63  }
0x30: {  	_ =	swait.ge [sflag:s17], $0x4000  }
0x31: {  	[sflag:s17] =	ssyncset.done $0x0  }
0x32: {  	[sflag:s17] =	ssyncadd.s32 $0xFFFFC000  }
0x33: {  	[spmem:s12] =	stream.linear.scatter [tilespmem:s16], [sflag:$0x5], $0x4000, $0x38;
	[tilespmem:$0x1C200] =	vst v63  }
0x34: {  	_ =	swait.ge [sflag:s17], $0x4000  }
0x35: {  	[sflag:s17] =	ssyncset.done $0x0  }
0x36: {  	[sflag:s17] =	ssyncadd.s32 $0xFFFFC000  }
0x37: {  	[spmem:s13] =	stream.linear.scatter [tilespmem:s16], [sflag:$0x5], $0x4000, $0x38;
	[tilespmem:$0x1C200] =	vst v63  }
0x38: {  	_ =	swait.ge [sflag:s17], $0x4000  }
0x39: {  	[sflag:s17] =	ssyncset.done $0x0  }
0x3a: {  	[sflag:s17] =	ssyncadd.s32 $0xFFFFC000  }
0x3b: {  	s10 =	simm.s32 $0x0;
	[bflag:$0x0] =	sbarrier.arrive $0xFFFF  }
0x3c: {  	[tilespmem:s18], [sflag:$0x1] =	stream.linear.gather [hbm4b:s6+s10], $0x100, $0x38;
	[tilespmem:$0x1C200] =	vst v63  }
0x3d: {  	s9 =	rddreg [dreg:$0x3]  }
0x3e: {  	[tilespmem:s19], [sflag:$0x2] =	stream.linear.gather [hbm4b:s9+s10], $0x100, $0x38;
	[tilespmem:$0x1C200] =	vst v63  }
0x3f: {  	_ =	swait.ge [sflag:s20], $0x100  }
0x40: {  	[sflag:s20] =	ssyncset.done $0x0  }
0x41: {  	[sflag:s20] =	ssyncadd.s32 $0xFFFFFF00  }
0x42: {  	[tilespmem:s16], [sflag:$0x3] =	stream.indirect.gather [hbm4b:s4+s21], $0x80, s18, s21, $0xb8;
	[tilespmem:$0x1C200] =	vst v63  }
0x43: {  	_ = 	snop  }
0x44: {  	[tilespmem:s23], [sflag:$0x3] =	stream.indirect.gather [hbm4b:s4+s21], $0x80, s22, s21, $0xb8;
	[tilespmem:$0x1C200] =	vst v63  }
0x45: {  	_ =	swait.ge [sflag:s24], $0x100  }
0x46: {  	[sflag:s24] =	ssyncset.done $0x0  }
0x47: {  	[sflag:s24] =	ssyncadd.s32 $0xFFFFFF00  }
0x48: {  	[tilespmem:s25], [sflag:$0x4] =	stream.indirect.gather [hbm4b:s4+s21], $0x80, s19, s21, $0xb8;
	[tilespmem:$0x1C200] =	vst v63  }
0x49: {  	_ = 	snop  }
0x4a: {  	[tilespmem:s28], [sflag:$0x4] =	stream.indirect.gather [hbm4b:s4+s21], $0x80, s26, s21, $0xb8;
	[tilespmem:$0x1C200] =	vst v63  }
0x4b: {  	_ =	swait.ge [sflag:s29], $0x4000  }
0x4c: {  	[sflag:s29] =	ssyncset.done $0x0  }
0x4d: {  	[sflag:s29] =	ssyncadd.s32 $0xFFFFC000  }
0x4e: {  	[spmem:s1] =	stream.indirect.scatter.add.f32 [tilespmem:s16], [sflag:$0x5], $0x80, s31, s30, $0xb8;
	[tilespmem:$0x1C200] =	vst v63  }
0x4f: {  	_ =	swait.ge [sflag:s17], $0x4000  }
0x50: {  	[sflag:s17] =	ssyncset.done $0x0  }
0x51: {  	s10 =	sadd.s32 $0x0, s15;
	[sflag:s17] =	ssyncadd.s32 $0xFFFFC000  }
0x52: {  	[tilespmem:s18], [sflag:$0x1] =	stream.linear.gather [hbm4b:s10+s3], $0x100, $0x38;
	[tilespmem:$0x1C200] =	vst v63  }
0x53: {  	_ =	swait.ge [sflag:s20], $0x100  }
0x54: {  	[sflag:s20] =	ssyncset.done $0x0  }
0x55: {  	[sflag:s20] =	ssyncadd.s32 $0xFFFFFF00  }
0x56: {  	[tilespmem:s16], [sflag:$0x3] =	stream.indirect.gather [hbm4b:s4+s21], $0x80, s18, s21, $0xb8;
	[tilespmem:$0x1C200] =	vst v63  }
0x57: {  	_ = 	snop  }
0x58: {  	[tilespmem:s23], [sflag:$0x3] =	stream.indirect.gather [hbm4b:s4+s21], $0x80, s22, s21, $0xb8;
	[tilespmem:$0x1C200] =	vst v63  }
0x59: {  	_ =	swait.ge [sflag:s0], $0x4000  }
0x5a: {  	[sflag:s0] =	ssyncset.done $0x0  }
0x5b: {  	[sflag:s0] =	ssyncadd.s32 $0xFFFFC000  }
0x5c: {  	[spmem:s1] =	stream.indirect.scatter.add.f32 [tilespmem:s25], [sflag:$0x5], $0x80, s2, s30, $0xb8;
	[tilespmem:$0x1C200] =	vst v63  }
0x5d: {  	_ =	swait.ge [sflag:s17], $0x4000  }
0x5e: {  	[sflag:s17] =	ssyncset.done $0x0  }
0x5f: {  	s8 =	simm.s32 $0x40;
	s9 =	sadd.s32 $0x0, s14;
	[sflag:s17] =	ssyncadd.s32 $0xFFFFC000  }
.LBB2_4:
0x60: {  	[tilespmem:s19], [sflag:$0x2] =	stream.linear.gather [hbm4b:s9+s3], $0x100, $0x38;
	[tilespmem:$0x1C200] =	vst v63  }
0x61: {  	s9 =	smov.u32 s8  }
0x62: {  	p0 =	sne.s32 s8, $0x980;
	s8 =	sadd.s32 $0x40, s8;
	_ =	swait.ge [sflag:s24], $0x100  }
0x63: {  	[sflag:s24] =	ssyncset.done $0x0  }
0x64: {  	[sflag:s24] =	ssyncadd.s32 $0xFFFFFF00  }
0x65: {  	[tilespmem:s25], [sflag:$0x4] =	stream.indirect.gather [hbm4b:s4+s21], $0x80, s19, s21, $0xb8;
	[tilespmem:$0x1C200] =	vst v63  }
0x66: {  	_ = 	snop  }
0x67: {  	[tilespmem:s28], [sflag:$0x4] =	stream.indirect.gather [hbm4b:s4+s21], $0x80, s26, s21, $0xb8;
	[tilespmem:$0x1C200] =	vst v63  }
0x68: {  	_ =	swait.ge [sflag:s29], $0x4000  }
0x69: {  	[sflag:s29] =	ssyncset.done $0x0  }
0x6a: {  	[sflag:s29] =	ssyncadd.s32 $0xFFFFC000  }
0x6b: {  	[spmem:s1] =	stream.indirect.scatter.add.f32 [tilespmem:s16], [sflag:$0x5], $0x80, s31, s30, $0xb8;
	[tilespmem:$0x1C200] =	vst v63  }
0x6c: {  	_ =	swait.ge [sflag:s17], $0x4000  }
0x6d: {  	[sflag:s17] =	ssyncset.done $0x0  }
0x6e: {  	s10 =	sadd.s32 s9, s15;
	[sflag:s17] =	ssyncadd.s32 $0xFFFFC000  }
0x6f: {  	[tilespmem:s18], [sflag:$0x1] =	stream.linear.gather [hbm4b:s10+s3], $0x100, $0x38;
	[tilespmem:$0x1C200] =	vst v63  }
0x70: {  	_ =	swait.ge [sflag:s20], $0x100  }
0x71: {  	[sflag:s20] =	ssyncset.done $0x0  }
0x72: {  	[sflag:s20] =	ssyncadd.s32 $0xFFFFFF00  }
0x73: {  	[tilespmem:s16], [sflag:$0x3] =	stream.indirect.gather [hbm4b:s4+s21], $0x80, s18, s21, $0xb8;
	[tilespmem:$0x1C200] =	vst v63  }
0x74: {  	_ = 	snop  }
0x75: {  	[tilespmem:s23], [sflag:$0x3] =	stream.indirect.gather [hbm4b:s4+s21], $0x80, s22, s21, $0xb8;
	[tilespmem:$0x1C200] =	vst v63  }
0x76: {  	_ =	swait.ge [sflag:s0], $0x4000  }
0x77: {  	[sflag:s0] =	ssyncset.done $0x0  }
.Ltmp1:
0x78: {  	[sflag:s0] =	ssyncadd.s32 $0xFFFFC000;
	(pc) =	sbr.rel @p0 .LBB2_4-.Ltmp1, $4  }
0x79: {  	[spmem:s1] =	stream.indirect.scatter.add.f32 [tilespmem:s25], [sflag:$0x5], $0x80, s2, s30, $0xb8;
	[tilespmem:$0x1C200] =	vst v63  }
0x7a: {  	_ =	swait.ge [sflag:s17], $0x4000  }
0x7b: {  	[sflag:s17] =	ssyncset.done $0x0  }
0x7c: {  	s9 =	sadd.s32 s9, s14;
	[sflag:s17] =	ssyncadd.s32 $0xFFFFC000  }
0x7d: {  	[tilespmem:s19], [sflag:$0x2] =	stream.linear.gather [hbm4b:s9+s3], $0x100, $0x38;
	[tilespmem:$0x1C200] =	vst v63  }
0x7e: {  	_ =	swait.ge [sflag:s24], $0x100  }
0x7f: {  	[sflag:s24] =	ssyncset.done $0x0  }
0x80: {  	[sflag:s24] =	ssyncadd.s32 $0xFFFFFF00  }
0x81: {  	[tilespmem:s25], [sflag:$0x4] =	stream.indirect.gather [hbm4b:s4+s21], $0x80, s19, s21, $0xb8;
	[tilespmem:$0x1C200] =	vst v63  }
0x82: {  	_ = 	snop  }
0x83: {  	[tilespmem:s28], [sflag:$0x4] =	stream.indirect.gather [hbm4b:s4+s21], $0x80, s26, s21, $0xb8;
	[tilespmem:$0x1C200] =	vst v63  }
0x84: {  	_ =	swait.ge [sflag:s29], $0x4000  }
0x85: {  	[sflag:s29] =	ssyncset.done $0x0  }
0x86: {  	[sflag:s29] =	ssyncadd.s32 $0xFFFFC000  }
0x87: {  	[spmem:s1] =	stream.indirect.scatter.add.f32 [tilespmem:s16], [sflag:$0x5], $0x80, s31, s30, $0xb8;
	[tilespmem:$0x1C200] =	vst v63  }
0x88: {  	_ =	swait.ge [sflag:s17], $0x4000  }
0x89: {  	[sflag:s17] =	ssyncset.done $0x0  }
0x8a: {  	[sflag:s17] =	ssyncadd.s32 $0xFFFFC000  }
0x8b: {  	_ =	swait.ge [sflag:s0], $0x4000  }
0x8c: {  	[sflag:s0] =	ssyncset.done $0x0  }
0x8d: {  	[sflag:s0] =	ssyncadd.s32 $0xFFFFC000  }
0x8e: {  	[spmem:s1] =	stream.indirect.scatter.add.f32 [tilespmem:s25], [sflag:$0x5], $0x80, s2, s30, $0xb8;
	[tilespmem:$0x1C200] =	vst v63  }
0x8f: {  	_ =	swait.ge [sflag:s17], $0x4000  }
0x90: {  	[sflag:s17] =	ssyncset.done $0x0  }
0x91: {  	s8 =	stileid.u32;
	[sflag:s17] =	ssyncadd.s32 $0xFFFFC000  }
0x92: {  	s8 =	sshll.u32 s8, $0x6;
	[bflag:$0x0] =	sbarrier.arrive $0xFFFF  }
0x93: {  	s9 =	sshrl.u32 s5, $0x3;
	s8 =	sor.u32 $0x1C05, s8;
	s10 =	rddreg [dreg:$0x4]  }
0x94: {  	[hbm:s10], [sflag:s8] =	dma.local [spmem:s9], $0x2800  }
0x95: {  	_ =	swait.ge [sflag:s17], $0x2800  }
0x96: {  	s7 =	sadd.s32 $0x1, s7;
	s10 =	rddreg [dreg:$0x5]  }
0x97: {  	p0 =	sne.s32 s7, s10  }
.Ltmp2:
0x98: {  	_ = 	snop;
	(pc) =	sbr.rel @p0 .LBB2_1-.Ltmp2, $3  }
0x99: {  	_ =	sdelay $0x1  }
0x9a: {  	[sflag:s17] =	ssyncset.done $0x0  }
0x9b: {  	[sflag:s17] =	ssyncadd.s32 $0xFFFFD800  }
0x9c: {  	_ =	sfence.sel $0x180000  }
0x9d: {  	[bflag:$0x0] =	sbarrier.arrive $0xFFFF  }
0x9e: {  	_ =	strace $0x9000004A  }
0x9f: {  	s0 =	stileid.u32;
	[bflag:$0x2] =	sbarrier.arrive $0xFFFF  }
0xa0: {  	p0 =	sne.s32 s0, $0x0;
	s0 =	rddreg [dreg:$0x2]  }
0xa1: {  	s0 =	sadd.s32 @!p0 $0x100000, s0  }
0xa2: {  	[sflag:s0] =	ssyncadd.tile.s32 @!p0 $0x1;
	_ =	shalt  }
.Lfunc_end2:
_tile_overlayer_lowered:
.L_overlay_start_2:
0xa3: {  	(tag) =	ssettag $0x2  }
0xa4: {  	s0 =	rddreg [dreg:$0x0];
	s2 =	stileid.u32  }
0xa5: {  	s1 =	rddreg [dreg:$0x1];
	p0 =	sne.s32 s2, $0x0  }
0xa6: {  	s3 =	rddreg [dreg:$0x2];
	[bflag:$0x3] =	sbarrier.arrive $0xFFFF;
	s2 =	simm.s32 @!p0 $0x1C05  }
0xa7: {  	[timem:s3], [sflag:s2] =	dma.local @!p0 [hbm:s0], s1  }
0xa8: {  	s0 =	simm.s32 @!p0 $0x5  }
0xa9: {  	_ =	swait.ge @!p0 [sflag:s0], s1  }
0xaa: {  	s1 =	ssub.s32 @!p0 $0x0, s1;
	[sflag:s0] =	ssyncset.done @!p0 $0x0  }
0xab: {  	[sflag:s0] =	ssyncadd.s32 @!p0 s1  }
0xac: {  	[bflag:$0x3] =	sbarrier.arrive $0xFFFF  }
0xad: {  	_ =	shalt  }

// kernel: kernel.14.cloned.1.call-start
scs
__scs_entry_jumppad:
0x0: {  	(pc) =	sbr.rel $0x88, $3  }
0x1: {  	(tag) =	ssettag $0x0;
	lr =	simm.s32 $0x1  }
0x2: {  	[smem:$0x3F95] =	sst lr;
	_ =	strace $0xD0000000  }
0x3: {  	_ = 	snop  }
0x4: {  	_ = 	snop  }
0x5: {  	_ = 	snop  }
0x6: {  	_ = 	snop  }
0x7: {  	_ = 	snop  }
__scs_overlays_trampoline_lowered:
0x8: {  	[smem:$0x3FA4] =	sst s0  }
0x9: {  	[smem:$0x3FA5] =	sst s1  }
0xa: {  	[smem:$0x3FA6] =	sst s2  }
0xb: {  	[smem:$0x3FA7] =	sst s3  }
0xc: {  	[smem:$0x3FA8] =	sst s4  }
0xd: {  	[smem:$0x3FA9] =	sst s5  }
0xe: {  	[smem:$0x3FAA] =	sst s6  }
0xf: {  	[smem:$0x3FAB] =	sst s7  }
0x10: {  	[smem:$0x3FAC] =	sst s8  }
0x11: {  	[smem:$0x3FAD] =	sst s9;
	s0 =	simm.s32 @!p0 $0x0  }
0x12: {  	s1 =	sld [smem:$0x3F93];
	s0 =	simm.s32 @p0 $0x1  }
0x13: {  	[smem:$0x3FAE] =	sst s0;
	s0 =	simm.s32 @!p1 $0x0  }
0x14: {  	s2 =	sld [smem:$0x3F92];
	s0 =	simm.s32 @p1 $0x1  }
0x15: {  	[smem:$0x3FAF] =	sst s0;
	s0 =	simm.s32 @!p2 $0x0  }
0x16: {  	s3 =	sld [smem:$0x3FDB];
	s0 =	simm.s32 @p2 $0x1  }
0x17: {  	s4 =	simm.s32 $0x1BF5;
	[smem:$0x3FB1] =	sst s0  }
0x18: {  	s0 =	sld [smem:$0x3F94];
	_ =	swait.ge [sflag:s4], $0x0  }
0x19: {  	s7 =	sld [smem:$0x3F95]  }
0x1a: {  	s8 =	sadd.s32 $0xFFFFE003, lr  }
0x1b: {  	s9 =	sadd.s32 $0xFFFFFEF7, lr;
	s5 =	simm.s32 $0xFFFFFFFF;
	p2 =	slt.u32 s8, $0xFFFFF086  }
0x1c: {  	p1 =	slt.u32 s9, $0xF7A;
	s5 =	simm.s32 @!p2 $0x0  }
0x1d: {  	s5 =	simm.s32 @p1 $0x1;
	p0 =	seq.s32 s7, s2  }
0x1e: {  	s7 =	smul.u32 @!p0 $0xF7A, s2;
	p2 =	seq.s32 @!p0 s5, $0x0  }
0x1f: {  	s9 =	smul.u32 $0xF7A, s1;
	s8 =	simm.s32 @!p0 $0x1BF5;
	p2 =	por !p2, p0  }
0x20: {  	[sflag:s8] =	ssyncset.s32 @!p0 $0xFFFFF086;
	s6 =	sadd.s32 @!p0 s3, s7;
	s7 =	simm.s32 @!p0 $0x108  }
0x21: {  	s3 =	sadd.s32 s3, s9;
	s6 =	sadd.s32 @!p0 $0x88, s6;
	s7 =	simm.s32 @p2 $0x1082  }
0x22: {  	[simem:s7], [sflag:s8] =	dma.local @!p0 [hbm:s6], $0xF7A  }
0x23: {  	s9 =	sor.u32 $0xD0000000, s2;
	s6 =	simm.s32 $0x108;
	_ =	swait.ge @!p0 [sflag:s8], $0x0  }
0x24: {  	s3 =	sadd.s32 $0x88, s3;
	s6 =	simm.s32 @!p1 $0x1082;
	[sflag:s4] =	ssyncset.s32 $0xFFFFF086  }
0x25: {  	[simem:s6], [sflag:s4] =	dma.local [hbm:s3], $0xF7A  }
0x26: {  	[smem:$0x3F95] =	sst s1;
	(tag) =	ssettag s2;
	_ =	strace s9  }
0x27: {  	s1 =	sld [smem:$0x3FA5]  }
0x28: {  	s2 =	sld [smem:$0x3FA6]  }
0x29: {  	s4 =	sld [smem:$0x3FA8]  }
0x2a: {  	p0 =	seq.s32 s5, $0x0;
	s5 =	sld [smem:$0x3FA9]  }
0x2b: {  	s6 =	sld [smem:$0x3FAA]  }
0x2c: {  	s7 =	sld [smem:$0x3FAB]  }
0x2d: {  	s3 =	simm.s32 $0x108;
	s8 =	sld [smem:$0x3FAC]  }
0x2e: {  	s3 =	simm.s32 @!p0 $0x1082;
	s9 =	sld [smem:$0x3FAD]  }
0x2f: {  	lr =	sadd.s32 s0, s3;
	s0 =	sld [smem:$0x3FA4]  }
0x30: {  	s3 =	sld [smem:$0x3FA7]  }
0x31: {  	[smem:$0x3FB0] =	sst s10  }
0x32: {  	s10 =	sld [smem:$0x3FAE];
	_ =	sdelay $0x3  }
0x33: {  	p0 =	seq.s32 s10, $0x1;
	s10 =	sld [smem:$0x3FB0];
	_ =	sdelay $0x3  }
0x34: {  	[smem:$0x3FB0] =	sst s10  }
0x35: {  	s10 =	sld [smem:$0x3FAF];
	_ =	sdelay $0x3  }
0x36: {  	p1 =	seq.s32 s10, $0x1;
	s10 =	sld [smem:$0x3FB0];
	_ =	sdelay $0x3  }
0x37: {  	[smem:$0x3FB0] =	sst s10  }
0x38: {  	s10 =	sld [smem:$0x3FB1]  }
0x39: {  	_ = 	snop;
	(pc) =	sbr.ind lr, $3  }
0x3a: {  	_ = 	snop  }
0x3b: {  	_ = 	snop  }
0x3c: {  	p2 =	seq.s32 s10, $0x1;
	s10 =	sld [smem:$0x3FB0]  }
0x3d: {  	_ =	shalt  }
0x3e: {  	_ =	shalt  }
0x3f: {  	_ =	shalt  }
0x40: {  	_ =	shalt  }
0x41: {  	_ =	shalt  }
0x42: {  	_ =	shalt  }
0x43: {  	_ =	shalt  }
0x44: {  	_ =	shalt  }
0x45: {  	_ =	shalt  }
0x46: {  	_ =	shalt  }
0x47: {  	_ =	shalt  }
0x48: {  	_ =	shalt  }
0x49: {  	_ =	shalt  }
0x4a: {  	_ =	shalt  }
0x4b: {  	_ =	shalt  }
0x4c: {  	_ =	shalt  }
0x4d: {  	_ =	shalt  }
0x4e: {  	_ =	shalt  }
0x4f: {  	_ =	shalt  }
0x50: {  	_ =	shalt  }
0x51: {  	_ =	shalt  }
0x52: {  	_ =	shalt  }
0x53: {  	_ =	shalt  }
0x54: {  	_ =	shalt  }
0x55: {  	_ =	shalt  }
0x56: {  	_ =	shalt  }
0x57: {  	_ =	shalt  }
0x58: {  	_ =	shalt  }
0x59: {  	_ =	shalt  }
0x5a: {  	_ =	shalt  }
0x5b: {  	_ =	shalt  }
0x5c: {  	_ =	shalt  }
0x5d: {  	_ =	shalt  }
0x5e: {  	_ =	shalt  }
0x5f: {  	_ =	shalt  }
0x60: {  	_ =	shalt  }
0x61: {  	_ =	shalt  }
0x62: {  	_ =	shalt  }
0x63: {  	_ =	shalt  }
0x64: {  	_ =	shalt  }
0x65: {  	_ =	shalt  }
0x66: {  	_ =	shalt  }
0x67: {  	_ =	shalt  }
0x68: {  	_ =	shalt  }
0x69: {  	_ =	shalt  }
0x6a: {  	_ =	shalt  }
0x6b: {  	_ =	shalt  }
0x6c: {  	_ =	shalt  }
0x6d: {  	_ =	shalt  }
0x6e: {  	_ =	shalt  }
0x6f: {  	_ =	shalt  }
0x70: {  	_ =	shalt  }
0x71: {  	_ =	shalt  }
0x72: {  	_ =	shalt  }
0x73: {  	_ =	shalt  }
0x74: {  	_ =	shalt  }
0x75: {  	_ =	shalt  }
0x76: {  	_ =	shalt  }
0x77: {  	_ =	shalt  }
0x78: {  	_ =	shalt  }
0x79: {  	_ =	shalt  }
0x7a: {  	_ =	shalt  }
0x7b: {  	_ =	shalt  }
0x7c: {  	_ =	shalt  }
0x7d: {  	_ =	shalt  }
0x7e: {  	_ =	shalt  }
0x7f: {  	_ =	shalt  }
0x80: {  	_ =	shalt  }
0x81: {  	_ =	shalt  }
0x82: {  	_ =	shalt  }
0x83: {  	_ =	shalt  }
0x84: {  	_ =	shalt  }
0x85: {  	_ =	shalt  }
0x86: {  	_ =	shalt  }
0x87: {  	_ =	shalt  }
.Lfunc_end0:
.L_simem_size_0:
called_computation.2_lowered:
.L_overlay_start_0:
0x88: {  	s2 =	sld [smem:$0x3FD9]  }
0x89: {  	s3 =	sld [smem:$0x3FFE];
	_ =	sdelay $0x1  }
0x8a: {  	s1 =	srdreg.scid  }
0x8b: {  	s0 =	sand.u32 $0x1, s1  }
0x8c: {  	s16 =	sshll.u32 s0, $0xA;
	s2 =	sadd.s32 s3, s2  }
0x8d: {  	s2 =	sadd.s32 s2, s16  }
0x8e: {  	[smem:$0x3FBC] =	sst s2  }
0x8f: {  	_ = 	snop  }
0x90: {  	(tm) =	ssettm $0x1  }
0x91: {  	s17 =	sld [smem:$0x3FFB];
	_ =	sdelay $0x3  }
0x92: {  	_ =	strace s17  }
0x93: {  	s2 =	sld [smem:$0x3FFC];
	_ =	sdelay $0x3  }
0x94: {  	_ =	strace s2  }
0x95: {  	s2 =	sld [smem:$0x3FFD];
	_ =	sdelay $0x3  }
0x96: {  	_ =	strace s2  }
0x97: {  	_ =	strace $0x8FFFFFFF  }
0x98: {  	s18 =	sld [smem:$0x3FDB];
	_ =	sdelay $0x1  }
0x99: {  	s19 =	simm.s32 $_scs_section_size  }
0x9a: {  	s4 =	simm.s32 $_size__tile_overlayer_lowered;
	s5 =	simm.s32 $_tile_overlayer_lowered  }
0x9b: {  	s22 =	simm.s32 $0x1BFF;
	s21 =	sshll.u32 s5, $0x1;
	s2 =	sadd.s32 s19, s18  }
0x9c: {  	s6 =	simm.s32 $0x0;
	s20 =	sshll.u32 s4, $0x1;
	s4 =	sadd.s32 s21, s2  }
0x9d: {  	[timem:s6], [sflag:s22] =	dma.local [hbm:s4], s20  }
0x9e: {  	_ =	swait.ge [sflag:s22], s20  }
0x9f: {  	s3 =	ssub.s32 $0x0, s20;
	[sflag:s22] =	ssyncset.done $0x0  }
0xa0: {  	[sflag:s22] =	ssyncadd.s32 s3;
	_ =	sdelay $0x1  }
0xa1: {  	s23 =	simm.s32 $0x1B8B  }
0xa2: {  	_ =	swait.ge [sflag:s23], $0x1  }
0xa3: {  	[sflag:s23] =	ssyncset.done $0x0  }
0xa4: {  	s25 =	simm.s32 $0x1B8E;
	s24 =	sld [smem:$0x3FFE];
	[sflag:s23] =	ssyncadd.s32 $0xFFFFFFFF  }
0xa5: {  	s26 =	simm.s32 $execute0_lowered;
	[smem:$0x3FD2] =	sst s25  }
0xa6: {  	s4 =	sshll.u32 s26, $0x1;
	_ =	strace $0x8000004C;
	[dreg:$0x1] =	wrdreg $0xFFFFFFFF  }
0xa7: {  	s28 =	simm.s32 $_size_execute0_lowered;
	s2 =	sadd.s32 s2, s4;
	[dreg:$0x0] =	wrdreg $0x0  }
0xa8: {  	s4 =	sshll.u32 s28, $0x1;
	[dreg:$0x2] =	wrdreg s2  }
0xa9: {  	[dreg:$0x3] =	wrdreg s4  }
0xaa: {  	[dreg:$0x4] =	wrdreg $0xC0  }
0xab: {  	_ =	task [dreg:s6], $0x5FFFF  }
0xac: {  	[dreg:$0x1] =	wrdreg $0xFFFFFFFF  }
0xad: {  	[dreg:$0x0] =	wrdreg $0x60  }
0xae: {  	[dreg:$0x2] =	wrdreg s24  }
0xaf: {  	[dreg:$0x3] =	wrdreg $0x0  }
0xb0: {  	[dreg:$0x4] =	wrdreg $0x9  }
0xb1: {  	_ =	task.clear_ibuf [dreg:s6], $0x5FFFF;
	_ =	strace $0x9000004C  }
0xb2: {  	s29 =	simm.s32 $0x9;
	_ =	strace $0x8000004E  }
0xb3: {  	_ =	swait.ge [sflag:s29], $0x1  }
0xb4: {  	[sflag:s29] =	ssyncadd.s32 $0xFFFFFFFF  }
0xb5: {  	_ =	strace $0x9000004E  }
0xb6: {  	_ =	sfence  }
0xb7: {  	s30 =	sld [smem:$0x0];
	_ =	sdelay $0x2  }
0xb8: {  	s31 =	sshll.u32 s1, $0xD;
	s1 =	sshrl.u32 s1, $0x2  }
0xb9: {  	s3 =	sand.u32 $0x4000, s31;
	s1 =	sadd.s32 s1, s30  }
0xba: {  	s0 =	sor.u32 s3, s0;
	s1 =	sshll.u32 s1, $0x11  }
0xbb: {  	s0 =	sor.u32 s1, s0  }
0xbc: {  	s0 =	sadd.s32 $0x8F2B, s0  }
0xbd: {  	[sflag:s0] =	ssyncadd.remote.s32 $0x1  }
0xbe: {  	_ =	sfence.sel $0xFFFF  }
0xbf: {  	[dreg:$0x0] =	wrdreg $0xFFFFFFFF;
	(pc) =	sbr.abs _section_cstart, $3  }
0xc0: {  	[dreg:$0x1] =	wrdreg $0xFFFFFFFF  }
0xc1: {  	_ =	task.clear_ibuf [dreg:s6], $0x2FFFF;
	_ =	strace $0x9FFFFFFF  }
0xc2: {  	(tm) =	ssettm $0x7FFFFFFF  }
0xc3: {  	_ =	shalt  }
tec
execute0_lowered:
.L_overlay_start_1:
0x0: {  	(tag) =	ssettag $0x1  }
0x1: {  	s0 =	rddreg [dreg:$0x0]  }
0x2: {  	s1 =	rddreg [dreg:$0x1];
	s2 =	srdreg.scid;
	s3 =	simm.s32 $0x0  }
0x3: {  	s10 =	stileid.u32;
	s16 =	simm.s32 $0x14200;
	s17 =	simm.s32 $0x5  }
0x4: {  	s18 =	simm.s32 $0x14000;
	s19 =	simm.s32 $0x14100;
	s28 =	simm.s32 $0x1A200  }
0x5: {  	s29 =	simm.s32 $0x3;
	s30 =	simm.s32 $0x80;
	s31 =	simm.s32 $0x14080  }
0x6: {  	s2 =	sand.u32 $0x1, s2;
	[smem:$0x7FF] =	sst s3;
	s6 =	smul.u32 $0x14000, s10  }
0x7: {  	s4 =	sadd.s32 $0x18200, s0;
	s21 =	smul.u32 $0x50000, s10;
	s8 =	sadd.s32 $0x4200, s0  }
0x8: {  	s5 =	smul.u32 $0x140000, s2;
	_ =	strace $0x8000004D;
	s7 =	sshll.u32 s2, $0x4  }
0x9: {  	s22 =	ssub.s32 $0x2, s2;
	s2 =	smul.u32 $0x500, s2;
	s20 =	sor.u32 s10, s7  }
0xa: {  	s9 =	sshrl.u32 s22, $0x1;
	s7 =	sshrl.u32 s21, $0x2;
	s10 =	smul.u32 $0x50, s10  }
0xb: {  	s21 =	simm.s32 $0x40;
	s5 =	sadd.s32 s6, s5;
	s6 =	smul.u32 $0xA00, s20  }
0xc: {  	s9 =	ssub.s32 s22, s9;
	s20 =	simm.s32 $0x1;
	s22 =	simm.s32 $0x14040  }
0xd: {  	s5 =	sshrl.u32 s5, $0x3;
	s24 =	sadd.s32 s10, s2;
	s25 =	smax.u32 s9, $0x1  }
0xe: {  	s2 =	simm.s32 $0x14180;
	s0 =	sadd.s32 s5, s0;
	s5 =	sadd.s32 s7, s1  }
0xf: {  	s6 =	sadd.s32 s8, s6;
	[dreg:$0x5] =	wrdreg s25;
	s25 =	simm.s32 $0x18200  }
0x10: {  	s7 =	simm.s32 $0x0;
	s23 =	sadd.s32 $0x20, s6;
	s0 =	sadd.s32 $0x3F400, s0  }
0x11: {  	s26 =	sadd.s32 $0x4000, s5;
	s11 =	sadd.s32 $0x8000, s5;
	[dreg:$0x3] =	wrdreg s23  }
0x12: {  	s12 =	sadd.s32 $0xC000, s5;
	s13 =	sadd.s32 $0x10000, s5;
	[dreg:$0x4] =	wrdreg s0  }
0x13: {  	[dreg:$0x6] =	wrdreg s26;
	s0 =	sshll.u32 s24, $0x5;
	s23 =	simm.s32 $0x16200  }
0x14: {  	s24 =	simm.s32 $0x2;
	s26 =	simm.s32 $0x14140;
	s0 =	sadd.s32 s0, s8  }
0x15: {  	v0 =	vimm.f32 $0.0e+00;
	s14 =	sadd.s32 $0x60, s0;
	s15 =	sadd.s32 $0x40, s0;
	s0 =	simm.s32 $0x4  }
.LBB2_1:
0x16: {  	s8 =	simm.s32 $0x0;
	s9 =	simm.s32 $0x200  }
.LBB2_2:
0x17: {  	p0 =	sne.s32 s9, $0xFE00;
	[tilespmem:s8+$0x14270] =	vst v0  }
0x18: {  	[tilespmem:s8+$0x14200] =	vst v0  }
0x19: {  	[tilespmem:s8+$0x14210] =	vst v0  }
.Ltmp0:
0x1a: {  	[tilespmem:s8+$0x14220] =	vst v0;
	(pc) =	sbr.rel @p0 .LBB2_2-.Ltmp0, $4  }
0x1b: {  	[tilespmem:s8+$0x14230] =	vst v0  }
0x1c: {  	[tilespmem:s8+$0x14240] =	vst v0  }
0x1d: {  	[tilespmem:s8+$0x14250] =	vst v0  }
0x1e: {  	[tilespmem:s8+$0x14260] =	vst v0;
	s8 =	sshra.s32 s9, $0x2;
	s9 =	sadd.s32 $0x200, s9  }
0x1f: {  	[tilespmem:s8+$0x14270] =	vst v0  }
0x20: {  	[tilespmem:s8+$0x14200] =	vst v0  }
0x21: {  	[tilespmem:s8+$0x14210] =	vst v0  }
0x22: {  	[tilespmem:s8+$0x14220] =	vst v0  }
0x23: {  	[tilespmem:s8+$0x14230] =	vst v0  }
0x24: {  	[tilespmem:s8+$0x14240] =	vst v0  }
0x25: {  	[tilespmem:s8+$0x14250] =	vst v0  }
0x26: {  	[tilespmem:s8+$0x14260] =	vst v0  }
0x27: {  	[spmem:s5] =	stream.linear.scatter [tilespmem:s16], [sflag:$0x5], $0x4000, $0x38;
	[tilespmem:$0x1C200] =	vst v63  }
0x28: {  	_ =	swait.ge [sflag:s17], $0x4000  }
0x29: {  	[sflag:s17] =	ssyncset.done $0x0  }
0x2a: {  	s9 =	rddreg [dreg:$0x6];
	[sflag:s17] =	ssyncadd.s32 $0xFFFFC000  }
0x2b: {  	[spmem:s9] =	stream.linear.scatter [tilespmem:s16], [sflag:$0x5], $0x4000, $0x38;
	[tilespmem:$0x1C200] =	vst v63  }
0x2c: {  	_ =	swait.ge [sflag:s17], $0x4000  }
0x2d: {  	[sflag:s17] =	ssyncset.done $0x0  }
0x2e: {  	[sflag:s17] =	ssyncadd.s32 $0xFFFFC000  }
0x2f: {  	[spmem:s11] =	stream.linear.scatter [tilespmem:s16], [sflag:$0x5], $0x4000, $0x38;
	[tilespmem:$0x1C200] =	vst v63  }
0x30: {  	_ =	swait.ge [sflag:s17], $0x4000  }
0x31: {  	[sflag:s17] =	ssyncset.done $0x0  }
0x32: {  	[sflag:s17] =	ssyncadd.s32 $0xFFFFC000  }
0x33: {  	[spmem:s12] =	stream.linear.scatter [tilespmem:s16], [sflag:$0x5], $0x4000, $0x38;
	[tilespmem:$0x1C200] =	vst v63  }
0x34: {  	_ =	swait.ge [sflag:s17], $0x4000  }
0x35: {  	[sflag:s17] =	ssyncset.done $0x0  }
0x36: {  	[sflag:s17] =	ssyncadd.s32 $0xFFFFC000  }
0x37: {  	[spmem:s13] =	stream.linear.scatter [tilespmem:s16], [sflag:$0x5], $0x4000, $0x38;
	[tilespmem:$0x1C200] =	vst v63  }
0x38: {  	_ =	swait.ge [sflag:s17], $0x4000  }
0x39: {  	[sflag:s17] =	ssyncset.done $0x0  }
0x3a: {  	[sflag:s17] =	ssyncadd.s32 $0xFFFFC000  }
0x3b: {  	s10 =	simm.s32 $0x0;
	[bflag:$0x0] =	sbarrier.arrive $0xFFFF  }
0x3c: {  	[tilespmem:s18], [sflag:$0x1] =	stream.linear.gather [hbm4b:s6+s10], $0x100, $0x38;
	[tilespmem:$0x1C200] =	vst v63  }
0x3d: {  	s9 =	rddreg [dreg:$0x3]  }
0x3e: {  	[tilespmem:s19], [sflag:$0x2] =	stream.linear.gather [hbm4b:s9+s10], $0x100, $0x38;
	[tilespmem:$0x1C200] =	vst v63  }
0x3f: {  	_ =	swait.ge [sflag:s20], $0x100  }
0x40: {  	[sflag:s20] =	ssyncset.done $0x0  }
0x41: {  	[sflag:s20] =	ssyncadd.s32 $0xFFFFFF00  }
0x42: {  	[tilespmem:s16], [sflag:$0x3] =	stream.indirect.gather [hbm4b:s4+s21], $0x80, s18, s21, $0xb8;
	[tilespmem:$0x1C200] =	vst v63  }
0x43: {  	_ = 	snop  }
0x44: {  	[tilespmem:s23], [sflag:$0x3] =	stream.indirect.gather [hbm4b:s4+s21], $0x80, s22, s21, $0xb8;
	[tilespmem:$0x1C200] =	vst v63  }
0x45: {  	_ =	swait.ge [sflag:s24], $0x100  }
0x46: {  	[sflag:s24] =	ssyncset.done $0x0  }
0x47: {  	[sflag:s24] =	ssyncadd.s32 $0xFFFFFF00  }
0x48: {  	[tilespmem:s25], [sflag:$0x4] =	stream.indirect.gather [hbm4b:s4+s21], $0x80, s19, s21, $0xb8;
	[tilespmem:$0x1C200] =	vst v63  }
0x49: {  	_ = 	snop  }
0x4a: {  	[tilespmem:s28], [sflag:$0x4] =	stream.indirect.gather [hbm4b:s4+s21], $0x80, s26, s21, $0xb8;
	[tilespmem:$0x1C200] =	vst v63  }
0x4b: {  	_ =	swait.ge [sflag:s29], $0x4000  }
0x4c: {  	[sflag:s29] =	ssyncset.done $0x0  }
0x4d: {  	[sflag:s29] =	ssyncadd.s32 $0xFFFFC000  }
0x4e: {  	[spmem:s1] =	stream.indirect.scatter.add.f32 [tilespmem:s16], [sflag:$0x5], $0x80, s31, s30, $0xb8;
	[tilespmem:$0x1C200] =	vst v63  }
0x4f: {  	_ =	swait.ge [sflag:s17], $0x4000  }
0x50: {  	[sflag:s17] =	ssyncset.done $0x0  }
0x51: {  	s10 =	sadd.s32 $0x0, s15;
	[sflag:s17] =	ssyncadd.s32 $0xFFFFC000  }
0x52: {  	[tilespmem:s18], [sflag:$0x1] =	stream.linear.gather [hbm4b:s10+s3], $0x100, $0x38;
	[tilespmem:$0x1C200] =	vst v63  }
0x53: {  	_ =	swait.ge [sflag:s20], $0x100  }
0x54: {  	[sflag:s20] =	ssyncset.done $0x0  }
0x55: {  	[sflag:s20] =	ssyncadd.s32 $0xFFFFFF00  }
0x56: {  	[tilespmem:s16], [sflag:$0x3] =	stream.indirect.gather [hbm4b:s4+s21], $0x80, s18, s21, $0xb8;
	[tilespmem:$0x1C200] =	vst v63  }
0x57: {  	_ = 	snop  }
0x58: {  	[tilespmem:s23], [sflag:$0x3] =	stream.indirect.gather [hbm4b:s4+s21], $0x80, s22, s21, $0xb8;
	[tilespmem:$0x1C200] =	vst v63  }
0x59: {  	_ =	swait.ge [sflag:s0], $0x4000  }
0x5a: {  	[sflag:s0] =	ssyncset.done $0x0  }
0x5b: {  	[sflag:s0] =	ssyncadd.s32 $0xFFFFC000  }
0x5c: {  	[spmem:s1] =	stream.indirect.scatter.add.f32 [tilespmem:s25], [sflag:$0x5], $0x80, s2, s30, $0xb8;
	[tilespmem:$0x1C200] =	vst v63  }
0x5d: {  	_ =	swait.ge [sflag:s17], $0x4000  }
0x5e: {  	[sflag:s17] =	ssyncset.done $0x0  }
0x5f: {  	s8 =	simm.s32 $0x40;
	s9 =	sadd.s32 $0x0, s14;
	[sflag:s17] =	ssyncadd.s32 $0xFFFFC000  }
.LBB2_4:
0x60: {  	[tilespmem:s19], [sflag:$0x2] =	stream.linear.gather [hbm4b:s9+s3], $0x100, $0x38;
	[tilespmem:$0x1C200] =	vst v63  }
0x61: {  	s9 =	smov.u32 s8  }
0x62: {  	p0 =	sne.s32 s8, $0x980;
	s8 =	sadd.s32 $0x40, s8;
	_ =	swait.ge [sflag:s24], $0x100  }
0x63: {  	[sflag:s24] =	ssyncset.done $0x0  }
0x64: {  	[sflag:s24] =	ssyncadd.s32 $0xFFFFFF00  }
0x65: {  	[tilespmem:s25], [sflag:$0x4] =	stream.indirect.gather [hbm4b:s4+s21], $0x80, s19, s21, $0xb8;
	[tilespmem:$0x1C200] =	vst v63  }
0x66: {  	_ = 	snop  }
0x67: {  	[tilespmem:s28], [sflag:$0x4] =	stream.indirect.gather [hbm4b:s4+s21], $0x80, s26, s21, $0xb8;
	[tilespmem:$0x1C200] =	vst v63  }
0x68: {  	_ =	swait.ge [sflag:s29], $0x4000  }
0x69: {  	[sflag:s29] =	ssyncset.done $0x0  }
0x6a: {  	[sflag:s29] =	ssyncadd.s32 $0xFFFFC000  }
0x6b: {  	[spmem:s1] =	stream.indirect.scatter.add.f32 [tilespmem:s16], [sflag:$0x5], $0x80, s31, s30, $0xb8;
	[tilespmem:$0x1C200] =	vst v63  }
0x6c: {  	_ =	swait.ge [sflag:s17], $0x4000  }
0x6d: {  	[sflag:s17] =	ssyncset.done $0x0  }
0x6e: {  	s10 =	sadd.s32 s9, s15;
	[sflag:s17] =	ssyncadd.s32 $0xFFFFC000  }
0x6f: {  	[tilespmem:s18], [sflag:$0x1] =	stream.linear.gather [hbm4b:s10+s3], $0x100, $0x38;
	[tilespmem:$0x1C200] =	vst v63  }
0x70: {  	_ =	swait.ge [sflag:s20], $0x100  }
0x71: {  	[sflag:s20] =	ssyncset.done $0x0  }
0x72: {  	[sflag:s20] =	ssyncadd.s32 $0xFFFFFF00  }
0x73: {  	[tilespmem:s16], [sflag:$0x3] =	stream.indirect.gather [hbm4b:s4+s21], $0x80, s18, s21, $0xb8;
	[tilespmem:$0x1C200] =	vst v63  }
0x74: {  	_ = 	snop  }
0x75: {  	[tilespmem:s23], [sflag:$0x3] =	stream.indirect.gather [hbm4b:s4+s21], $0x80, s22, s21, $0xb8;
	[tilespmem:$0x1C200] =	vst v63  }
0x76: {  	_ =	swait.ge [sflag:s0], $0x4000  }
0x77: {  	[sflag:s0] =	ssyncset.done $0x0  }
.Ltmp1:
0x78: {  	[sflag:s0] =	ssyncadd.s32 $0xFFFFC000;
	(pc) =	sbr.rel @p0 .LBB2_4-.Ltmp1, $4  }
0x79: {  	[spmem:s1] =	stream.indirect.scatter.add.f32 [tilespmem:s25], [sflag:$0x5], $0x80, s2, s30, $0xb8;
	[tilespmem:$0x1C200] =	vst v63  }
0x7a: {  	_ =	swait.ge [sflag:s17], $0x4000  }
0x7b: {  	[sflag:s17] =	ssyncset.done $0x0  }
0x7c: {  	s9 =	sadd.s32 s9, s14;
	[sflag:s17] =	ssyncadd.s32 $0xFFFFC000  }
0x7d: {  	[tilespmem:s19], [sflag:$0x2] =	stream.linear.gather [hbm4b:s9+s3], $0x100, $0x38;
	[tilespmem:$0x1C200] =	vst v63  }
0x7e: {  	_ =	swait.ge [sflag:s24], $0x100  }
0x7f: {  	[sflag:s24] =	ssyncset.done $0x0  }
0x80: {  	[sflag:s24] =	ssyncadd.s32 $0xFFFFFF00  }
0x81: {  	[tilespmem:s25], [sflag:$0x4] =	stream.indirect.gather [hbm4b:s4+s21], $0x80, s19, s21, $0xb8;
	[tilespmem:$0x1C200] =	vst v63  }
0x82: {  	_ = 	snop  }
0x83: {  	[tilespmem:s28], [sflag:$0x4] =	stream.indirect.gather [hbm4b:s4+s21], $0x80, s26, s21, $0xb8;
	[tilespmem:$0x1C200] =	vst v63  }
0x84: {  	_ =	swait.ge [sflag:s29], $0x4000  }
0x85: {  	[sflag:s29] =	ssyncset.done $0x0  }
0x86: {  	[sflag:s29] =	ssyncadd.s32 $0xFFFFC000  }
0x87: {  	[spmem:s1] =	stream.indirect.scatter.add.f32 [tilespmem:s16], [sflag:$0x5], $0x80, s31, s30, $0xb8;
	[tilespmem:$0x1C200] =	vst v63  }
0x88: {  	_ =	swait.ge [sflag:s17], $0x4000  }
0x89: {  	[sflag:s17] =	ssyncset.done $0x0  }
0x8a: {  	[sflag:s17] =	ssyncadd.s32 $0xFFFFC000  }
0x8b: {  	_ =	swait.ge [sflag:s0], $0x4000  }
0x8c: {  	[sflag:s0] =	ssyncset.done $0x0  }
0x8d: {  	[sflag:s0] =	ssyncadd.s32 $0xFFFFC000  }
0x8e: {  	[spmem:s1] =	stream.indirect.scatter.add.f32 [tilespmem:s25], [sflag:$0x5], $0x80, s2, s30, $0xb8;
	[tilespmem:$0x1C200] =	vst v63  }
0x8f: {  	_ =	swait.ge [sflag:s17], $0x4000  }
0x90: {  	[sflag:s17] =	ssyncset.done $0x0  }
0x91: {  	s8 =	stileid.u32;
	[sflag:s17] =	ssyncadd.s32 $0xFFFFC000  }
0x92: {  	s8 =	sshll.u32 s8, $0x6;
	[bflag:$0x0] =	sbarrier.arrive $0xFFFF  }
0x93: {  	s9 =	sshrl.u32 s5, $0x3;
	s8 =	sor.u32 $0x1C05, s8;
	s10 =	rddreg [dreg:$0x4]  }
0x94: {  	[hbm:s10], [sflag:s8] =	dma.local [spmem:s9], $0x2800  }
0x95: {  	_ =	swait.ge [sflag:s17], $0x2800  }
0x96: {  	s7 =	sadd.s32 $0x1, s7;
	s10 =	rddreg [dreg:$0x5]  }
0x97: {  	p0 =	sne.s32 s7, s10  }
.Ltmp2:
0x98: {  	_ = 	snop;
	(pc) =	sbr.rel @p0 .LBB2_1-.Ltmp2, $3  }
0x99: {  	_ =	sdelay $0x1  }
0x9a: {  	[sflag:s17] =	ssyncset.done $0x0  }
0x9b: {  	[sflag:s17] =	ssyncadd.s32 $0xFFFFD800  }
0x9c: {  	_ =	sfence.sel $0x180000  }
0x9d: {  	[bflag:$0x0] =	sbarrier.arrive $0xFFFF  }
0x9e: {  	_ =	strace $0x9000004D  }
0x9f: {  	s0 =	stileid.u32;
	[bflag:$0x2] =	sbarrier.arrive $0xFFFF  }
0xa0: {  	p0 =	sne.s32 s0, $0x0;
	s0 =	rddreg [dreg:$0x2]  }
0xa1: {  	s0 =	sadd.s32 @!p0 $0x100000, s0  }
0xa2: {  	[sflag:s0] =	ssyncadd.tile.s32 @!p0 $0x1;
	_ =	shalt  }
.Lfunc_end2:
_tile_overlayer_lowered:
.L_overlay_start_2:
0xa3: {  	(tag) =	ssettag $0x2  }
0xa4: {  	s0 =	rddreg [dreg:$0x0];
	s2 =	stileid.u32  }
0xa5: {  	s1 =	rddreg [dreg:$0x1];
	p0 =	sne.s32 s2, $0x0  }
0xa6: {  	s3 =	rddreg [dreg:$0x2];
	[bflag:$0x3] =	sbarrier.arrive $0xFFFF;
	s2 =	simm.s32 @!p0 $0x1C05  }
0xa7: {  	[timem:s3], [sflag:s2] =	dma.local @!p0 [hbm:s0], s1  }
0xa8: {  	s0 =	simm.s32 @!p0 $0x5  }
0xa9: {  	_ =	swait.ge @!p0 [sflag:s0], s1  }
0xaa: {  	s1 =	ssub.s32 @!p0 $0x0, s1;
	[sflag:s0] =	ssyncset.done @!p0 $0x0  }
0xab: {  	[sflag:s0] =	ssyncadd.s32 @!p0 s1  }
0xac: {  	[bflag:$0x3] =	sbarrier.arrive $0xFFFF  }
0xad: {  	_ =	shalt  }

// kernel: kernel.8.cloned.1.call-start
scs
__scs_entry_jumppad:
0x0: {  	(pc) =	sbr.rel $0x88, $3  }
0x1: {  	(tag) =	ssettag $0x0;
	lr =	simm.s32 $0x1  }
0x2: {  	[smem:$0x3F95] =	sst lr;
	_ =	strace $0xD0000000  }
0x3: {  	_ = 	snop  }
0x4: {  	_ = 	snop  }
0x5: {  	_ = 	snop  }
0x6: {  	_ = 	snop  }
0x7: {  	_ = 	snop  }
__scs_overlays_trampoline_lowered:
0x8: {  	[smem:$0x3FA4] =	sst s0  }
0x9: {  	[smem:$0x3FA5] =	sst s1  }
0xa: {  	[smem:$0x3FA6] =	sst s2  }
0xb: {  	[smem:$0x3FA7] =	sst s3  }
0xc: {  	[smem:$0x3FA8] =	sst s4  }
0xd: {  	[smem:$0x3FA9] =	sst s5  }
0xe: {  	[smem:$0x3FAA] =	sst s6  }
0xf: {  	[smem:$0x3FAB] =	sst s7  }
0x10: {  	[smem:$0x3FAC] =	sst s8  }
0x11: {  	[smem:$0x3FAD] =	sst s9;
	s0 =	simm.s32 @!p0 $0x0  }
0x12: {  	s1 =	sld [smem:$0x3F93];
	s0 =	simm.s32 @p0 $0x1  }
0x13: {  	[smem:$0x3FAE] =	sst s0;
	s0 =	simm.s32 @!p1 $0x0  }
0x14: {  	s2 =	sld [smem:$0x3F92];
	s0 =	simm.s32 @p1 $0x1  }
0x15: {  	[smem:$0x3FAF] =	sst s0;
	s0 =	simm.s32 @!p2 $0x0  }
0x16: {  	s3 =	sld [smem:$0x3FDB];
	s0 =	simm.s32 @p2 $0x1  }
0x17: {  	s4 =	simm.s32 $0x1BF5;
	[smem:$0x3FB1] =	sst s0  }
0x18: {  	s0 =	sld [smem:$0x3F94];
	_ =	swait.ge [sflag:s4], $0x0  }
0x19: {  	s7 =	sld [smem:$0x3F95]  }
0x1a: {  	s8 =	sadd.s32 $0xFFFFE003, lr  }
0x1b: {  	s9 =	sadd.s32 $0xFFFFFEF7, lr;
	s5 =	simm.s32 $0xFFFFFFFF;
	p2 =	slt.u32 s8, $0xFFFFF086  }
0x1c: {  	p1 =	slt.u32 s9, $0xF7A;
	s5 =	simm.s32 @!p2 $0x0  }
0x1d: {  	s5 =	simm.s32 @p1 $0x1;
	p0 =	seq.s32 s7, s2  }
0x1e: {  	s7 =	smul.u32 @!p0 $0xF7A, s2;
	p2 =	seq.s32 @!p0 s5, $0x0  }
0x1f: {  	s9 =	smul.u32 $0xF7A, s1;
	s8 =	simm.s32 @!p0 $0x1BF5;
	p2 =	por !p2, p0  }
0x20: {  	[sflag:s8] =	ssyncset.s32 @!p0 $0xFFFFF086;
	s6 =	sadd.s32 @!p0 s3, s7;
	s7 =	simm.s32 @!p0 $0x108  }
0x21: {  	s3 =	sadd.s32 s3, s9;
	s6 =	sadd.s32 @!p0 $0x88, s6;
	s7 =	simm.s32 @p2 $0x1082  }
0x22: {  	[simem:s7], [sflag:s8] =	dma.local @!p0 [hbm:s6], $0xF7A  }
0x23: {  	s9 =	sor.u32 $0xD0000000, s2;
	s6 =	simm.s32 $0x108;
	_ =	swait.ge @!p0 [sflag:s8], $0x0  }
0x24: {  	s3 =	sadd.s32 $0x88, s3;
	s6 =	simm.s32 @!p1 $0x1082;
	[sflag:s4] =	ssyncset.s32 $0xFFFFF086  }
0x25: {  	[simem:s6], [sflag:s4] =	dma.local [hbm:s3], $0xF7A  }
0x26: {  	[smem:$0x3F95] =	sst s1;
	(tag) =	ssettag s2;
	_ =	strace s9  }
0x27: {  	s1 =	sld [smem:$0x3FA5]  }
0x28: {  	s2 =	sld [smem:$0x3FA6]  }
0x29: {  	s4 =	sld [smem:$0x3FA8]  }
0x2a: {  	p0 =	seq.s32 s5, $0x0;
	s5 =	sld [smem:$0x3FA9]  }
0x2b: {  	s6 =	sld [smem:$0x3FAA]  }
0x2c: {  	s7 =	sld [smem:$0x3FAB]  }
0x2d: {  	s3 =	simm.s32 $0x108;
	s8 =	sld [smem:$0x3FAC]  }
0x2e: {  	s3 =	simm.s32 @!p0 $0x1082;
	s9 =	sld [smem:$0x3FAD]  }
0x2f: {  	lr =	sadd.s32 s0, s3;
	s0 =	sld [smem:$0x3FA4]  }
0x30: {  	s3 =	sld [smem:$0x3FA7]  }
0x31: {  	[smem:$0x3FB0] =	sst s10  }
0x32: {  	s10 =	sld [smem:$0x3FAE];
	_ =	sdelay $0x3  }
0x33: {  	p0 =	seq.s32 s10, $0x1;
	s10 =	sld [smem:$0x3FB0];
	_ =	sdelay $0x3  }
0x34: {  	[smem:$0x3FB0] =	sst s10  }
0x35: {  	s10 =	sld [smem:$0x3FAF];
	_ =	sdelay $0x3  }
0x36: {  	p1 =	seq.s32 s10, $0x1;
	s10 =	sld [smem:$0x3FB0];
	_ =	sdelay $0x3  }
0x37: {  	[smem:$0x3FB0] =	sst s10  }
0x38: {  	s10 =	sld [smem:$0x3FB1]  }
0x39: {  	_ = 	snop;
	(pc) =	sbr.ind lr, $3  }
0x3a: {  	_ = 	snop  }
0x3b: {  	_ = 	snop  }
0x3c: {  	p2 =	seq.s32 s10, $0x1;
	s10 =	sld [smem:$0x3FB0]  }
0x3d: {  	_ =	shalt  }
0x3e: {  	_ =	shalt  }
0x3f: {  	_ =	shalt  }
0x40: {  	_ =	shalt  }
0x41: {  	_ =	shalt  }
0x42: {  	_ =	shalt  }
0x43: {  	_ =	shalt  }
0x44: {  	_ =	shalt  }
0x45: {  	_ =	shalt  }
0x46: {  	_ =	shalt  }
0x47: {  	_ =	shalt  }
0x48: {  	_ =	shalt  }
0x49: {  	_ =	shalt  }
0x4a: {  	_ =	shalt  }
0x4b: {  	_ =	shalt  }
0x4c: {  	_ =	shalt  }
0x4d: {  	_ =	shalt  }
0x4e: {  	_ =	shalt  }
0x4f: {  	_ =	shalt  }
0x50: {  	_ =	shalt  }
0x51: {  	_ =	shalt  }
0x52: {  	_ =	shalt  }
0x53: {  	_ =	shalt  }
0x54: {  	_ =	shalt  }
0x55: {  	_ =	shalt  }
0x56: {  	_ =	shalt  }
0x57: {  	_ =	shalt  }
0x58: {  	_ =	shalt  }
0x59: {  	_ =	shalt  }
0x5a: {  	_ =	shalt  }
0x5b: {  	_ =	shalt  }
0x5c: {  	_ =	shalt  }
0x5d: {  	_ =	shalt  }
0x5e: {  	_ =	shalt  }
0x5f: {  	_ =	shalt  }
0x60: {  	_ =	shalt  }
0x61: {  	_ =	shalt  }
0x62: {  	_ =	shalt  }
0x63: {  	_ =	shalt  }
0x64: {  	_ =	shalt  }
0x65: {  	_ =	shalt  }
0x66: {  	_ =	shalt  }
0x67: {  	_ =	shalt  }
0x68: {  	_ =	shalt  }
0x69: {  	_ =	shalt  }
0x6a: {  	_ =	shalt  }
0x6b: {  	_ =	shalt  }
0x6c: {  	_ =	shalt  }
0x6d: {  	_ =	shalt  }
0x6e: {  	_ =	shalt  }
0x6f: {  	_ =	shalt  }
0x70: {  	_ =	shalt  }
0x71: {  	_ =	shalt  }
0x72: {  	_ =	shalt  }
0x73: {  	_ =	shalt  }
0x74: {  	_ =	shalt  }
0x75: {  	_ =	shalt  }
0x76: {  	_ =	shalt  }
0x77: {  	_ =	shalt  }
0x78: {  	_ =	shalt  }
0x79: {  	_ =	shalt  }
0x7a: {  	_ =	shalt  }
0x7b: {  	_ =	shalt  }
0x7c: {  	_ =	shalt  }
0x7d: {  	_ =	shalt  }
0x7e: {  	_ =	shalt  }
0x7f: {  	_ =	shalt  }
0x80: {  	_ =	shalt  }
0x81: {  	_ =	shalt  }
0x82: {  	_ =	shalt  }
0x83: {  	_ =	shalt  }
0x84: {  	_ =	shalt  }
0x85: {  	_ =	shalt  }
0x86: {  	_ =	shalt  }
0x87: {  	_ =	shalt  }
.Lfunc_end0:
.L_simem_size_0:
called_computation_lowered:
.L_overlay_start_0:
0x88: {  	s2 =	sld [smem:$0x3FD9]  }
0x89: {  	s3 =	sld [smem:$0x3FFE];
	_ =	sdelay $0x1  }
0x8a: {  	s1 =	srdreg.scid  }
0x8b: {  	s0 =	sand.u32 $0x1, s1  }
0x8c: {  	s17 =	sshll.u32 s0, $0xA;
	s2 =	sadd.s32 s3, s2  }
0x8d: {  	s2 =	sadd.s32 s2, s17  }
0x8e: {  	[smem:$0x3FBC] =	sst s2  }
0x8f: {  	_ = 	snop  }
0x90: {  	s2 =	sld [smem:$0x3FC9];
	(tm) =	ssettm $0x1  }
0x91: {  	s18 =	sld [smem:$0x3FFB];
	_ =	sdelay $0x3  }
0x92: {  	_ =	strace s18  }
0x93: {  	s3 =	sld [smem:$0x3FFC];
	_ =	sdelay $0x3  }
0x94: {  	_ =	strace s3  }
0x95: {  	s3 =	sld [smem:$0x3FFD];
	_ =	sdelay $0x3  }
0x96: {  	_ =	strace s3  }
0x97: {  	_ =	strace $0x8FFFFFFF  }
0x98: {  	s19 =	sld [smem:$0x3FDB];
	_ =	sdelay $0x1  }
0x99: {  	s4 =	simm.s32 $_scs_section_size  }
0x9a: {  	s5 =	simm.s32 $_size__tile_overlayer_lowered;
	s6 =	simm.s32 $_tile_overlayer_lowered  }
0x9b: {  	s22 =	simm.s32 $0x1BFF;
	s21 =	sshll.u32 s6, $0x1;
	s3 =	sadd.s32 s4, s19  }
0x9c: {  	s7 =	simm.s32 $0x0;
	s20 =	sshll.u32 s5, $0x1;
	s5 =	sadd.s32 s21, s3  }
0x9d: {  	[timem:s7], [sflag:s22] =	dma.local [hbm:s5], s20  }
0x9e: {  	_ =	swait.ge [sflag:s22], s20  }
0x9f: {  	s4 =	ssub.s32 $0x0, s20;
	[sflag:s22] =	ssyncset.done $0x0  }
0xa0: {  	[sflag:s22] =	ssyncadd.s32 s4;
	_ =	sdelay $0x1  }
0xa1: {  	s23 =	simm.s32 $0x1B8B  }
0xa2: {  	_ =	swait.ge [sflag:s23], $0x1  }
0xa3: {  	[sflag:s23] =	ssyncset.done $0x0  }
0xa4: {  	s25 =	simm.s32 $0x1B8E;
	s24 =	sld [smem:$0x3FFE];
	[sflag:s23] =	ssyncadd.s32 $0xFFFFFFFF  }
0xa5: {  	s26 =	simm.s32 $execute0_lowered;
	[smem:$0x3FD2] =	sst s25  }
0xa6: {  	s5 =	sshll.u32 s26, $0x1;
	_ =	strace $0x80000046;
	[dreg:$0x1] =	wrdreg $0xFFFFFFFF  }
0xa7: {  	s28 =	simm.s32 $_size_execute0_lowered;
	s3 =	sadd.s32 s3, s5;
	[dreg:$0x0] =	wrdreg $0x0  }
0xa8: {  	s5 =	sshll.u32 s28, $0x1;
	[dreg:$0x2] =	wrdreg s3  }
0xa9: {  	[dreg:$0x3] =	wrdreg s5  }
0xaa: {  	[dreg:$0x4] =	wrdreg $0xC0  }
0xab: {  	_ =	task [dreg:s7], $0x5FFFF  }
0xac: {  	[dreg:$0x1] =	wrdreg $0xFFFFFFFF  }
0xad: {  	[dreg:$0x0] =	wrdreg $0x60  }
0xae: {  	[dreg:$0x2] =	wrdreg s2  }
0xaf: {  	[dreg:$0x3] =	wrdreg s24  }
0xb0: {  	[dreg:$0x4] =	wrdreg $0x0  }
0xb1: {  	[dreg:$0x5] =	wrdreg $0x9  }
0xb2: {  	_ =	task.clear_ibuf [dreg:s7], $0x6FFFF;
	_ =	strace $0x90000046  }
0xb3: {  	s29 =	simm.s32 $0x9;
	_ =	strace $0x80000048  }
0xb4: {  	_ =	swait.ge [sflag:s29], $0x1  }
0xb5: {  	[sflag:s29] =	ssyncadd.s32 $0xFFFFFFFF  }
0xb6: {  	_ =	strace $0x90000048  }
0xb7: {  	_ =	sfence  }
0xb8: {  	s30 =	sld [smem:$0x0];
	_ =	sdelay $0x2  }
0xb9: {  	s31 =	sshll.u32 s1, $0xD;
	s1 =	sshrl.u32 s1, $0x2  }
0xba: {  	s3 =	sand.u32 $0x4000, s31;
	s1 =	sadd.s32 s1, s30  }
0xbb: {  	s0 =	sor.u32 s3, s0;
	s1 =	sshll.u32 s1, $0x11  }
0xbc: {  	s0 =	sor.u32 s1, s0  }
0xbd: {  	s0 =	sadd.s32 $0x8F2B, s0  }
0xbe: {  	[sflag:s0] =	ssyncadd.remote.s32 $0x1  }
0xbf: {  	_ =	sfence.sel $0xFFFF  }
0xc0: {  	[dreg:$0x0] =	wrdreg $0xFFFFFFFF;
	(pc) =	sbr.abs _section_cstart, $3  }
0xc1: {  	[dreg:$0x1] =	wrdreg $0xFFFFFFFF  }
0xc2: {  	_ =	task.clear_ibuf [dreg:s7], $0x2FFFF;
	_ =	strace $0x9FFFFFFF  }
0xc3: {  	(tm) =	ssettm $0x7FFFFFFF  }
tec
execute0_lowered:
.L_overlay_start_1:
0x0: {  	(tag) =	ssettag $0x1  }
0x1: {  	s1 =	rddreg [dreg:$0x0]  }
0x2: {  	s0 =	rddreg [dreg:$0x1]  }
0x3: {  	s2 =	rddreg [dreg:$0x2];
	s3 =	srdreg.scid  }
0x4: {  	s4 =	simm.s32 $0x0;
	s10 =	stileid.u32;
	s16 =	simm.s32 $0x14200  }
0x5: {  	s17 =	simm.s32 $0x5;
	s18 =	simm.s32 $0x14000;
	s19 =	simm.s32 $0x14100  }
0x6: {  	s28 =	simm.s32 $0x1A200;
	s29 =	simm.s32 $0x3;
	s30 =	simm.s32 $0x80  }
0x7: {  	s31 =	simm.s32 $0x14080;
	s3 =	sand.u32 $0x1, s3;
	s6 =	smul.u32 $0x14000, s10  }
0x8: {  	[smem:$0x7FF] =	sst s4;
	s21 =	smul.u32 $0x50000, s10;
	s8 =	sadd.s32 $0x4200, s0  }
0x9: {  	s5 =	smul.u32 $0x140000, s3;
	_ =	strace $0x80000047;
	s7 =	sshll.u32 s3, $0x4  }
0xa: {  	s22 =	ssub.s32 $0x2, s3;
	s3 =	smul.u32 $0x500, s3;
	s20 =	sor.u32 s10, s7  }
0xb: {  	s9 =	sshrl.u32 s22, $0x1;
	s7 =	sshrl.u32 s21, $0x2;
	s10 =	smul.u32 $0x50, s10  }
0xc: {  	s21 =	simm.s32 $0x40;
	s5 =	sadd.s32 s6, s5;
	s6 =	smul.u32 $0xA00, s20  }
0xd: {  	s9 =	ssub.s32 s22, s9;
	s20 =	simm.s32 $0x1;
	s22 =	simm.s32 $0x14040  }
0xe: {  	s5 =	sshrl.u32 s5, $0x3;
	s24 =	sadd.s32 s10, s3;
	s25 =	smax.u32 s9, $0x1  }
0xf: {  	s3 =	simm.s32 $0x14180;
	s0 =	sadd.s32 s5, s0;
	s5 =	sadd.s32 s7, s2  }
0x10: {  	s6 =	sadd.s32 s8, s6;
	[dreg:$0x6] =	wrdreg s25;
	s25 =	simm.s32 $0x18200  }
0x11: {  	s7 =	simm.s32 $0x0;
	s23 =	sadd.s32 $0x20, s6;
	s0 =	sadd.s32 $0x18200, s0  }
0x12: {  	s26 =	sadd.s32 $0x4000, s5;
	s11 =	sadd.s32 $0x8000, s5;
	[dreg:$0x4] =	wrdreg s23  }
0x13: {  	s12 =	sadd.s32 $0xC000, s5;
	s13 =	sadd.s32 $0x10000, s5;
	[dreg:$0x5] =	wrdreg s0  }
0x14: {  	[dreg:$0x7] =	wrdreg s26;
	s0 =	sshll.u32 s24, $0x5;
	s23 =	simm.s32 $0x16200  }
0x15: {  	s24 =	simm.s32 $0x2;
	s26 =	simm.s32 $0x14140;
	s0 =	sadd.s32 s0, s8  }
0x16: {  	v0 =	vimm.f32 $0.0e+00;
	s14 =	sadd.s32 $0x60, s0;
	s15 =	sadd.s32 $0x40, s0;
	s0 =	simm.s32 $0x4  }
.LBB2_1:
0x17: {  	s8 =	simm.s32 $0x0;
	s9 =	simm.s32 $0x200  }
.LBB2_2:
0x18: {  	p0 =	sne.s32 s9, $0xFE00;
	[tilespmem:s8+$0x14270] =	vst v0  }
0x19: {  	[tilespmem:s8+$0x14200] =	vst v0  }
0x1a: {  	[tilespmem:s8+$0x14210] =	vst v0  }
.Ltmp0:
0x1b: {  	[tilespmem:s8+$0x14220] =	vst v0;
	(pc) =	sbr.rel @p0 .LBB2_2-.Ltmp0, $4  }
0x1c: {  	[tilespmem:s8+$0x14230] =	vst v0  }
0x1d: {  	[tilespmem:s8+$0x14240] =	vst v0  }
0x1e: {  	[tilespmem:s8+$0x14250] =	vst v0  }
0x1f: {  	[tilespmem:s8+$0x14260] =	vst v0;
	s8 =	sshra.s32 s9, $0x2;
	s9 =	sadd.s32 $0x200, s9  }
0x20: {  	[tilespmem:s8+$0x14270] =	vst v0  }
0x21: {  	[tilespmem:s8+$0x14200] =	vst v0  }
0x22: {  	[tilespmem:s8+$0x14210] =	vst v0  }
0x23: {  	[tilespmem:s8+$0x14220] =	vst v0  }
0x24: {  	[tilespmem:s8+$0x14230] =	vst v0  }
0x25: {  	[tilespmem:s8+$0x14240] =	vst v0  }
0x26: {  	[tilespmem:s8+$0x14250] =	vst v0  }
0x27: {  	[tilespmem:s8+$0x14260] =	vst v0  }
0x28: {  	[spmem:s5] =	stream.linear.scatter [tilespmem:s16], [sflag:$0x5], $0x4000, $0x38;
	[tilespmem:$0x1C200] =	vst v63  }
0x29: {  	_ =	swait.ge [sflag:s17], $0x4000  }
0x2a: {  	[sflag:s17] =	ssyncset.done $0x0  }
0x2b: {  	s9 =	rddreg [dreg:$0x7];
	[sflag:s17] =	ssyncadd.s32 $0xFFFFC000  }
0x2c: {  	[spmem:s9] =	stream.linear.scatter [tilespmem:s16], [sflag:$0x5], $0x4000, $0x38;
	[tilespmem:$0x1C200] =	vst v63  }
0x2d: {  	_ =	swait.ge [sflag:s17], $0x4000  }
0x2e: {  	[sflag:s17] =	ssyncset.done $0x0  }
0x2f: {  	[sflag:s17] =	ssyncadd.s32 $0xFFFFC000  }
0x30: {  	[spmem:s11] =	stream.linear.scatter [tilespmem:s16], [sflag:$0x5], $0x4000, $0x38;
	[tilespmem:$0x1C200] =	vst v63  }
0x31: {  	_ =	swait.ge [sflag:s17], $0x4000  }
0x32: {  	[sflag:s17] =	ssyncset.done $0x0  }
0x33: {  	[sflag:s17] =	ssyncadd.s32 $0xFFFFC000  }
0x34: {  	[spmem:s12] =	stream.linear.scatter [tilespmem:s16], [sflag:$0x5], $0x4000, $0x38;
	[tilespmem:$0x1C200] =	vst v63  }
0x35: {  	_ =	swait.ge [sflag:s17], $0x4000  }
0x36: {  	[sflag:s17] =	ssyncset.done $0x0  }
0x37: {  	[sflag:s17] =	ssyncadd.s32 $0xFFFFC000  }
0x38: {  	[spmem:s13] =	stream.linear.scatter [tilespmem:s16], [sflag:$0x5], $0x4000, $0x38;
	[tilespmem:$0x1C200] =	vst v63  }
0x39: {  	_ =	swait.ge [sflag:s17], $0x4000  }
0x3a: {  	[sflag:s17] =	ssyncset.done $0x0  }
0x3b: {  	[sflag:s17] =	ssyncadd.s32 $0xFFFFC000  }
0x3c: {  	s10 =	simm.s32 $0x0;
	[bflag:$0x0] =	sbarrier.arrive $0xFFFF  }
0x3d: {  	[tilespmem:s18], [sflag:$0x1] =	stream.linear.gather [hbm4b:s6+s10], $0x100, $0x38;
	[tilespmem:$0x1C200] =	vst v63  }
0x3e: {  	s9 =	rddreg [dreg:$0x4]  }
0x3f: {  	[tilespmem:s19], [sflag:$0x2] =	stream.linear.gather [hbm4b:s9+s10], $0x100, $0x38;
	[tilespmem:$0x1C200] =	vst v63  }
0x40: {  	_ =	swait.ge [sflag:s20], $0x100  }
0x41: {  	[sflag:s20] =	ssyncset.done $0x0  }
0x42: {  	[sflag:s20] =	ssyncadd.s32 $0xFFFFFF00  }
0x43: {  	[tilespmem:s16], [sflag:$0x3] =	stream.indirect.gather [hbm4b:s1+s21], $0x80, s18, s21, $0xb8;
	[tilespmem:$0x1C200] =	vst v63  }
0x44: {  	_ = 	snop  }
0x45: {  	[tilespmem:s23], [sflag:$0x3] =	stream.indirect.gather [hbm4b:s1+s21], $0x80, s22, s21, $0xb8;
	[tilespmem:$0x1C200] =	vst v63  }
0x46: {  	_ =	swait.ge [sflag:s24], $0x100  }
0x47: {  	[sflag:s24] =	ssyncset.done $0x0  }
0x48: {  	[sflag:s24] =	ssyncadd.s32 $0xFFFFFF00  }
0x49: {  	[tilespmem:s25], [sflag:$0x4] =	stream.indirect.gather [hbm4b:s1+s21], $0x80, s19, s21, $0xb8;
	[tilespmem:$0x1C200] =	vst v63  }
0x4a: {  	_ = 	snop  }
0x4b: {  	[tilespmem:s28], [sflag:$0x4] =	stream.indirect.gather [hbm4b:s1+s21], $0x80, s26, s21, $0xb8;
	[tilespmem:$0x1C200] =	vst v63  }
0x4c: {  	_ =	swait.ge [sflag:s29], $0x4000  }
0x4d: {  	[sflag:s29] =	ssyncset.done $0x0  }
0x4e: {  	[sflag:s29] =	ssyncadd.s32 $0xFFFFC000  }
0x4f: {  	[spmem:s2] =	stream.indirect.scatter.add.f32 [tilespmem:s16], [sflag:$0x5], $0x80, s31, s30, $0xb8;
	[tilespmem:$0x1C200] =	vst v63  }
0x50: {  	_ =	swait.ge [sflag:s17], $0x4000  }
0x51: {  	[sflag:s17] =	ssyncset.done $0x0  }
0x52: {  	s10 =	sadd.s32 $0x0, s15;
	[sflag:s17] =	ssyncadd.s32 $0xFFFFC000  }
0x53: {  	[tilespmem:s18], [sflag:$0x1] =	stream.linear.gather [hbm4b:s10+s4], $0x100, $0x38;
	[tilespmem:$0x1C200] =	vst v63  }
0x54: {  	_ =	swait.ge [sflag:s20], $0x100  }
0x55: {  	[sflag:s20] =	ssyncset.done $0x0  }
0x56: {  	[sflag:s20] =	ssyncadd.s32 $0xFFFFFF00  }
0x57: {  	[tilespmem:s16], [sflag:$0x3] =	stream.indirect.gather [hbm4b:s1+s21], $0x80, s18, s21, $0xb8;
	[tilespmem:$0x1C200] =	vst v63  }
0x58: {  	_ = 	snop  }
0x59: {  	[tilespmem:s23], [sflag:$0x3] =	stream.indirect.gather [hbm4b:s1+s21], $0x80, s22, s21, $0xb8;
	[tilespmem:$0x1C200] =	vst v63  }
0x5a: {  	_ =	swait.ge [sflag:s0], $0x4000  }
0x5b: {  	[sflag:s0] =	ssyncset.done $0x0  }
0x5c: {  	[sflag:s0] =	ssyncadd.s32 $0xFFFFC000  }
0x5d: {  	[spmem:s2] =	stream.indirect.scatter.add.f32 [tilespmem:s25], [sflag:$0x5], $0x80, s3, s30, $0xb8;
	[tilespmem:$0x1C200] =	vst v63  }
0x5e: {  	_ =	swait.ge [sflag:s17], $0x4000  }
0x5f: {  	[sflag:s17] =	ssyncset.done $0x0  }
0x60: {  	s8 =	simm.s32 $0x40;
	s9 =	sadd.s32 $0x0, s14;
	[sflag:s17] =	ssyncadd.s32 $0xFFFFC000  }
.LBB2_4:
0x61: {  	[tilespmem:s19], [sflag:$0x2] =	stream.linear.gather [hbm4b:s9+s4], $0x100, $0x38;
	[tilespmem:$0x1C200] =	vst v63  }
0x62: {  	s9 =	smov.u32 s8  }
0x63: {  	p0 =	sne.s32 s8, $0x980;
	s8 =	sadd.s32 $0x40, s8;
	_ =	swait.ge [sflag:s24], $0x100  }
0x64: {  	[sflag:s24] =	ssyncset.done $0x0  }
0x65: {  	[sflag:s24] =	ssyncadd.s32 $0xFFFFFF00  }
0x66: {  	[tilespmem:s25], [sflag:$0x4] =	stream.indirect.gather [hbm4b:s1+s21], $0x80, s19, s21, $0xb8;
	[tilespmem:$0x1C200] =	vst v63  }
0x67: {  	_ = 	snop  }
0x68: {  	[tilespmem:s28], [sflag:$0x4] =	stream.indirect.gather [hbm4b:s1+s21], $0x80, s26, s21, $0xb8;
	[tilespmem:$0x1C200] =	vst v63  }
0x69: {  	_ =	swait.ge [sflag:s29], $0x4000  }
0x6a: {  	[sflag:s29] =	ssyncset.done $0x0  }
0x6b: {  	[sflag:s29] =	ssyncadd.s32 $0xFFFFC000  }
0x6c: {  	[spmem:s2] =	stream.indirect.scatter.add.f32 [tilespmem:s16], [sflag:$0x5], $0x80, s31, s30, $0xb8;
	[tilespmem:$0x1C200] =	vst v63  }
0x6d: {  	_ =	swait.ge [sflag:s17], $0x4000  }
0x6e: {  	[sflag:s17] =	ssyncset.done $0x0  }
0x6f: {  	s10 =	sadd.s32 s9, s15;
	[sflag:s17] =	ssyncadd.s32 $0xFFFFC000  }
0x70: {  	[tilespmem:s18], [sflag:$0x1] =	stream.linear.gather [hbm4b:s10+s4], $0x100, $0x38;
	[tilespmem:$0x1C200] =	vst v63  }
0x71: {  	_ =	swait.ge [sflag:s20], $0x100  }
0x72: {  	[sflag:s20] =	ssyncset.done $0x0  }
0x73: {  	[sflag:s20] =	ssyncadd.s32 $0xFFFFFF00  }
0x74: {  	[tilespmem:s16], [sflag:$0x3] =	stream.indirect.gather [hbm4b:s1+s21], $0x80, s18, s21, $0xb8;
	[tilespmem:$0x1C200] =	vst v63  }
0x75: {  	_ = 	snop  }
0x76: {  	[tilespmem:s23], [sflag:$0x3] =	stream.indirect.gather [hbm4b:s1+s21], $0x80, s22, s21, $0xb8;
	[tilespmem:$0x1C200] =	vst v63  }
0x77: {  	_ =	swait.ge [sflag:s0], $0x4000  }
0x78: {  	[sflag:s0] =	ssyncset.done $0x0  }
.Ltmp1:
0x79: {  	[sflag:s0] =	ssyncadd.s32 $0xFFFFC000;
	(pc) =	sbr.rel @p0 .LBB2_4-.Ltmp1, $4  }
0x7a: {  	[spmem:s2] =	stream.indirect.scatter.add.f32 [tilespmem:s25], [sflag:$0x5], $0x80, s3, s30, $0xb8;
	[tilespmem:$0x1C200] =	vst v63  }
0x7b: {  	_ =	swait.ge [sflag:s17], $0x4000  }
0x7c: {  	[sflag:s17] =	ssyncset.done $0x0  }
0x7d: {  	s9 =	sadd.s32 s9, s14;
	[sflag:s17] =	ssyncadd.s32 $0xFFFFC000  }
0x7e: {  	[tilespmem:s19], [sflag:$0x2] =	stream.linear.gather [hbm4b:s9+s4], $0x100, $0x38;
	[tilespmem:$0x1C200] =	vst v63  }
0x7f: {  	_ =	swait.ge [sflag:s24], $0x100  }
0x80: {  	[sflag:s24] =	ssyncset.done $0x0  }
0x81: {  	[sflag:s24] =	ssyncadd.s32 $0xFFFFFF00  }
0x82: {  	[tilespmem:s25], [sflag:$0x4] =	stream.indirect.gather [hbm4b:s1+s21], $0x80, s19, s21, $0xb8;
	[tilespmem:$0x1C200] =	vst v63  }
0x83: {  	_ = 	snop  }
0x84: {  	[tilespmem:s28], [sflag:$0x4] =	stream.indirect.gather [hbm4b:s1+s21], $0x80, s26, s21, $0xb8;
	[tilespmem:$0x1C200] =	vst v63  }
0x85: {  	_ =	swait.ge [sflag:s29], $0x4000  }
0x86: {  	[sflag:s29] =	ssyncset.done $0x0  }
0x87: {  	[sflag:s29] =	ssyncadd.s32 $0xFFFFC000  }
0x88: {  	[spmem:s2] =	stream.indirect.scatter.add.f32 [tilespmem:s16], [sflag:$0x5], $0x80, s31, s30, $0xb8;
	[tilespmem:$0x1C200] =	vst v63  }
0x89: {  	_ =	swait.ge [sflag:s17], $0x4000  }
0x8a: {  	[sflag:s17] =	ssyncset.done $0x0  }
0x8b: {  	[sflag:s17] =	ssyncadd.s32 $0xFFFFC000  }
0x8c: {  	_ =	swait.ge [sflag:s0], $0x4000  }
0x8d: {  	[sflag:s0] =	ssyncset.done $0x0  }
0x8e: {  	[sflag:s0] =	ssyncadd.s32 $0xFFFFC000  }
0x8f: {  	[spmem:s2] =	stream.indirect.scatter.add.f32 [tilespmem:s25], [sflag:$0x5], $0x80, s3, s30, $0xb8;
	[tilespmem:$0x1C200] =	vst v63  }
0x90: {  	_ =	swait.ge [sflag:s17], $0x4000  }
0x91: {  	[sflag:s17] =	ssyncset.done $0x0  }
0x92: {  	s8 =	stileid.u32;
	[sflag:s17] =	ssyncadd.s32 $0xFFFFC000  }
0x93: {  	s8 =	sshll.u32 s8, $0x6;
	[bflag:$0x0] =	sbarrier.arrive $0xFFFF  }
0x94: {  	s9 =	sshrl.u32 s5, $0x3;
	s8 =	sor.u32 $0x1C05, s8;
	s10 =	rddreg [dreg:$0x5]  }
0x95: {  	[hbm:s10], [sflag:s8] =	dma.local [spmem:s9], $0x2800  }
0x96: {  	_ =	swait.ge [sflag:s17], $0x2800  }
0x97: {  	s7 =	sadd.s32 $0x1, s7;
	s10 =	rddreg [dreg:$0x6]  }
0x98: {  	p0 =	sne.s32 s7, s10  }
.Ltmp2:
0x99: {  	_ = 	snop;
	(pc) =	sbr.rel @p0 .LBB2_1-.Ltmp2, $3  }
0x9a: {  	_ =	sdelay $0x1  }
0x9b: {  	[sflag:s17] =	ssyncset.done $0x0  }
0x9c: {  	[sflag:s17] =	ssyncadd.s32 $0xFFFFD800  }
0x9d: {  	_ =	sfence.sel $0x180000  }
0x9e: {  	[bflag:$0x0] =	sbarrier.arrive $0xFFFF  }
0x9f: {  	_ =	strace $0x90000047  }
0xa0: {  	s0 =	stileid.u32;
	[bflag:$0x2] =	sbarrier.arrive $0xFFFF  }
0xa1: {  	p0 =	sne.s32 s0, $0x0;
	s0 =	rddreg [dreg:$0x3]  }
0xa2: {  	s0 =	sadd.s32 @!p0 $0x100000, s0  }
0xa3: {  	[sflag:s0] =	ssyncadd.tile.s32 @!p0 $0x1;
	_ =	shalt  }
.Lfunc_end2:
_tile_overlayer_lowered:
.L_overlay_start_2:
0xa4: {  	(tag) =	ssettag $0x2  }
0xa5: {  	s0 =	rddreg [dreg:$0x0];
	s2 =	stileid.u32  }
0xa6: {  	s1 =	rddreg [dreg:$0x1];
	p0 =	sne.s32 s2, $0x0  }
0xa7: {  	s3 =	rddreg [dreg:$0x2];
	[bflag:$0x3] =	sbarrier.arrive $0xFFFF;
	s2 =	simm.s32 @!p0 $0x1C05  }
0xa8: {  	[timem:s3], [sflag:s2] =	dma.local @!p0 [hbm:s0], s1  }
0xa9: {  	s0 =	simm.s32 @!p0 $0x5  }
0xaa: {  	_ =	swait.ge @!p0 [sflag:s0], s1  }
0xab: {  	s1 =	ssub.s32 @!p0 $0x0, s1;
	[sflag:s0] =	ssyncset.done @!p0 $0x0  }
0xac: {  	[sflag:s0] =	ssyncadd.s32 @!p0 s1  }
0xad: {  	[bflag:$0x3] =	sbarrier.arrive $0xFFFF  }
0xae: {  	_ =	shalt  }

</sc_bundles>
